<compile_context>
chip_gen: v7x
topology: tpu7x:2x2x1
jax: 0.10.2.dev20260603
libtpu: 0.0.44.dev20260713+nightly
codegen_flags: <defaults>
</compile_context>

<pallas_src>
import dataclasses
import math

import jax
import jax.numpy as jnp
import numpy as np
from jax import lax
from jax.experimental import pallas as pl
from jax.experimental.pallas import tpu as pltpu
from jax.experimental.pallas import tpu_sc as plsc

D = 64
VOCAB = 1000000
SEQ = 200
B = 1024
N = SEQ * B
NW = 32
PER_W = N // NW
CH = 128
NCH = PER_W // CH
SCALE = 8.0

HOUR_OFF = 0
MIN_OFF = 24
WD_OFF = 28
MODE_OFF = 35
PE_OFF = 43
SV_ROWS = PE_OFF + SEQ


def _pos_encoding_np():
    den = np.exp(-np.arange(0, D, 2, dtype=np.float32) * (math.log(10000.0) / D))
    pos = np.arange(0, SEQ, dtype=np.float32).reshape(SEQ, 1)
    pe = np.zeros((SEQ, D), dtype=np.float32)
    pe[:, 0::2] = np.sin(pos * den)
    pe[:, 1::2] = np.cos(pos * den)
    return pe


_PE = _pos_encoding_np()


def _sc_kernel_body(idx_hbm, smalls_hbm, loc_hbm, out_hbm,
                    iball, cidxall, rows0, rows1, att0, att1,
                    sv, t2,
                    gsem0, gsem1, tsem0, tsem1, osem0, osem1):
    rows = (rows0, rows1)
    att = (att0, att1)
    gsem = (gsem0, gsem1)
    tsem = (tsem0, tsem1)
    osem = (osem0, osem1)

    sid = lax.axis_index("subcore")
    wid = sid * 2 + lax.axis_index("core")
    start = wid * PER_W

    pltpu.sync_copy(smalls_hbm, sv)

    for tloc in range(6):
        t = sid * 6 + tloc
        h = t // 4
        m = t % 4
        ttrow = [sv[HOUR_OFF + h, pl.ds(j * 16, 16)]
                 + sv[MIN_OFF + m, pl.ds(j * 16, 16)] for j in range(4)]

        @pl.loop(0, 56)
        def _(i):
            wd = i // 8
            mo = i % 8
            for j in range(4):
                sl = pl.ds(j * 16, 16)
                att0[i, sl] = (ttrow[j] + sv[WD_OFF + wd, sl]
                               + sv[MODE_OFF + mo, sl]) * SCALE

        pltpu.sync_copy(att0.at[pl.ds(0, 56)], t2.at[pl.ds(t * 56, 56)])

    pltpu.sync_copy(idx_hbm.at[:, pl.ds(start, PER_W)], iball)

    @pl.loop(0, PER_W // 16)
    def _(g):
        gsl = pl.ds(g * 16, 16)
        cidxall[gsl] = (iball[1, gsl] * 56 + iball[2, gsl] * 8
                        + iball[3, gsl])

    plsc.subcore_barrier()

    def fire_gathers(c, bi):
        lb = c * CH
        pltpu.make_async_copy(
            loc_hbm.at[iball.at[0, pl.ds(lb, CH)]], rows[bi], gsem[bi]).start()
        pltpu.make_async_copy(
            t2.at[cidxall.at[pl.ds(lb, CH)]], att[bi], tsem[bi]).start()

    def wait_gathers(bi):
        pltpu.make_async_copy(
            loc_hbm.at[iball.at[0, pl.ds(0, CH)]], rows[bi], gsem[bi]).wait()
        pltpu.make_async_copy(
            t2.at[cidxall.at[pl.ds(0, CH)]], att[bi], tsem[bi]).wait()

    def fire_out(c, bi):
        base = start + c * CH
        pltpu.make_async_copy(att[bi], out_hbm.at[pl.ds(base, CH)], osem[bi]).start()

    def wait_out(bi):
        pltpu.make_async_copy(att[bi], out_hbm.at[pl.ds(start, CH)], osem[bi]).wait()

    def compute_chunk(c, bi):
        s = (start + c * CH) // B
        pe_regs = [sv[PE_OFF + s, pl.ds(j * 16, 16)] for j in range(4)]
        rb = rows[bi]
        ab = att[bi]

        @pl.loop(0, CH, step=2)
        def _(e0):
            for de in range(2):
                e = e0 + de
                for j in range(4):
                    sl = pl.ds(j * 16, 16)
                    ab[e, sl] = rb[e, sl] * SCALE + ab[e, sl] + pe_regs[j]

    fire_gathers(0, 0)

    @pl.loop(0, NCH // 2)
    def _(i):
        for b01 in (0, 1):
            c = i * 2 + b01
            nb = 1 - b01
            wait_gathers(b01)

            @pl.when(c + 1 < NCH)
            def _():
                @pl.when(c >= 1)
                def _():
                    wait_out(nb)

                fire_gathers(c + 1, nb)

            compute_chunk(c, b01)
            fire_out(c, b01)

    wait_out(0)
    wait_out(1)


def kernel(src, time, weekday, mode, emb_loc_w, emb_mode_w, minute_w, hour_w, weekday_w):
    idx_packed = jnp.stack([
        src.reshape(-1).astype(jnp.int32),
        time.reshape(-1).astype(jnp.int32),
        weekday.reshape(-1).astype(jnp.int32),
        mode.reshape(-1).astype(jnp.int32),
    ])
    smalls = jnp.concatenate(
        [hour_w, minute_w, weekday_w, emb_mode_w, jnp.asarray(_PE)], axis=0
    )

    mesh = plsc.VectorSubcoreMesh(core_axis_name="core", subcore_axis_name="subcore")

    cp = pltpu.CompilerParams(use_tc_tiling_on_sc=False)
    if "needs_layout_passes" in pltpu.CompilerParams.__dataclass_fields__:
        cp = dataclasses.replace(cp, needs_layout_passes=False)

    run = pl.kernel(
        _sc_kernel_body,
        out_type=jax.ShapeDtypeStruct((N, D), jnp.float32),
        mesh=mesh,
        compiler_params=cp,
        scratch_types=[
            pltpu.VMEM((4, PER_W), jnp.int32),
            pltpu.VMEM((PER_W,), jnp.int32),
            pltpu.VMEM((CH, D), jnp.float32),
            pltpu.VMEM((CH, D), jnp.float32),
            pltpu.VMEM((CH, D), jnp.float32),
            pltpu.VMEM((CH, D), jnp.float32),
            pltpu.VMEM((SV_ROWS, D), jnp.float32),
            pltpu.VMEM_SHARED((96 * 56, D), jnp.float32),
        ] + [pltpu.SemaphoreType.DMA] * 6,
    )
    out = run(idx_packed, smalls, emb_loc_w)
    return out.reshape(SEQ, B, D)

# --- scband reference (transcript-rebuilt; emitter-appended) ---
"""Pipeline reference for scband-all-embedding-66090956751000 (READ-ONLY COPY).

The authoritative reference and input builder live on the scoring server;
editing this copy changes nothing except your own understanding.
"""

import jax, jax.numpy as jnp
import numpy as np
import math

D = 64
VOCAB = 1000000
SEQ = 200
B = 1024
MAXLEN = 5000


def _pos_embedding():
    den = jnp.exp(-jnp.arange(0, D, 2, dtype=jnp.float32) * (math.log(10000.0) / D))
    pos = jnp.arange(0, MAXLEN, dtype=jnp.float32).reshape(MAXLEN, 1)
    pe = jnp.zeros((MAXLEN, D), dtype=jnp.float32)
    pe = pe.at[:, 0::2].set(jnp.sin(pos * den))
    pe = pe.at[:, 1::2].set(jnp.cos(pos * den))
    return pe[:, None, :]  # [MAXLEN, 1, D]


def setup_inputs(seed: int = 0) -> dict:
    key = jax.random.key(seed)
    ks = jax.random.split(key, 9)
    src = jax.random.randint(ks[0], (SEQ, B), 0, VOCAB, dtype=jnp.int32)
    time = jax.random.randint(ks[1], (SEQ, B), 0, 96, dtype=jnp.int32)
    weekday = jax.random.randint(ks[2], (SEQ, B), 0, 7, dtype=jnp.int32)
    mode = jax.random.randint(ks[3], (SEQ, B), 0, 8, dtype=jnp.int32)
    emb_loc_w = jax.random.normal(ks[4], (VOCAB, D), dtype=jnp.float32)
    emb_mode_w = jax.random.normal(ks[5], (8, D), dtype=jnp.float32)
    minute_w = jax.random.normal(ks[6], (4, D), dtype=jnp.float32)
    hour_w = jax.random.normal(ks[7], (24, D), dtype=jnp.float32)
    weekday_w = jax.random.normal(ks[8], (7, D), dtype=jnp.float32)
    return {
        "src": src, "time": time, "weekday": weekday, "mode": mode,
        "emb_loc_w": emb_loc_w, "emb_mode_w": emb_mode_w,
        "minute_w": minute_w, "hour_w": hour_w, "weekday_w": weekday_w,
    }


def reference(src, time, weekday, mode, emb_loc_w, emb_mode_w, minute_w, hour_w, weekday_w):
    # AllEmbedding.forward (eval mode: dropout = identity)
    emb = jnp.take(emb_loc_w, src, axis=0)  # [SEQ, B, D]
    # TemporalEmbedding (emb_info='all')
    hour = time // 4
    minutes = time % 4
    minute_x = jnp.take(minute_w, minutes, axis=0)
    hour_x = jnp.take(hour_w, hour, axis=0)
    weekday_x = jnp.take(weekday_w, weekday, axis=0)
    emb = emb + (hour_x + minute_x + weekday_x)
    emb = emb + jnp.take(emb_mode_w, mode, axis=0)
    # PositionalEncoding
    out = emb * math.sqrt(D) + _pos_embedding()[:emb.shape[0]]
    return out

if __name__ == "__main__":
    import jax
    _d = setup_inputs()
    print(jax.jit(kernel)(*tuple(_d.values())))

</pallas_src>

<mosaic_0001>
#map = affine_map<(d0, d1) -> (0, 0)>
module attributes {stable_mosaic.version = 14 : i64} {
  func.func @_sc_kernel_body(%arg0: i32, %arg1: i32, %arg2: memref<4x204800xi32, #tpu.memory_space<hbm>>, %arg3: memref<243x64xf32, #tpu.memory_space<hbm>>, %arg4: memref<1000000x64xf32, #tpu.memory_space<hbm>>, %arg5: memref<204800x64xf32, #tpu.memory_space<hbm>>, %arg6: memref<4x6400xi32, #tpu.memory_space<vmem>>, %arg7: memref<6400xi32, #tpu.memory_space<vmem>>, %arg8: memref<128x64xf32, #tpu.memory_space<vmem>>, %arg9: memref<128x64xf32, #tpu.memory_space<vmem>>, %arg10: memref<128x64xf32, #tpu.memory_space<vmem>>, %arg11: memref<128x64xf32, #tpu.memory_space<vmem>>, %arg12: memref<243x64xf32, #tpu.memory_space<vmem>>, %arg13: memref<5376x64xf32, #tpu.memory_space<vmem_shared>>, %arg14: memref<!tpu.dma_semaphore, #tpu.memory_space<semaphore_mem>>, %arg15: memref<!tpu.dma_semaphore, #tpu.memory_space<semaphore_mem>>, %arg16: memref<!tpu.dma_semaphore, #tpu.memory_space<semaphore_mem>>, %arg17: memref<!tpu.dma_semaphore, #tpu.memory_space<semaphore_mem>>, %arg18: memref<!tpu.dma_semaphore, #tpu.memory_space<semaphore_mem>>, %arg19: memref<!tpu.dma_semaphore, #tpu.memory_space<semaphore_mem>>) attributes {dimension_semantics = [#tpu.dimension_semantics<core_parallel>, #tpu.dimension_semantics<subcore_parallel>], iteration_bounds = array<i64: 2, 16>, scalar_prefetch = 0 : i64, scratch_operands = 14 : i64, tpu.core_type = #tpu.core_type<sc_vector_subcore>, window_params = [{transform_indices = #map}, {transform_indices = #map}, {transform_indices = #map}, {transform_indices = #map}]} {
    %mul3A = arith.constant 2 : i32
    %mul3A_0 = arith.muli %arg1, %mul3A : i32
    %add3A = arith.addi %mul3A_0, %arg0 : i32
    %mul3A_1 = arith.constant 6400 : i32
    %mul3A_2 = arith.muli %add3A, %mul3A_1 : i32
    "tpu.region"() ({
      %run_scoped3A = tpu.sem_alloc : memref<!tpu.dma_semaphore, #tpu.memory_space<semaphore_mem>>
      tpu.enqueue_dma source(%arg3 : memref<243x64xf32, #tpu.memory_space<hbm>>) target(%arg12 : memref<243x64xf32, #tpu.memory_space<vmem>>) target_semaphore(%run_scoped3A : memref<!tpu.dma_semaphore, #tpu.memory_space<semaphore_mem>>)
      tpu.wait_dma2 semaphore(%run_scoped3A : memref<!tpu.dma_semaphore, #tpu.memory_space<semaphore_mem>>) src(%arg3 : memref<243x64xf32, #tpu.memory_space<hbm>>) dst(%arg12 : memref<243x64xf32, #tpu.memory_space<vmem>>)
      tpu.yield
    }) : () -> ()
    %mul3A_3 = arith.constant 6 : i32
    %mul3A_4 = arith.muli %arg1, %mul3A_3 : i32
    %add3A_5 = arith.constant 0 : i32
    %add3A_6 = arith.addi %mul3A_4, %add3A_5 : i32
    %jit3A = arith.constant 4 : i32
    %div3A = arith.divsi %add3A_6, %jit3A : i32
    %sign3A = arith.constant 0 : i32
    %sign3A_7 = arith.cmpi sgt, %add3A_6, %sign3A : i32
    %sign3A_8 = arith.extui %sign3A_7 : i1 to i32
    %sign3A_9 = arith.constant 0 : i32
    %sign3A_10 = arith.cmpi slt, %add3A_6, %sign3A_9 : i32
    %sign3A_11 = arith.extui %sign3A_10 : i1 to i32
    %sign3A_12 = arith.subi %sign3A_8, %sign3A_11 : i32
    %sign3A_13 = arith.constant 0 : i32
    %sign3A_14 = arith.cmpi sgt, %jit3A, %sign3A_13 : i32
    %sign3A_15 = arith.extui %sign3A_14 : i1 to i32
    %sign3A_16 = arith.constant 0 : i32
    %sign3A_17 = arith.cmpi slt, %jit3A, %sign3A_16 : i32
    %sign3A_18 = arith.extui %sign3A_17 : i1 to i32
    %sign3A_19 = arith.subi %sign3A_15, %sign3A_18 : i32
    %ne3A = arith.cmpi ne, %sign3A_12, %sign3A_19 : i32
    %rem3A = arith.remsi %add3A_6, %jit3A : i32
    %ne3A_20 = arith.constant 0 : i32
    %ne3A_21 = arith.cmpi ne, %rem3A, %ne3A_20 : i32
    %and3A = arith.andi %ne3A, %ne3A_21 : i1
    %sub3A = arith.constant 1 : i32
    %sub3A_22 = arith.subi %div3A, %sub3A : i32
    %select_n3A = arith.select %and3A, %sub3A_22, %div3A : i32
    %jit3A_23 = arith.constant 4 : i32
    %eq3A = arith.constant 0 : i32
    %eq3A_24 = arith.cmpi eq, %jit3A_23, %eq3A : i32
    %jit3A_25 = arith.constant 1 : i32
    %select_n3A_26 = arith.select %eq3A_24, %jit3A_25, %jit3A_23 : i32
    %rem3A_27 = arith.remsi %add3A_6, %select_n3A_26 : i32
    %ne3A_28 = arith.constant 0 : i32
    %ne3A_29 = arith.cmpi ne, %rem3A_27, %ne3A_28 : i32
    %lt3A = arith.constant 0 : i32
    %lt3A_30 = arith.cmpi slt, %rem3A_27, %lt3A : i32
    %lt3A_31 = arith.constant 0 : i32
    %lt3A_32 = arith.cmpi slt, %select_n3A_26, %lt3A_31 : i32
    %ne3A_33 = arith.xori %lt3A_30, %lt3A_32 : i1
    %and3A_34 = arith.andi %ne3A_33, %ne3A_29 : i1
    %add3A_35 = arith.addi %rem3A_27, %select_n3A_26 : i32
    %select_n3A_36 = arith.select %and3A_34, %add3A_35, %rem3A_27 : i32
    %add3A_37 = arith.constant 0 : i32
    %add3A_38 = arith.addi %add3A_37, %select_n3A : i32
    %get3A = arith.index_cast %add3A_38 : i32 to index
    %get3A_39 = arith.constant 0 : index
    %get3A_40 = tpu.vector_load %arg12[%get3A, %get3A_39] {strides = array<i32>} : memref<243x64xf32, #tpu.memory_space<vmem>>, vector<16xf32>,
    %add3A_41 = arith.constant 24 : i32
    %add3A_42 = arith.addi %add3A_41, %select_n3A_36 : i32
    %get3A_43 = arith.index_cast %add3A_42 : i32 to index
    %get3A_44 = arith.constant 0 : index
    %get3A_45 = tpu.vector_load %arg12[%get3A_43, %get3A_44] {strides = array<i32>} : memref<243x64xf32, #tpu.memory_space<vmem>>, vector<16xf32>,
    %add3A_46 = arith.addf %get3A_40, %get3A_45 : vector<16xf32>
    %add3A_47 = arith.constant 0 : i32
    %add3A_48 = arith.addi %add3A_47, %select_n3A : i32
    %get3A_49 = arith.index_cast %add3A_48 : i32 to index
    %get3A_50 = arith.constant 16 : index
    %get3A_51 = tpu.vector_load %arg12[%get3A_49, %get3A_50] {strides = array<i32>} : memref<243x64xf32, #tpu.memory_space<vmem>>, vector<16xf32>,
    %add3A_52 = arith.constant 24 : i32
    %add3A_53 = arith.addi %add3A_52, %select_n3A_36 : i32
    %get3A_54 = arith.index_cast %add3A_53 : i32 to index
    %get3A_55 = arith.constant 16 : index
    %get3A_56 = tpu.vector_load %arg12[%get3A_54, %get3A_55] {strides = array<i32>} : memref<243x64xf32, #tpu.memory_space<vmem>>, vector<16xf32>,
    %add3A_57 = arith.addf %get3A_51, %get3A_56 : vector<16xf32>
    %add3A_58 = arith.constant 0 : i32
    %add3A_59 = arith.addi %add3A_58, %select_n3A : i32
    %get3A_60 = arith.index_cast %add3A_59 : i32 to index
    %get3A_61 = arith.constant 32 : index
    %get3A_62 = tpu.vector_load %arg12[%get3A_60, %get3A_61] {strides = array<i32>} : memref<243x64xf32, #tpu.memory_space<vmem>>, vector<16xf32>,
    %add3A_63 = arith.constant 24 : i32
    %add3A_64 = arith.addi %add3A_63, %select_n3A_36 : i32
    %get3A_65 = arith.index_cast %add3A_64 : i32 to index
    %get3A_66 = arith.constant 32 : index
    %get3A_67 = tpu.vector_load %arg12[%get3A_65, %get3A_66] {strides = array<i32>} : memref<243x64xf32, #tpu.memory_space<vmem>>, vector<16xf32>,
    %add3A_68 = arith.addf %get3A_62, %get3A_67 : vector<16xf32>
    %add3A_69 = arith.constant 0 : i32
    %add3A_70 = arith.addi %add3A_69, %select_n3A : i32
    %get3A_71 = arith.index_cast %add3A_70 : i32 to index
    %get3A_72 = arith.constant 48 : index
    %get3A_73 = tpu.vector_load %arg12[%get3A_71, %get3A_72] {strides = array<i32>} : memref<243x64xf32, #tpu.memory_space<vmem>>, vector<16xf32>,
    %add3A_74 = arith.constant 24 : i32
    %add3A_75 = arith.addi %add3A_74, %select_n3A_36 : i32
    %get3A_76 = arith.index_cast %add3A_75 : i32 to index
    %get3A_77 = arith.constant 48 : index
    %get3A_78 = tpu.vector_load %arg12[%get3A_76, %get3A_77] {strides = array<i32>} : memref<243x64xf32, #tpu.memory_space<vmem>>, vector<16xf32>,
    %add3A_79 = arith.addf %get3A_73, %get3A_78 : vector<16xf32>
    %scan3A = arith.constant 0 : i32
    %scan3A_80 = arith.constant 56 : i32
    %scan3A_81 = arith.addi %scan3A, %scan3A_80 : i32
    %scan3A_82 = arith.constant 1 : i32
    scf.for %scan3A_589 = %scan3A to %scan3A_81 step %scan3A_82  : i32 {
      %mul3A_590 = arith.constant 1 : i32
      %mul3A_591 = arith.muli %scan3A_589, %mul3A_590 : i32
      %add3A_592 = arith.constant 0 : i32
      %add3A_593 = arith.addi %add3A_592, %mul3A_591 : i32
      %jit3A_594 = arith.constant 8 : i32
      %div3A_595 = arith.divsi %add3A_593, %jit3A_594 : i32
      %sign3A_596 = arith.constant 0 : i32
      %sign3A_597 = arith.cmpi sgt, %add3A_593, %sign3A_596 : i32
      %sign3A_598 = arith.extui %sign3A_597 : i1 to i32
      %sign3A_599 = arith.constant 0 : i32
      %sign3A_600 = arith.cmpi slt, %add3A_593, %sign3A_599 : i32
      %sign3A_601 = arith.extui %sign3A_600 : i1 to i32
      %sign3A_602 = arith.subi %sign3A_598, %sign3A_601 : i32
      %sign3A_603 = arith.constant 0 : i32
      %sign3A_604 = arith.cmpi sgt, %jit3A_594, %sign3A_603 : i32
      %sign3A_605 = arith.extui %sign3A_604 : i1 to i32
      %sign3A_606 = arith.constant 0 : i32
      %sign3A_607 = arith.cmpi slt, %jit3A_594, %sign3A_606 : i32
      %sign3A_608 = arith.extui %sign3A_607 : i1 to i32
      %sign3A_609 = arith.subi %sign3A_605, %sign3A_608 : i32
      %ne3A_610 = arith.cmpi ne, %sign3A_602, %sign3A_609 : i32
      %rem3A_611 = arith.remsi %add3A_593, %jit3A_594 : i32
      %ne3A_612 = arith.constant 0 : i32
      %ne3A_613 = arith.cmpi ne, %rem3A_611, %ne3A_612 : i32
      %and3A_614 = arith.andi %ne3A_610, %ne3A_613 : i1
      %sub3A_615 = arith.constant 1 : i32
      %sub3A_616 = arith.subi %div3A_595, %sub3A_615 : i32
      %select_n3A_617 = arith.select %and3A_614, %sub3A_616, %div3A_595 : i32
      %jit3A_618 = arith.constant 8 : i32
      %eq3A_619 = arith.constant 0 : i32
      %eq3A_620 = arith.cmpi eq, %jit3A_618, %eq3A_619 : i32
      %jit3A_621 = arith.constant 1 : i32
      %select_n3A_622 = arith.select %eq3A_620, %jit3A_621, %jit3A_618 : i32
      %rem3A_623 = arith.remsi %add3A_593, %select_n3A_622 : i32
      %ne3A_624 = arith.constant 0 : i32
      %ne3A_625 = arith.cmpi ne, %rem3A_623, %ne3A_624 : i32
      %lt3A_626 = arith.constant 0 : i32
      %lt3A_627 = arith.cmpi slt, %rem3A_623, %lt3A_626 : i32
      %lt3A_628 = arith.constant 0 : i32
      %lt3A_629 = arith.cmpi slt, %select_n3A_622, %lt3A_628 : i32
      %ne3A_630 = arith.xori %lt3A_627, %lt3A_629 : i1
      %and3A_631 = arith.andi %ne3A_630, %ne3A_625 : i1
      %add3A_632 = arith.addi %rem3A_623, %select_n3A_622 : i32
      %select_n3A_633 = arith.select %and3A_631, %add3A_632, %rem3A_623 : i32
      %add3A_634 = arith.constant 28 : i32
      %add3A_635 = arith.addi %add3A_634, %select_n3A_617 : i32
      %get3A_636 = arith.index_cast %add3A_635 : i32 to index
      %get3A_637 = arith.constant 0 : index
      %get3A_638 = tpu.vector_load %arg12[%get3A_636, %get3A_637] {strides = array<i32>} : memref<243x64xf32, #tpu.memory_space<vmem>>, vector<16xf32>,
      %add3A_639 = arith.addf %add3A_46, %get3A_638 : vector<16xf32>
      %add3A_640 = arith.constant 35 : i32
      %add3A_641 = arith.addi %add3A_640, %select_n3A_633 : i32
      %get3A_642 = arith.index_cast %add3A_641 : i32 to index
      %get3A_643 = arith.constant 0 : index
      %get3A_644 = tpu.vector_load %arg12[%get3A_642, %get3A_643] {strides = array<i32>} : memref<243x64xf32, #tpu.memory_space<vmem>>, vector<16xf32>,
      %add3A_645 = arith.addf %add3A_639, %get3A_644 : vector<16xf32>
      %mul3A_646 = arith.constant 8.000000e+00 : f32
      %mul3A_647 = vector.broadcast %mul3A_646 : f32 to vector<16xf32>
      %mul3A_648 = arith.mulf %add3A_645, %mul3A_647 : vector<16xf32>
      %swap3A = arith.index_cast %add3A_593 : i32 to index
      %swap3A_649 = arith.constant 0 : index
      %swap3A_650 = tpu.vector_load %arg10[%swap3A, %swap3A_649] {strides = array<i32>} : memref<128x64xf32, #tpu.memory_space<vmem>>, vector<16xf32>,
      tpu.vector_store %arg10[%swap3A, %swap3A_649], %mul3A_648 {strides = array<i32>} : memref<128x64xf32, #tpu.memory_space<vmem>>, vector<16xf32>,
      %add3A_651 = arith.constant 28 : i32
      %add3A_652 = arith.addi %add3A_651, %select_n3A_617 : i32
      %get3A_653 = arith.index_cast %add3A_652 : i32 to index
      %get3A_654 = arith.constant 16 : index
      %get3A_655 = tpu.vector_load %arg12[%get3A_653, %get3A_654] {strides = array<i32>} : memref<243x64xf32, #tpu.memory_space<vmem>>, vector<16xf32>,
      %add3A_656 = arith.addf %add3A_57, %get3A_655 : vector<16xf32>
      %add3A_657 = arith.constant 35 : i32
      %add3A_658 = arith.addi %add3A_657, %select_n3A_633 : i32
      %get3A_659 = arith.index_cast %add3A_658 : i32 to index
      %get3A_660 = arith.constant 16 : index
      %get3A_661 = tpu.vector_load %arg12[%get3A_659, %get3A_660] {strides = array<i32>} : memref<243x64xf32, #tpu.memory_space<vmem>>, vector<16xf32>,
      %add3A_662 = arith.addf %add3A_656, %get3A_661 : vector<16xf32>
      %mul3A_663 = arith.constant 8.000000e+00 : f32
      %mul3A_664 = vector.broadcast %mul3A_663 : f32 to vector<16xf32>
      %mul3A_665 = arith.mulf %add3A_662, %mul3A_664 : vector<16xf32>
      %swap3A_666 = arith.index_cast %add3A_593 : i32 to index
      %swap3A_667 = arith.constant 16 : index
      %swap3A_668 = tpu.vector_load %arg10[%swap3A_666, %swap3A_667] {strides = array<i32>} : memref<128x64xf32, #tpu.memory_space<vmem>>, vector<16xf32>,
      tpu.vector_store %arg10[%swap3A_666, %swap3A_667], %mul3A_665 {strides = array<i32>} : memref<128x64xf32, #tpu.memory_space<vmem>>, vector<16xf32>,
      %add3A_669 = arith.constant 28 : i32
      %add3A_670 = arith.addi %add3A_669, %select_n3A_617 : i32
      %get3A_671 = arith.index_cast %add3A_670 : i32 to index
      %get3A_672 = arith.constant 32 : index
      %get3A_673 = tpu.vector_load %arg12[%get3A_671, %get3A_672] {strides = array<i32>} : memref<243x64xf32, #tpu.memory_space<vmem>>, vector<16xf32>,
      %add3A_674 = arith.addf %add3A_68, %get3A_673 : vector<16xf32>
      %add3A_675 = arith.constant 35 : i32
      %add3A_676 = arith.addi %add3A_675, %select_n3A_633 : i32
      %get3A_677 = arith.index_cast %add3A_676 : i32 to index
      %get3A_678 = arith.constant 32 : index
      %get3A_679 = tpu.vector_load %arg12[%get3A_677, %get3A_678] {strides = array<i32>} : memref<243x64xf32, #tpu.memory_space<vmem>>, vector<16xf32>,
      %add3A_680 = arith.addf %add3A_674, %get3A_679 : vector<16xf32>
      %mul3A_681 = arith.constant 8.000000e+00 : f32
      %mul3A_682 = vector.broadcast %mul3A_681 : f32 to vector<16xf32>
      %mul3A_683 = arith.mulf %add3A_680, %mul3A_682 : vector<16xf32>
      %swap3A_684 = arith.index_cast %add3A_593 : i32 to index
      %swap3A_685 = arith.constant 32 : index
      %swap3A_686 = tpu.vector_load %arg10[%swap3A_684, %swap3A_685] {strides = array<i32>} : memref<128x64xf32, #tpu.memory_space<vmem>>, vector<16xf32>,
      tpu.vector_store %arg10[%swap3A_684, %swap3A_685], %mul3A_683 {strides = array<i32>} : memref<128x64xf32, #tpu.memory_space<vmem>>, vector<16xf32>,
      %add3A_687 = arith.constant 28 : i32
      %add3A_688 = arith.addi %add3A_687, %select_n3A_617 : i32
      %get3A_689 = arith.index_cast %add3A_688 : i32 to index
      %get3A_690 = arith.constant 48 : index
      %get3A_691 = tpu.vector_load %arg12[%get3A_689, %get3A_690] {strides = array<i32>} : memref<243x64xf32, #tpu.memory_space<vmem>>, vector<16xf32>,
      %add3A_692 = arith.addf %add3A_79, %get3A_691 : vector<16xf32>
      %add3A_693 = arith.constant 35 : i32
      %add3A_694 = arith.addi %add3A_693, %select_n3A_633 : i32
      %get3A_695 = arith.index_cast %add3A_694 : i32 to index
      %get3A_696 = arith.constant 48 : index
      %get3A_697 = tpu.vector_load %arg12[%get3A_695, %get3A_696] {strides = array<i32>} : memref<243x64xf32, #tpu.memory_space<vmem>>, vector<16xf32>,
      %add3A_698 = arith.addf %add3A_692, %get3A_697 : vector<16xf32>
      %mul3A_699 = arith.constant 8.000000e+00 : f32
      %mul3A_700 = vector.broadcast %mul3A_699 : f32 to vector<16xf32>
      %mul3A_701 = arith.mulf %add3A_698, %mul3A_700 : vector<16xf32>
      %swap3A_702 = arith.index_cast %add3A_593 : i32 to index
      %swap3A_703 = arith.constant 48 : index
      %swap3A_704 = tpu.vector_load %arg10[%swap3A_702, %swap3A_703] {strides = array<i32>} : memref<128x64xf32, #tpu.memory_space<vmem>>, vector<16xf32>,
      tpu.vector_store %arg10[%swap3A_702, %swap3A_703], %mul3A_701 {strides = array<i32>} : memref<128x64xf32, #tpu.memory_space<vmem>>, vector<16xf32>,
    }
    %scan3A_83 = arith.constant 56 : i32
    %mul3A_84 = arith.constant 56 : i32
    %mul3A_85 = arith.muli %add3A_6, %mul3A_84 : i32
    "tpu.region"() ({
      %run_scoped3A = tpu.sem_alloc : memref<!tpu.dma_semaphore, #tpu.memory_space<semaphore_mem>>
      %dma_start3A_589 = arith.constant 0 : i32
      %dma_start3A_590 = arith.constant 0 : i32
      %dma_start3A_591 = tpu.memref_slice %arg10[%dma_start3A_589, %dma_start3A_590] : memref<128x64xf32, #tpu.memory_space<vmem>> -> memref<56x64xf32, #tpu.memory_space<vmem>>
      %dma_start3A_592 = arith.constant 0 : i32
      %dma_start3A_593 = tpu.memref_slice %arg13[%mul3A_85, %dma_start3A_592] : memref<5376x64xf32, #tpu.memory_space<vmem_shared>> -> memref<56x64xf32, #tpu.memory_space<vmem_shared>>
      %dma_start3A_594 = arith.constant 0 : i32
      %dma_start3A_595 = tpu.memref_slice %arg13[%mul3A_85, %dma_start3A_594] : memref<5376x64xf32, #tpu.memory_space<vmem_shared>> -> memref<56x64xf32, #tpu.memory_space<vmem_shared>>
      %dma_start3A_596 = arith.constant 0 : i32
      %dma_start3A_597 = arith.constant 0 : i32
      %dma_start3A_598 = tpu.memref_slice %arg10[%dma_start3A_596, %dma_start3A_597] : memref<128x64xf32, #tpu.memory_space<vmem>> -> memref<56x64xf32, #tpu.memory_space<vmem>>
      tpu.enqueue_dma source(%dma_start3A_598 : memref<56x64xf32, #tpu.memory_space<vmem>>) target(%dma_start3A_595 : memref<56x64xf32, #tpu.memory_space<vmem_shared>>) target_semaphore(%run_scoped3A : memref<!tpu.dma_semaphore, #tpu.memory_space<semaphore_mem>>)
      %dma_wait3A_599 = arith.constant 0 : i32
      %dma_wait3A_600 = arith.constant 0 : i32
      %dma_wait3A_601 = tpu.memref_slice %arg10[%dma_wait3A_599, %dma_wait3A_600] : memref<128x64xf32, #tpu.memory_space<vmem>> -> memref<56x64xf32, #tpu.memory_space<vmem>>
      %dma_wait3A_602 = arith.constant 0 : i32
      %dma_wait3A_603 = tpu.memref_slice %arg13[%mul3A_85, %dma_wait3A_602] : memref<5376x64xf32, #tpu.memory_space<vmem_shared>> -> memref<56x64xf32, #tpu.memory_space<vmem_shared>>
      %dma_wait3A_604 = arith.constant 0 : i32
      %dma_wait3A_605 = tpu.memref_slice %arg13[%mul3A_85, %dma_wait3A_604] : memref<5376x64xf32, #tpu.memory_space<vmem_shared>> -> memref<56x64xf32, #tpu.memory_space<vmem_shared>>
      %dma_wait3A_606 = arith.constant 0 : i32
      %dma_wait3A_607 = arith.constant 0 : i32
      %dma_wait3A_608 = tpu.memref_slice %arg10[%dma_wait3A_606, %dma_wait3A_607] : memref<128x64xf32, #tpu.memory_space<vmem>> -> memref<56x64xf32, #tpu.memory_space<vmem>>
      tpu.wait_dma2 semaphore(%run_scoped3A : memref<!tpu.dma_semaphore, #tpu.memory_space<semaphore_mem>>) src(%dma_wait3A_608 : memref<56x64xf32, #tpu.memory_space<vmem>>) dst(%dma_wait3A_605 : memref<56x64xf32, #tpu.memory_space<vmem_shared>>)
      tpu.yield
    }) : () -> ()
    %mul3A_86 = arith.constant 6 : i32
    %mul3A_87 = arith.muli %arg1, %mul3A_86 : i32
    %add3A_88 = arith.constant 1 : i32
    %add3A_89 = arith.addi %mul3A_87, %add3A_88 : i32
    %jit3A_90 = arith.constant 4 : i32
    %div3A_91 = arith.divsi %add3A_89, %jit3A_90 : i32
    %sign3A_92 = arith.constant 0 : i32
    %sign3A_93 = arith.cmpi sgt, %add3A_89, %sign3A_92 : i32
    %sign3A_94 = arith.extui %sign3A_93 : i1 to i32
    %sign3A_95 = arith.constant 0 : i32
    %sign3A_96 = arith.cmpi slt, %add3A_89, %sign3A_95 : i32
    %sign3A_97 = arith.extui %sign3A_96 : i1 to i32
    %sign3A_98 = arith.subi %sign3A_94, %sign3A_97 : i32
    %sign3A_99 = arith.constant 0 : i32
    %sign3A_100 = arith.cmpi sgt, %jit3A_90, %sign3A_99 : i32
    %sign3A_101 = arith.extui %sign3A_100 : i1 to i32
    %sign3A_102 = arith.constant 0 : i32
    %sign3A_103 = arith.cmpi slt, %jit3A_90, %sign3A_102 : i32
    %sign3A_104 = arith.extui %sign3A_103 : i1 to i32
    %sign3A_105 = arith.subi %sign3A_101, %sign3A_104 : i32
    %ne3A_106 = arith.cmpi ne, %sign3A_98, %sign3A_105 : i32
    %rem3A_107 = arith.remsi %add3A_89, %jit3A_90 : i32
    %ne3A_108 = arith.constant 0 : i32
    %ne3A_109 = arith.cmpi ne, %rem3A_107, %ne3A_108 : i32
    %and3A_110 = arith.andi %ne3A_106, %ne3A_109 : i1
    %sub3A_111 = arith.constant 1 : i32
    %sub3A_112 = arith.subi %div3A_91, %sub3A_111 : i32
    %select_n3A_113 = arith.select %and3A_110, %sub3A_112, %div3A_91 : i32
    %jit3A_114 = arith.constant 4 : i32
    %eq3A_115 = arith.constant 0 : i32
    %eq3A_116 = arith.cmpi eq, %jit3A_114, %eq3A_115 : i32
    %jit3A_117 = arith.constant 1 : i32
    %select_n3A_118 = arith.select %eq3A_116, %jit3A_117, %jit3A_114 : i32
    %rem3A_119 = arith.remsi %add3A_89, %select_n3A_118 : i32
    %ne3A_120 = arith.constant 0 : i32
    %ne3A_121 = arith.cmpi ne, %rem3A_119, %ne3A_120 : i32
    %lt3A_122 = arith.constant 0 : i32
    %lt3A_123 = arith.cmpi slt, %rem3A_119, %lt3A_122 : i32
    %lt3A_124 = arith.constant 0 : i32
    %lt3A_125 = arith.cmpi slt, %select_n3A_118, %lt3A_124 : i32
    %ne3A_126 = arith.xori %lt3A_123, %lt3A_125 : i1
    %and3A_127 = arith.andi %ne3A_126, %ne3A_121 : i1
    %add3A_128 = arith.addi %rem3A_119, %select_n3A_118 : i32
    %select_n3A_129 = arith.select %and3A_127, %add3A_128, %rem3A_119 : i32
    %add3A_130 = arith.constant 0 : i32
    %add3A_131 = arith.addi %add3A_130, %select_n3A_113 : i32
    %get3A_132 = arith.index_cast %add3A_131 : i32 to index
    %get3A_133 = arith.constant 0 : index
    %get3A_134 = tpu.vector_load %arg12[%get3A_132, %get3A_133] {strides = array<i32>} : memref<243x64xf32, #tpu.memory_space<vmem>>, vector<16xf32>,
    %add3A_135 = arith.constant 24 : i32
    %add3A_136 = arith.addi %add3A_135, %select_n3A_129 : i32
    %get3A_137 = arith.index_cast %add3A_136 : i32 to index
    %get3A_138 = arith.constant 0 : index
    %get3A_139 = tpu.vector_load %arg12[%get3A_137, %get3A_138] {strides = array<i32>} : memref<243x64xf32, #tpu.memory_space<vmem>>, vector<16xf32>,
    %add3A_140 = arith.addf %get3A_134, %get3A_139 : vector<16xf32>
    %add3A_141 = arith.constant 0 : i32
    %add3A_142 = arith.addi %add3A_141, %select_n3A_113 : i32
    %get3A_143 = arith.index_cast %add3A_142 : i32 to index
    %get3A_144 = arith.constant 16 : index
    %get3A_145 = tpu.vector_load %arg12[%get3A_143, %get3A_144] {strides = array<i32>} : memref<243x64xf32, #tpu.memory_space<vmem>>, vector<16xf32>,
    %add3A_146 = arith.constant 24 : i32
    %add3A_147 = arith.addi %add3A_146, %select_n3A_129 : i32
    %get3A_148 = arith.index_cast %add3A_147 : i32 to index
    %get3A_149 = arith.constant 16 : index
    %get3A_150 = tpu.vector_load %arg12[%get3A_148, %get3A_149] {strides = array<i32>} : memref<243x64xf32, #tpu.memory_space<vmem>>, vector<16xf32>,
    %add3A_151 = arith.addf %get3A_145, %get3A_150 : vector<16xf32>
    %add3A_152 = arith.constant 0 : i32
    %add3A_153 = arith.addi %add3A_152, %select_n3A_113 : i32
    %get3A_154 = arith.index_cast %add3A_153 : i32 to index
    %get3A_155 = arith.constant 32 : index
    %get3A_156 = tpu.vector_load %arg12[%get3A_154, %get3A_155] {strides = array<i32>} : memref<243x64xf32, #tpu.memory_space<vmem>>, vector<16xf32>,
    %add3A_157 = arith.constant 24 : i32
    %add3A_158 = arith.addi %add3A_157, %select_n3A_129 : i32
    %get3A_159 = arith.index_cast %add3A_158 : i32 to index
    %get3A_160 = arith.constant 32 : index
    %get3A_161 = tpu.vector_load %arg12[%get3A_159, %get3A_160] {strides = array<i32>} : memref<243x64xf32, #tpu.memory_space<vmem>>, vector<16xf32>,
    %add3A_162 = arith.addf %get3A_156, %get3A_161 : vector<16xf32>
    %add3A_163 = arith.constant 0 : i32
    %add3A_164 = arith.addi %add3A_163, %select_n3A_113 : i32
    %get3A_165 = arith.index_cast %add3A_164 : i32 to index
    %get3A_166 = arith.constant 48 : index
    %get3A_167 = tpu.vector_load %arg12[%get3A_165, %get3A_166] {strides = array<i32>} : memref<243x64xf32, #tpu.memory_space<vmem>>, vector<16xf32>,
    %add3A_168 = arith.constant 24 : i32
    %add3A_169 = arith.addi %add3A_168, %select_n3A_129 : i32
    %get3A_170 = arith.index_cast %add3A_169 : i32 to index
    %get3A_171 = arith.constant 48 : index
    %get3A_172 = tpu.vector_load %arg12[%get3A_170, %get3A_171] {strides = array<i32>} : memref<243x64xf32, #tpu.memory_space<vmem>>, vector<16xf32>,
    %add3A_173 = arith.addf %get3A_167, %get3A_172 : vector<16xf32>
    %scan3A_174 = arith.constant 0 : i32
    %scan3A_175 = arith.constant 56 : i32
    %scan3A_176 = arith.addi %scan3A_174, %scan3A_175 : i32
    %scan3A_177 = arith.constant 1 : i32
    scf.for %scan3A_589 = %scan3A_174 to %scan3A_176 step %scan3A_177  : i32 {
      %mul3A_590 = arith.constant 1 : i32
      %mul3A_591 = arith.muli %scan3A_589, %mul3A_590 : i32
      %add3A_592 = arith.constant 0 : i32
      %add3A_593 = arith.addi %add3A_592, %mul3A_591 : i32
      %jit3A_594 = arith.constant 8 : i32
      %div3A_595 = arith.divsi %add3A_593, %jit3A_594 : i32
      %sign3A_596 = arith.constant 0 : i32
      %sign3A_597 = arith.cmpi sgt, %add3A_593, %sign3A_596 : i32
      %sign3A_598 = arith.extui %sign3A_597 : i1 to i32
      %sign3A_599 = arith.constant 0 : i32
      %sign3A_600 = arith.cmpi slt, %add3A_593, %sign3A_599 : i32
      %sign3A_601 = arith.extui %sign3A_600 : i1 to i32
      %sign3A_602 = arith.subi %sign3A_598, %sign3A_601 : i32
      %sign3A_603 = arith.constant 0 : i32
      %sign3A_604 = arith.cmpi sgt, %jit3A_594, %sign3A_603 : i32
      %sign3A_605 = arith.extui %sign3A_604 : i1 to i32
      %sign3A_606 = arith.constant 0 : i32
      %sign3A_607 = arith.cmpi slt, %jit3A_594, %sign3A_606 : i32
      %sign3A_608 = arith.extui %sign3A_607 : i1 to i32
      %sign3A_609 = arith.subi %sign3A_605, %sign3A_608 : i32
      %ne3A_610 = arith.cmpi ne, %sign3A_602, %sign3A_609 : i32
      %rem3A_611 = arith.remsi %add3A_593, %jit3A_594 : i32
      %ne3A_612 = arith.constant 0 : i32
      %ne3A_613 = arith.cmpi ne, %rem3A_611, %ne3A_612 : i32
      %and3A_614 = arith.andi %ne3A_610, %ne3A_613 : i1
      %sub3A_615 = arith.constant 1 : i32
      %sub3A_616 = arith.subi %div3A_595, %sub3A_615 : i32
      %select_n3A_617 = arith.select %and3A_614, %sub3A_616, %div3A_595 : i32
      %jit3A_618 = arith.constant 8 : i32
      %eq3A_619 = arith.constant 0 : i32
      %eq3A_620 = arith.cmpi eq, %jit3A_618, %eq3A_619 : i32
      %jit3A_621 = arith.constant 1 : i32
      %select_n3A_622 = arith.select %eq3A_620, %jit3A_621, %jit3A_618 : i32
      %rem3A_623 = arith.remsi %add3A_593, %select_n3A_622 : i32
      %ne3A_624 = arith.constant 0 : i32
      %ne3A_625 = arith.cmpi ne, %rem3A_623, %ne3A_624 : i32
      %lt3A_626 = arith.constant 0 : i32
      %lt3A_627 = arith.cmpi slt, %rem3A_623, %lt3A_626 : i32
      %lt3A_628 = arith.constant 0 : i32
      %lt3A_629 = arith.cmpi slt, %select_n3A_622, %lt3A_628 : i32
      %ne3A_630 = arith.xori %lt3A_627, %lt3A_629 : i1
      %and3A_631 = arith.andi %ne3A_630, %ne3A_625 : i1
      %add3A_632 = arith.addi %rem3A_623, %select_n3A_622 : i32
      %select_n3A_633 = arith.select %and3A_631, %add3A_632, %rem3A_623 : i32
      %add3A_634 = arith.constant 28 : i32
      %add3A_635 = arith.addi %add3A_634, %select_n3A_617 : i32
      %get3A_636 = arith.index_cast %add3A_635 : i32 to index
      %get3A_637 = arith.constant 0 : index
      %get3A_638 = tpu.vector_load %arg12[%get3A_636, %get3A_637] {strides = array<i32>} : memref<243x64xf32, #tpu.memory_space<vmem>>, vector<16xf32>,
      %add3A_639 = arith.addf %add3A_140, %get3A_638 : vector<16xf32>
      %add3A_640 = arith.constant 35 : i32
      %add3A_641 = arith.addi %add3A_640, %select_n3A_633 : i32
      %get3A_642 = arith.index_cast %add3A_641 : i32 to index
      %get3A_643 = arith.constant 0 : index
      %get3A_644 = tpu.vector_load %arg12[%get3A_642, %get3A_643] {strides = array<i32>} : memref<243x64xf32, #tpu.memory_space<vmem>>, vector<16xf32>,
      %add3A_645 = arith.addf %add3A_639, %get3A_644 : vector<16xf32>
      %mul3A_646 = arith.constant 8.000000e+00 : f32
      %mul3A_647 = vector.broadcast %mul3A_646 : f32 to vector<16xf32>
      %mul3A_648 = arith.mulf %add3A_645, %mul3A_647 : vector<16xf32>
      %swap3A = arith.index_cast %add3A_593 : i32 to index
      %swap3A_649 = arith.constant 0 : index
      %swap3A_650 = tpu.vector_load %arg10[%swap3A, %swap3A_649] {strides = array<i32>} : memref<128x64xf32, #tpu.memory_space<vmem>>, vector<16xf32>,
      tpu.vector_store %arg10[%swap3A, %swap3A_649], %mul3A_648 {strides = array<i32>} : memref<128x64xf32, #tpu.memory_space<vmem>>, vector<16xf32>,
      %add3A_651 = arith.constant 28 : i32
      %add3A_652 = arith.addi %add3A_651, %select_n3A_617 : i32
      %get3A_653 = arith.index_cast %add3A_652 : i32 to index
      %get3A_654 = arith.constant 16 : index
      %get3A_655 = tpu.vector_load %arg12[%get3A_653, %get3A_654] {strides = array<i32>} : memref<243x64xf32, #tpu.memory_space<vmem>>, vector<16xf32>,
      %add3A_656 = arith.addf %add3A_151, %get3A_655 : vector<16xf32>
      %add3A_657 = arith.constant 35 : i32
      %add3A_658 = arith.addi %add3A_657, %select_n3A_633 : i32
      %get3A_659 = arith.index_cast %add3A_658 : i32 to index
      %get3A_660 = arith.constant 16 : index
      %get3A_661 = tpu.vector_load %arg12[%get3A_659, %get3A_660] {strides = array<i32>} : memref<243x64xf32, #tpu.memory_space<vmem>>, vector<16xf32>,
      %add3A_662 = arith.addf %add3A_656, %get3A_661 : vector<16xf32>
      %mul3A_663 = arith.constant 8.000000e+00 : f32
      %mul3A_664 = vector.broadcast %mul3A_663 : f32 to vector<16xf32>
      %mul3A_665 = arith.mulf %add3A_662, %mul3A_664 : vector<16xf32>
      %swap3A_666 = arith.index_cast %add3A_593 : i32 to index
      %swap3A_667 = arith.constant 16 : index
      %swap3A_668 = tpu.vector_load %arg10[%swap3A_666, %swap3A_667] {strides = array<i32>} : memref<128x64xf32, #tpu.memory_space<vmem>>, vector<16xf32>,
      tpu.vector_store %arg10[%swap3A_666, %swap3A_667], %mul3A_665 {strides = array<i32>} : memref<128x64xf32, #tpu.memory_space<vmem>>, vector<16xf32>,
      %add3A_669 = arith.constant 28 : i32
      %add3A_670 = arith.addi %add3A_669, %select_n3A_617 : i32
      %get3A_671 = arith.index_cast %add3A_670 : i32 to index
      %get3A_672 = arith.constant 32 : index
      %get3A_673 = tpu.vector_load %arg12[%get3A_671, %get3A_672] {strides = array<i32>} : memref<243x64xf32, #tpu.memory_space<vmem>>, vector<16xf32>,
      %add3A_674 = arith.addf %add3A_162, %get3A_673 : vector<16xf32>
      %add3A_675 = arith.constant 35 : i32
      %add3A_676 = arith.addi %add3A_675, %select_n3A_633 : i32
      %get3A_677 = arith.index_cast %add3A_676 : i32 to index
      %get3A_678 = arith.constant 32 : index
      %get3A_679 = tpu.vector_load %arg12[%get3A_677, %get3A_678] {strides = array<i32>} : memref<243x64xf32, #tpu.memory_space<vmem>>, vector<16xf32>,
      %add3A_680 = arith.addf %add3A_674, %get3A_679 : vector<16xf32>
      %mul3A_681 = arith.constant 8.000000e+00 : f32
      %mul3A_682 = vector.broadcast %mul3A_681 : f32 to vector<16xf32>
      %mul3A_683 = arith.mulf %add3A_680, %mul3A_682 : vector<16xf32>
      %swap3A_684 = arith.index_cast %add3A_593 : i32 to index
      %swap3A_685 = arith.constant 32 : index
      %swap3A_686 = tpu.vector_load %arg10[%swap3A_684, %swap3A_685] {strides = array<i32>} : memref<128x64xf32, #tpu.memory_space<vmem>>, vector<16xf32>,
      tpu.vector_store %arg10[%swap3A_684, %swap3A_685], %mul3A_683 {strides = array<i32>} : memref<128x64xf32, #tpu.memory_space<vmem>>, vector<16xf32>,
      %add3A_687 = arith.constant 28 : i32
      %add3A_688 = arith.addi %add3A_687, %select_n3A_617 : i32
      %get3A_689 = arith.index_cast %add3A_688 : i32 to index
      %get3A_690 = arith.constant 48 : index
      %get3A_691 = tpu.vector_load %arg12[%get3A_689, %get3A_690] {strides = array<i32>} : memref<243x64xf32, #tpu.memory_space<vmem>>, vector<16xf32>,
      %add3A_692 = arith.addf %add3A_173, %get3A_691 : vector<16xf32>
      %add3A_693 = arith.constant 35 : i32
      %add3A_694 = arith.addi %add3A_693, %select_n3A_633 : i32
      %get3A_695 = arith.index_cast %add3A_694 : i32 to index
      %get3A_696 = arith.constant 48 : index
      %get3A_697 = tpu.vector_load %arg12[%get3A_695, %get3A_696] {strides = array<i32>} : memref<243x64xf32, #tpu.memory_space<vmem>>, vector<16xf32>,
      %add3A_698 = arith.addf %add3A_692, %get3A_697 : vector<16xf32>
      %mul3A_699 = arith.constant 8.000000e+00 : f32
      %mul3A_700 = vector.broadcast %mul3A_699 : f32 to vector<16xf32>
      %mul3A_701 = arith.mulf %add3A_698, %mul3A_700 : vector<16xf32>
      %swap3A_702 = arith.index_cast %add3A_593 : i32 to index
      %swap3A_703 = arith.constant 48 : index
      %swap3A_704 = tpu.vector_load %arg10[%swap3A_702, %swap3A_703] {strides = array<i32>} : memref<128x64xf32, #tpu.memory_space<vmem>>, vector<16xf32>,
      tpu.vector_store %arg10[%swap3A_702, %swap3A_703], %mul3A_701 {strides = array<i32>} : memref<128x64xf32, #tpu.memory_space<vmem>>, vector<16xf32>,
    }
    %scan3A_178 = arith.constant 56 : i32
    %mul3A_179 = arith.constant 56 : i32
    %mul3A_180 = arith.muli %add3A_89, %mul3A_179 : i32
    "tpu.region"() ({
      %run_scoped3A = tpu.sem_alloc : memref<!tpu.dma_semaphore, #tpu.memory_space<semaphore_mem>>
      %dma_start3A_589 = arith.constant 0 : i32
      %dma_start3A_590 = arith.constant 0 : i32
      %dma_start3A_591 = tpu.memref_slice %arg10[%dma_start3A_589, %dma_start3A_590] : memref<128x64xf32, #tpu.memory_space<vmem>> -> memref<56x64xf32, #tpu.memory_space<vmem>>
      %dma_start3A_592 = arith.constant 0 : i32
      %dma_start3A_593 = tpu.memref_slice %arg13[%mul3A_180, %dma_start3A_592] : memref<5376x64xf32, #tpu.memory_space<vmem_shared>> -> memref<56x64xf32, #tpu.memory_space<vmem_shared>>
      %dma_start3A_594 = arith.constant 0 : i32
      %dma_start3A_595 = tpu.memref_slice %arg13[%mul3A_180, %dma_start3A_594] : memref<5376x64xf32, #tpu.memory_space<vmem_shared>> -> memref<56x64xf32, #tpu.memory_space<vmem_shared>>
      %dma_start3A_596 = arith.constant 0 : i32
      %dma_start3A_597 = arith.constant 0 : i32
      %dma_start3A_598 = tpu.memref_slice %arg10[%dma_start3A_596, %dma_start3A_597] : memref<128x64xf32, #tpu.memory_space<vmem>> -> memref<56x64xf32, #tpu.memory_space<vmem>>
      tpu.enqueue_dma source(%dma_start3A_598 : memref<56x64xf32, #tpu.memory_space<vmem>>) target(%dma_start3A_595 : memref<56x64xf32, #tpu.memory_space<vmem_shared>>) target_semaphore(%run_scoped3A : memref<!tpu.dma_semaphore, #tpu.memory_space<semaphore_mem>>)
      %dma_wait3A_599 = arith.constant 0 : i32
      %dma_wait3A_600 = arith.constant 0 : i32
      %dma_wait3A_601 = tpu.memref_slice %arg10[%dma_wait3A_599, %dma_wait3A_600] : memref<128x64xf32, #tpu.memory_space<vmem>> -> memref<56x64xf32, #tpu.memory_space<vmem>>
      %dma_wait3A_602 = arith.constant 0 : i32
      %dma_wait3A_603 = tpu.memref_slice %arg13[%mul3A_180, %dma_wait3A_602] : memref<5376x64xf32, #tpu.memory_space<vmem_shared>> -> memref<56x64xf32, #tpu.memory_space<vmem_shared>>
      %dma_wait3A_604 = arith.constant 0 : i32
      %dma_wait3A_605 = tpu.memref_slice %arg13[%mul3A_180, %dma_wait3A_604] : memref<5376x64xf32, #tpu.memory_space<vmem_shared>> -> memref<56x64xf32, #tpu.memory_space<vmem_shared>>
      %dma_wait3A_606 = arith.constant 0 : i32
      %dma_wait3A_607 = arith.constant 0 : i32
      %dma_wait3A_608 = tpu.memref_slice %arg10[%dma_wait3A_606, %dma_wait3A_607] : memref<128x64xf32, #tpu.memory_space<vmem>> -> memref<56x64xf32, #tpu.memory_space<vmem>>
      tpu.wait_dma2 semaphore(%run_scoped3A : memref<!tpu.dma_semaphore, #tpu.memory_space<semaphore_mem>>) src(%dma_wait3A_608 : memref<56x64xf32, #tpu.memory_space<vmem>>) dst(%dma_wait3A_605 : memref<56x64xf32, #tpu.memory_space<vmem_shared>>)
      tpu.yield
    }) : () -> ()
    %mul3A_181 = arith.constant 6 : i32
    %mul3A_182 = arith.muli %arg1, %mul3A_181 : i32
    %add3A_183 = arith.constant 2 : i32
    %add3A_184 = arith.addi %mul3A_182, %add3A_183 : i32
    %jit3A_185 = arith.constant 4 : i32
    %div3A_186 = arith.divsi %add3A_184, %jit3A_185 : i32
    %sign3A_187 = arith.constant 0 : i32
    %sign3A_188 = arith.cmpi sgt, %add3A_184, %sign3A_187 : i32
    %sign3A_189 = arith.extui %sign3A_188 : i1 to i32
    %sign3A_190 = arith.constant 0 : i32
    %sign3A_191 = arith.cmpi slt, %add3A_184, %sign3A_190 : i32
    %sign3A_192 = arith.extui %sign3A_191 : i1 to i32
    %sign3A_193 = arith.subi %sign3A_189, %sign3A_192 : i32
    %sign3A_194 = arith.constant 0 : i32
    %sign3A_195 = arith.cmpi sgt, %jit3A_185, %sign3A_194 : i32
    %sign3A_196 = arith.extui %sign3A_195 : i1 to i32
    %sign3A_197 = arith.constant 0 : i32
    %sign3A_198 = arith.cmpi slt, %jit3A_185, %sign3A_197 : i32
    %sign3A_199 = arith.extui %sign3A_198 : i1 to i32
    %sign3A_200 = arith.subi %sign3A_196, %sign3A_199 : i32
    %ne3A_201 = arith.cmpi ne, %sign3A_193, %sign3A_200 : i32
    %rem3A_202 = arith.remsi %add3A_184, %jit3A_185 : i32
    %ne3A_203 = arith.constant 0 : i32
    %ne3A_204 = arith.cmpi ne, %rem3A_202, %ne3A_203 : i32
    %and3A_205 = arith.andi %ne3A_201, %ne3A_204 : i1
    %sub3A_206 = arith.constant 1 : i32
    %sub3A_207 = arith.subi %div3A_186, %sub3A_206 : i32
    %select_n3A_208 = arith.select %and3A_205, %sub3A_207, %div3A_186 : i32
    %jit3A_209 = arith.constant 4 : i32
    %eq3A_210 = arith.constant 0 : i32
    %eq3A_211 = arith.cmpi eq, %jit3A_209, %eq3A_210 : i32
    %jit3A_212 = arith.constant 1 : i32
    %select_n3A_213 = arith.select %eq3A_211, %jit3A_212, %jit3A_209 : i32
    %rem3A_214 = arith.remsi %add3A_184, %select_n3A_213 : i32
    %ne3A_215 = arith.constant 0 : i32
    %ne3A_216 = arith.cmpi ne, %rem3A_214, %ne3A_215 : i32
    %lt3A_217 = arith.constant 0 : i32
    %lt3A_218 = arith.cmpi slt, %rem3A_214, %lt3A_217 : i32
    %lt3A_219 = arith.constant 0 : i32
    %lt3A_220 = arith.cmpi slt, %select_n3A_213, %lt3A_219 : i32
    %ne3A_221 = arith.xori %lt3A_218, %lt3A_220 : i1
    %and3A_222 = arith.andi %ne3A_221, %ne3A_216 : i1
    %add3A_223 = arith.addi %rem3A_214, %select_n3A_213 : i32
    %select_n3A_224 = arith.select %and3A_222, %add3A_223, %rem3A_214 : i32
    %add3A_225 = arith.constant 0 : i32
    %add3A_226 = arith.addi %add3A_225, %select_n3A_208 : i32
    %get3A_227 = arith.index_cast %add3A_226 : i32 to index
    %get3A_228 = arith.constant 0 : index
    %get3A_229 = tpu.vector_load %arg12[%get3A_227, %get3A_228] {strides = array<i32>} : memref<243x64xf32, #tpu.memory_space<vmem>>, vector<16xf32>,
    %add3A_230 = arith.constant 24 : i32
    %add3A_231 = arith.addi %add3A_230, %select_n3A_224 : i32
    %get3A_232 = arith.index_cast %add3A_231 : i32 to index
    %get3A_233 = arith.constant 0 : index
    %get3A_234 = tpu.vector_load %arg12[%get3A_232, %get3A_233] {strides = array<i32>} : memref<243x64xf32, #tpu.memory_space<vmem>>, vector<16xf32>,
    %add3A_235 = arith.addf %get3A_229, %get3A_234 : vector<16xf32>
    %add3A_236 = arith.constant 0 : i32
    %add3A_237 = arith.addi %add3A_236, %select_n3A_208 : i32
    %get3A_238 = arith.index_cast %add3A_237 : i32 to index
    %get3A_239 = arith.constant 16 : index
    %get3A_240 = tpu.vector_load %arg12[%get3A_238, %get3A_239] {strides = array<i32>} : memref<243x64xf32, #tpu.memory_space<vmem>>, vector<16xf32>,
    %add3A_241 = arith.constant 24 : i32
    %add3A_242 = arith.addi %add3A_241, %select_n3A_224 : i32
    %get3A_243 = arith.index_cast %add3A_242 : i32 to index
    %get3A_244 = arith.constant 16 : index
    %get3A_245 = tpu.vector_load %arg12[%get3A_243, %get3A_244] {strides = array<i32>} : memref<243x64xf32, #tpu.memory_space<vmem>>, vector<16xf32>,
    %add3A_246 = arith.addf %get3A_240, %get3A_245 : vector<16xf32>
    %add3A_247 = arith.constant 0 : i32
    %add3A_248 = arith.addi %add3A_247, %select_n3A_208 : i32
    %get3A_249 = arith.index_cast %add3A_248 : i32 to index
    %get3A_250 = arith.constant 32 : index
    %get3A_251 = tpu.vector_load %arg12[%get3A_249, %get3A_250] {strides = array<i32>} : memref<243x64xf32, #tpu.memory_space<vmem>>, vector<16xf32>,
    %add3A_252 = arith.constant 24 : i32
    %add3A_253 = arith.addi %add3A_252, %select_n3A_224 : i32
    %get3A_254 = arith.index_cast %add3A_253 : i32 to index
    %get3A_255 = arith.constant 32 : index
    %get3A_256 = tpu.vector_load %arg12[%get3A_254, %get3A_255] {strides = array<i32>} : memref<243x64xf32, #tpu.memory_space<vmem>>, vector<16xf32>,
    %add3A_257 = arith.addf %get3A_251, %get3A_256 : vector<16xf32>
    %add3A_258 = arith.constant 0 : i32
    %add3A_259 = arith.addi %add3A_258, %select_n3A_208 : i32
    %get3A_260 = arith.index_cast %add3A_259 : i32 to index
    %get3A_261 = arith.constant 48 : index
    %get3A_262 = tpu.vector_load %arg12[%get3A_260, %get3A_261] {strides = array<i32>} : memref<243x64xf32, #tpu.memory_space<vmem>>, vector<16xf32>,
    %add3A_263 = arith.constant 24 : i32
    %add3A_264 = arith.addi %add3A_263, %select_n3A_224 : i32
    %get3A_265 = arith.index_cast %add3A_264 : i32 to index
    %get3A_266 = arith.constant 48 : index
    %get3A_267 = tpu.vector_load %arg12[%get3A_265, %get3A_266] {strides = array<i32>} : memref<243x64xf32, #tpu.memory_space<vmem>>, vector<16xf32>,
    %add3A_268 = arith.addf %get3A_262, %get3A_267 : vector<16xf32>
    %scan3A_269 = arith.constant 0 : i32
    %scan3A_270 = arith.constant 56 : i32
    %scan3A_271 = arith.addi %scan3A_269, %scan3A_270 : i32
    %scan3A_272 = arith.constant 1 : i32
    scf.for %scan3A_589 = %scan3A_269 to %scan3A_271 step %scan3A_272  : i32 {
      %mul3A_590 = arith.constant 1 : i32
      %mul3A_591 = arith.muli %scan3A_589, %mul3A_590 : i32
      %add3A_592 = arith.constant 0 : i32
      %add3A_593 = arith.addi %add3A_592, %mul3A_591 : i32
      %jit3A_594 = arith.constant 8 : i32
      %div3A_595 = arith.divsi %add3A_593, %jit3A_594 : i32
      %sign3A_596 = arith.constant 0 : i32
      %sign3A_597 = arith.cmpi sgt, %add3A_593, %sign3A_596 : i32
      %sign3A_598 = arith.extui %sign3A_597 : i1 to i32
      %sign3A_599 = arith.constant 0 : i32
      %sign3A_600 = arith.cmpi slt, %add3A_593, %sign3A_599 : i32
      %sign3A_601 = arith.extui %sign3A_600 : i1 to i32
      %sign3A_602 = arith.subi %sign3A_598, %sign3A_601 : i32
      %sign3A_603 = arith.constant 0 : i32
      %sign3A_604 = arith.cmpi sgt, %jit3A_594, %sign3A_603 : i32
      %sign3A_605 = arith.extui %sign3A_604 : i1 to i32
      %sign3A_606 = arith.constant 0 : i32
      %sign3A_607 = arith.cmpi slt, %jit3A_594, %sign3A_606 : i32
      %sign3A_608 = arith.extui %sign3A_607 : i1 to i32
      %sign3A_609 = arith.subi %sign3A_605, %sign3A_608 : i32
      %ne3A_610 = arith.cmpi ne, %sign3A_602, %sign3A_609 : i32
      %rem3A_611 = arith.remsi %add3A_593, %jit3A_594 : i32
      %ne3A_612 = arith.constant 0 : i32
      %ne3A_613 = arith.cmpi ne, %rem3A_611, %ne3A_612 : i32
      %and3A_614 = arith.andi %ne3A_610, %ne3A_613 : i1
      %sub3A_615 = arith.constant 1 : i32
      %sub3A_616 = arith.subi %div3A_595, %sub3A_615 : i32
      %select_n3A_617 = arith.select %and3A_614, %sub3A_616, %div3A_595 : i32
      %jit3A_618 = arith.constant 8 : i32
      %eq3A_619 = arith.constant 0 : i32
      %eq3A_620 = arith.cmpi eq, %jit3A_618, %eq3A_619 : i32
      %jit3A_621 = arith.constant 1 : i32
      %select_n3A_622 = arith.select %eq3A_620, %jit3A_621, %jit3A_618 : i32
      %rem3A_623 = arith.remsi %add3A_593, %select_n3A_622 : i32
      %ne3A_624 = arith.constant 0 : i32
      %ne3A_625 = arith.cmpi ne, %rem3A_623, %ne3A_624 : i32
      %lt3A_626 = arith.constant 0 : i32
      %lt3A_627 = arith.cmpi slt, %rem3A_623, %lt3A_626 : i32
      %lt3A_628 = arith.constant 0 : i32
      %lt3A_629 = arith.cmpi slt, %select_n3A_622, %lt3A_628 : i32
      %ne3A_630 = arith.xori %lt3A_627, %lt3A_629 : i1
      %and3A_631 = arith.andi %ne3A_630, %ne3A_625 : i1
      %add3A_632 = arith.addi %rem3A_623, %select_n3A_622 : i32
      %select_n3A_633 = arith.select %and3A_631, %add3A_632, %rem3A_623 : i32
      %add3A_634 = arith.constant 28 : i32
      %add3A_635 = arith.addi %add3A_634, %select_n3A_617 : i32
      %get3A_636 = arith.index_cast %add3A_635 : i32 to index
      %get3A_637 = arith.constant 0 : index
      %get3A_638 = tpu.vector_load %arg12[%get3A_636, %get3A_637] {strides = array<i32>} : memref<243x64xf32, #tpu.memory_space<vmem>>, vector<16xf32>,
      %add3A_639 = arith.addf %add3A_235, %get3A_638 : vector<16xf32>
      %add3A_640 = arith.constant 35 : i32
      %add3A_641 = arith.addi %add3A_640, %select_n3A_633 : i32
      %get3A_642 = arith.index_cast %add3A_641 : i32 to index
      %get3A_643 = arith.constant 0 : index
      %get3A_644 = tpu.vector_load %arg12[%get3A_642, %get3A_643] {strides = array<i32>} : memref<243x64xf32, #tpu.memory_space<vmem>>, vector<16xf32>,
      %add3A_645 = arith.addf %add3A_639, %get3A_644 : vector<16xf32>
      %mul3A_646 = arith.constant 8.000000e+00 : f32
      %mul3A_647 = vector.broadcast %mul3A_646 : f32 to vector<16xf32>
      %mul3A_648 = arith.mulf %add3A_645, %mul3A_647 : vector<16xf32>
      %swap3A = arith.index_cast %add3A_593 : i32 to index
      %swap3A_649 = arith.constant 0 : index
      %swap3A_650 = tpu.vector_load %arg10[%swap3A, %swap3A_649] {strides = array<i32>} : memref<128x64xf32, #tpu.memory_space<vmem>>, vector<16xf32>,
      tpu.vector_store %arg10[%swap3A, %swap3A_649], %mul3A_648 {strides = array<i32>} : memref<128x64xf32, #tpu.memory_space<vmem>>, vector<16xf32>,
      %add3A_651 = arith.constant 28 : i32
      %add3A_652 = arith.addi %add3A_651, %select_n3A_617 : i32
      %get3A_653 = arith.index_cast %add3A_652 : i32 to index
      %get3A_654 = arith.constant 16 : index
      %get3A_655 = tpu.vector_load %arg12[%get3A_653, %get3A_654] {strides = array<i32>} : memref<243x64xf32, #tpu.memory_space<vmem>>, vector<16xf32>,
      %add3A_656 = arith.addf %add3A_246, %get3A_655 : vector<16xf32>
      %add3A_657 = arith.constant 35 : i32
      %add3A_658 = arith.addi %add3A_657, %select_n3A_633 : i32
      %get3A_659 = arith.index_cast %add3A_658 : i32 to index
      %get3A_660 = arith.constant 16 : index
      %get3A_661 = tpu.vector_load %arg12[%get3A_659, %get3A_660] {strides = array<i32>} : memref<243x64xf32, #tpu.memory_space<vmem>>, vector<16xf32>,
      %add3A_662 = arith.addf %add3A_656, %get3A_661 : vector<16xf32>
      %mul3A_663 = arith.constant 8.000000e+00 : f32
      %mul3A_664 = vector.broadcast %mul3A_663 : f32 to vector<16xf32>
      %mul3A_665 = arith.mulf %add3A_662, %mul3A_664 : vector<16xf32>
      %swap3A_666 = arith.index_cast %add3A_593 : i32 to index
      %swap3A_667 = arith.constant 16 : index
      %swap3A_668 = tpu.vector_load %arg10[%swap3A_666, %swap3A_667] {strides = array<i32>} : memref<128x64xf32, #tpu.memory_space<vmem>>, vector<16xf32>,
      tpu.vector_store %arg10[%swap3A_666, %swap3A_667], %mul3A_665 {strides = array<i32>} : memref<128x64xf32, #tpu.memory_space<vmem>>, vector<16xf32>,
      %add3A_669 = arith.constant 28 : i32
      %add3A_670 = arith.addi %add3A_669, %select_n3A_617 : i32
      %get3A_671 = arith.index_cast %add3A_670 : i32 to index
      %get3A_672 = arith.constant 32 : index
      %get3A_673 = tpu.vector_load %arg12[%get3A_671, %get3A_672] {strides = array<i32>} : memref<243x64xf32, #tpu.memory_space<vmem>>, vector<16xf32>,
      %add3A_674 = arith.addf %add3A_257, %get3A_673 : vector<16xf32>
      %add3A_675 = arith.constant 35 : i32
      %add3A_676 = arith.addi %add3A_675, %select_n3A_633 : i32
      %get3A_677 = arith.index_cast %add3A_676 : i32 to index
      %get3A_678 = arith.constant 32 : index
      %get3A_679 = tpu.vector_load %arg12[%get3A_677, %get3A_678] {strides = array<i32>} : memref<243x64xf32, #tpu.memory_space<vmem>>, vector<16xf32>,
      %add3A_680 = arith.addf %add3A_674, %get3A_679 : vector<16xf32>
      %mul3A_681 = arith.constant 8.000000e+00 : f32
      %mul3A_682 = vector.broadcast %mul3A_681 : f32 to vector<16xf32>
      %mul3A_683 = arith.mulf %add3A_680, %mul3A_682 : vector<16xf32>
      %swap3A_684 = arith.index_cast %add3A_593 : i32 to index
      %swap3A_685 = arith.constant 32 : index
      %swap3A_686 = tpu.vector_load %arg10[%swap3A_684, %swap3A_685] {strides = array<i32>} : memref<128x64xf32, #tpu.memory_space<vmem>>, vector<16xf32>,
      tpu.vector_store %arg10[%swap3A_684, %swap3A_685], %mul3A_683 {strides = array<i32>} : memref<128x64xf32, #tpu.memory_space<vmem>>, vector<16xf32>,
      %add3A_687 = arith.constant 28 : i32
      %add3A_688 = arith.addi %add3A_687, %select_n3A_617 : i32
      %get3A_689 = arith.index_cast %add3A_688 : i32 to index
      %get3A_690 = arith.constant 48 : index
      %get3A_691 = tpu.vector_load %arg12[%get3A_689, %get3A_690] {strides = array<i32>} : memref<243x64xf32, #tpu.memory_space<vmem>>, vector<16xf32>,
      %add3A_692 = arith.addf %add3A_268, %get3A_691 : vector<16xf32>
      %add3A_693 = arith.constant 35 : i32
      %add3A_694 = arith.addi %add3A_693, %select_n3A_633 : i32
      %get3A_695 = arith.index_cast %add3A_694 : i32 to index
      %get3A_696 = arith.constant 48 : index
      %get3A_697 = tpu.vector_load %arg12[%get3A_695, %get3A_696] {strides = array<i32>} : memref<243x64xf32, #tpu.memory_space<vmem>>, vector<16xf32>,
      %add3A_698 = arith.addf %add3A_692, %get3A_697 : vector<16xf32>
      %mul3A_699 = arith.constant 8.000000e+00 : f32
      %mul3A_700 = vector.broadcast %mul3A_699 : f32 to vector<16xf32>
      %mul3A_701 = arith.mulf %add3A_698, %mul3A_700 : vector<16xf32>
      %swap3A_702 = arith.index_cast %add3A_593 : i32 to index
      %swap3A_703 = arith.constant 48 : index
      %swap3A_704 = tpu.vector_load %arg10[%swap3A_702, %swap3A_703] {strides = array<i32>} : memref<128x64xf32, #tpu.memory_space<vmem>>, vector<16xf32>,
      tpu.vector_store %arg10[%swap3A_702, %swap3A_703], %mul3A_701 {strides = array<i32>} : memref<128x64xf32, #tpu.memory_space<vmem>>, vector<16xf32>,
    }
    %scan3A_273 = arith.constant 56 : i32
    %mul3A_274 = arith.constant 56 : i32
    %mul3A_275 = arith.muli %add3A_184, %mul3A_274 : i32
    "tpu.region"() ({
      %run_scoped3A = tpu.sem_alloc : memref<!tpu.dma_semaphore, #tpu.memory_space<semaphore_mem>>
      %dma_start3A_589 = arith.constant 0 : i32
      %dma_start3A_590 = arith.constant 0 : i32
      %dma_start3A_591 = tpu.memref_slice %arg10[%dma_start3A_589, %dma_start3A_590] : memref<128x64xf32, #tpu.memory_space<vmem>> -> memref<56x64xf32, #tpu.memory_space<vmem>>
      %dma_start3A_592 = arith.constant 0 : i32
      %dma_start3A_593 = tpu.memref_slice %arg13[%mul3A_275, %dma_start3A_592] : memref<5376x64xf32, #tpu.memory_space<vmem_shared>> -> memref<56x64xf32, #tpu.memory_space<vmem_shared>>
      %dma_start3A_594 = arith.constant 0 : i32
      %dma_start3A_595 = tpu.memref_slice %arg13[%mul3A_275, %dma_start3A_594] : memref<5376x64xf32, #tpu.memory_space<vmem_shared>> -> memref<56x64xf32, #tpu.memory_space<vmem_shared>>
      %dma_start3A_596 = arith.constant 0 : i32
      %dma_start3A_597 = arith.constant 0 : i32
      %dma_start3A_598 = tpu.memref_slice %arg10[%dma_start3A_596, %dma_start3A_597] : memref<128x64xf32, #tpu.memory_space<vmem>> -> memref<56x64xf32, #tpu.memory_space<vmem>>
      tpu.enqueue_dma source(%dma_start3A_598 : memref<56x64xf32, #tpu.memory_space<vmem>>) target(%dma_start3A_595 : memref<56x64xf32, #tpu.memory_space<vmem_shared>>) target_semaphore(%run_scoped3A : memref<!tpu.dma_semaphore, #tpu.memory_space<semaphore_mem>>)
      %dma_wait3A_599 = arith.constant 0 : i32
      %dma_wait3A_600 = arith.constant 0 : i32
      %dma_wait3A_601 = tpu.memref_slice %arg10[%dma_wait3A_599, %dma_wait3A_600] : memref<128x64xf32, #tpu.memory_space<vmem>> -> memref<56x64xf32, #tpu.memory_space<vmem>>
      %dma_wait3A_602 = arith.constant 0 : i32
      %dma_wait3A_603 = tpu.memref_slice %arg13[%mul3A_275, %dma_wait3A_602] : memref<5376x64xf32, #tpu.memory_space<vmem_shared>> -> memref<56x64xf32, #tpu.memory_space<vmem_shared>>
      %dma_wait3A_604 = arith.constant 0 : i32
      %dma_wait3A_605 = tpu.memref_slice %arg13[%mul3A_275, %dma_wait3A_604] : memref<5376x64xf32, #tpu.memory_space<vmem_shared>> -> memref<56x64xf32, #tpu.memory_space<vmem_shared>>
      %dma_wait3A_606 = arith.constant 0 : i32
      %dma_wait3A_607 = arith.constant 0 : i32
      %dma_wait3A_608 = tpu.memref_slice %arg10[%dma_wait3A_606, %dma_wait3A_607] : memref<128x64xf32, #tpu.memory_space<vmem>> -> memref<56x64xf32, #tpu.memory_space<vmem>>
      tpu.wait_dma2 semaphore(%run_scoped3A : memref<!tpu.dma_semaphore, #tpu.memory_space<semaphore_mem>>) src(%dma_wait3A_608 : memref<56x64xf32, #tpu.memory_space<vmem>>) dst(%dma_wait3A_605 : memref<56x64xf32, #tpu.memory_space<vmem_shared>>)
      tpu.yield
    }) : () -> ()
    %mul3A_276 = arith.constant 6 : i32
    %mul3A_277 = arith.muli %arg1, %mul3A_276 : i32
    %add3A_278 = arith.constant 3 : i32
    %add3A_279 = arith.addi %mul3A_277, %add3A_278 : i32
    %jit3A_280 = arith.constant 4 : i32
    %div3A_281 = arith.divsi %add3A_279, %jit3A_280 : i32
    %sign3A_282 = arith.constant 0 : i32
    %sign3A_283 = arith.cmpi sgt, %add3A_279, %sign3A_282 : i32
    %sign3A_284 = arith.extui %sign3A_283 : i1 to i32
    %sign3A_285 = arith.constant 0 : i32
    %sign3A_286 = arith.cmpi slt, %add3A_279, %sign3A_285 : i32
    %sign3A_287 = arith.extui %sign3A_286 : i1 to i32
    %sign3A_288 = arith.subi %sign3A_284, %sign3A_287 : i32
    %sign3A_289 = arith.constant 0 : i32
    %sign3A_290 = arith.cmpi sgt, %jit3A_280, %sign3A_289 : i32
    %sign3A_291 = arith.extui %sign3A_290 : i1 to i32
    %sign3A_292 = arith.constant 0 : i32
    %sign3A_293 = arith.cmpi slt, %jit3A_280, %sign3A_292 : i32
    %sign3A_294 = arith.extui %sign3A_293 : i1 to i32
    %sign3A_295 = arith.subi %sign3A_291, %sign3A_294 : i32
    %ne3A_296 = arith.cmpi ne, %sign3A_288, %sign3A_295 : i32
    %rem3A_297 = arith.remsi %add3A_279, %jit3A_280 : i32
    %ne3A_298 = arith.constant 0 : i32
    %ne3A_299 = arith.cmpi ne, %rem3A_297, %ne3A_298 : i32
    %and3A_300 = arith.andi %ne3A_296, %ne3A_299 : i1
    %sub3A_301 = arith.constant 1 : i32
    %sub3A_302 = arith.subi %div3A_281, %sub3A_301 : i32
    %select_n3A_303 = arith.select %and3A_300, %sub3A_302, %div3A_281 : i32
    %jit3A_304 = arith.constant 4 : i32
    %eq3A_305 = arith.constant 0 : i32
    %eq3A_306 = arith.cmpi eq, %jit3A_304, %eq3A_305 : i32
    %jit3A_307 = arith.constant 1 : i32
    %select_n3A_308 = arith.select %eq3A_306, %jit3A_307, %jit3A_304 : i32
    %rem3A_309 = arith.remsi %add3A_279, %select_n3A_308 : i32
    %ne3A_310 = arith.constant 0 : i32
    %ne3A_311 = arith.cmpi ne, %rem3A_309, %ne3A_310 : i32
    %lt3A_312 = arith.constant 0 : i32
    %lt3A_313 = arith.cmpi slt, %rem3A_309, %lt3A_312 : i32
    %lt3A_314 = arith.constant 0 : i32
    %lt3A_315 = arith.cmpi slt, %select_n3A_308, %lt3A_314 : i32
    %ne3A_316 = arith.xori %lt3A_313, %lt3A_315 : i1
    %and3A_317 = arith.andi %ne3A_316, %ne3A_311 : i1
    %add3A_318 = arith.addi %rem3A_309, %select_n3A_308 : i32
    %select_n3A_319 = arith.select %and3A_317, %add3A_318, %rem3A_309 : i32
    %add3A_320 = arith.constant 0 : i32
    %add3A_321 = arith.addi %add3A_320, %select_n3A_303 : i32
    %get3A_322 = arith.index_cast %add3A_321 : i32 to index
    %get3A_323 = arith.constant 0 : index
    %get3A_324 = tpu.vector_load %arg12[%get3A_322, %get3A_323] {strides = array<i32>} : memref<243x64xf32, #tpu.memory_space<vmem>>, vector<16xf32>,
    %add3A_325 = arith.constant 24 : i32
    %add3A_326 = arith.addi %add3A_325, %select_n3A_319 : i32
    %get3A_327 = arith.index_cast %add3A_326 : i32 to index
    %get3A_328 = arith.constant 0 : index
    %get3A_329 = tpu.vector_load %arg12[%get3A_327, %get3A_328] {strides = array<i32>} : memref<243x64xf32, #tpu.memory_space<vmem>>, vector<16xf32>,
    %add3A_330 = arith.addf %get3A_324, %get3A_329 : vector<16xf32>
    %add3A_331 = arith.constant 0 : i32
    %add3A_332 = arith.addi %add3A_331, %select_n3A_303 : i32
    %get3A_333 = arith.index_cast %add3A_332 : i32 to index
    %get3A_334 = arith.constant 16 : index
    %get3A_335 = tpu.vector_load %arg12[%get3A_333, %get3A_334] {strides = array<i32>} : memref<243x64xf32, #tpu.memory_space<vmem>>, vector<16xf32>,
    %add3A_336 = arith.constant 24 : i32
    %add3A_337 = arith.addi %add3A_336, %select_n3A_319 : i32
    %get3A_338 = arith.index_cast %add3A_337 : i32 to index
    %get3A_339 = arith.constant 16 : index
    %get3A_340 = tpu.vector_load %arg12[%get3A_338, %get3A_339] {strides = array<i32>} : memref<243x64xf32, #tpu.memory_space<vmem>>, vector<16xf32>,
    %add3A_341 = arith.addf %get3A_335, %get3A_340 : vector<16xf32>
    %add3A_342 = arith.constant 0 : i32
    %add3A_343 = arith.addi %add3A_342, %select_n3A_303 : i32
    %get3A_344 = arith.index_cast %add3A_343 : i32 to index
    %get3A_345 = arith.constant 32 : index
    %get3A_346 = tpu.vector_load %arg12[%get3A_344, %get3A_345] {strides = array<i32>} : memref<243x64xf32, #tpu.memory_space<vmem>>, vector<16xf32>,
    %add3A_347 = arith.constant 24 : i32
    %add3A_348 = arith.addi %add3A_347, %select_n3A_319 : i32
    %get3A_349 = arith.index_cast %add3A_348 : i32 to index
    %get3A_350 = arith.constant 32 : index
    %get3A_351 = tpu.vector_load %arg12[%get3A_349, %get3A_350] {strides = array<i32>} : memref<243x64xf32, #tpu.memory_space<vmem>>, vector<16xf32>,
    %add3A_352 = arith.addf %get3A_346, %get3A_351 : vector<16xf32>
    %add3A_353 = arith.constant 0 : i32
    %add3A_354 = arith.addi %add3A_353, %select_n3A_303 : i32
    %get3A_355 = arith.index_cast %add3A_354 : i32 to index
    %get3A_356 = arith.constant 48 : index
    %get3A_357 = tpu.vector_load %arg12[%get3A_355, %get3A_356] {strides = array<i32>} : memref<243x64xf32, #tpu.memory_space<vmem>>, vector<16xf32>,
    %add3A_358 = arith.constant 24 : i32
    %add3A_359 = arith.addi %add3A_358, %select_n3A_319 : i32
    %get3A_360 = arith.index_cast %add3A_359 : i32 to index
    %get3A_361 = arith.constant 48 : index
    %get3A_362 = tpu.vector_load %arg12[%get3A_360, %get3A_361] {strides = array<i32>} : memref<243x64xf32, #tpu.memory_space<vmem>>, vector<16xf32>,
    %add3A_363 = arith.addf %get3A_357, %get3A_362 : vector<16xf32>
    %scan3A_364 = arith.constant 0 : i32
    %scan3A_365 = arith.constant 56 : i32
    %scan3A_366 = arith.addi %scan3A_364, %scan3A_365 : i32
    %scan3A_367 = arith.constant 1 : i32
    scf.for %scan3A_589 = %scan3A_364 to %scan3A_366 step %scan3A_367  : i32 {
      %mul3A_590 = arith.constant 1 : i32
      %mul3A_591 = arith.muli %scan3A_589, %mul3A_590 : i32
      %add3A_592 = arith.constant 0 : i32
      %add3A_593 = arith.addi %add3A_592, %mul3A_591 : i32
      %jit3A_594 = arith.constant 8 : i32
      %div3A_595 = arith.divsi %add3A_593, %jit3A_594 : i32
      %sign3A_596 = arith.constant 0 : i32
      %sign3A_597 = arith.cmpi sgt, %add3A_593, %sign3A_596 : i32
      %sign3A_598 = arith.extui %sign3A_597 : i1 to i32
      %sign3A_599 = arith.constant 0 : i32
      %sign3A_600 = arith.cmpi slt, %add3A_593, %sign3A_599 : i32
      %sign3A_601 = arith.extui %sign3A_600 : i1 to i32
      %sign3A_602 = arith.subi %sign3A_598, %sign3A_601 : i32
      %sign3A_603 = arith.constant 0 : i32
      %sign3A_604 = arith.cmpi sgt, %jit3A_594, %sign3A_603 : i32
      %sign3A_605 = arith.extui %sign3A_604 : i1 to i32
      %sign3A_606 = arith.constant 0 : i32
      %sign3A_607 = arith.cmpi slt, %jit3A_594, %sign3A_606 : i32
      %sign3A_608 = arith.extui %sign3A_607 : i1 to i32
      %sign3A_609 = arith.subi %sign3A_605, %sign3A_608 : i32
      %ne3A_610 = arith.cmpi ne, %sign3A_602, %sign3A_609 : i32
      %rem3A_611 = arith.remsi %add3A_593, %jit3A_594 : i32
      %ne3A_612 = arith.constant 0 : i32
      %ne3A_613 = arith.cmpi ne, %rem3A_611, %ne3A_612 : i32
      %and3A_614 = arith.andi %ne3A_610, %ne3A_613 : i1
      %sub3A_615 = arith.constant 1 : i32
      %sub3A_616 = arith.subi %div3A_595, %sub3A_615 : i32
      %select_n3A_617 = arith.select %and3A_614, %sub3A_616, %div3A_595 : i32
      %jit3A_618 = arith.constant 8 : i32
      %eq3A_619 = arith.constant 0 : i32
      %eq3A_620 = arith.cmpi eq, %jit3A_618, %eq3A_619 : i32
      %jit3A_621 = arith.constant 1 : i32
      %select_n3A_622 = arith.select %eq3A_620, %jit3A_621, %jit3A_618 : i32
      %rem3A_623 = arith.remsi %add3A_593, %select_n3A_622 : i32
      %ne3A_624 = arith.constant 0 : i32
      %ne3A_625 = arith.cmpi ne, %rem3A_623, %ne3A_624 : i32
      %lt3A_626 = arith.constant 0 : i32
      %lt3A_627 = arith.cmpi slt, %rem3A_623, %lt3A_626 : i32
      %lt3A_628 = arith.constant 0 : i32
      %lt3A_629 = arith.cmpi slt, %select_n3A_622, %lt3A_628 : i32
      %ne3A_630 = arith.xori %lt3A_627, %lt3A_629 : i1
      %and3A_631 = arith.andi %ne3A_630, %ne3A_625 : i1
      %add3A_632 = arith.addi %rem3A_623, %select_n3A_622 : i32
      %select_n3A_633 = arith.select %and3A_631, %add3A_632, %rem3A_623 : i32
      %add3A_634 = arith.constant 28 : i32
      %add3A_635 = arith.addi %add3A_634, %select_n3A_617 : i32
      %get3A_636 = arith.index_cast %add3A_635 : i32 to index
      %get3A_637 = arith.constant 0 : index
      %get3A_638 = tpu.vector_load %arg12[%get3A_636, %get3A_637] {strides = array<i32>} : memref<243x64xf32, #tpu.memory_space<vmem>>, vector<16xf32>,
      %add3A_639 = arith.addf %add3A_330, %get3A_638 : vector<16xf32>
      %add3A_640 = arith.constant 35 : i32
      %add3A_641 = arith.addi %add3A_640, %select_n3A_633 : i32
      %get3A_642 = arith.index_cast %add3A_641 : i32 to index
      %get3A_643 = arith.constant 0 : index
      %get3A_644 = tpu.vector_load %arg12[%get3A_642, %get3A_643] {strides = array<i32>} : memref<243x64xf32, #tpu.memory_space<vmem>>, vector<16xf32>,
      %add3A_645 = arith.addf %add3A_639, %get3A_644 : vector<16xf32>
      %mul3A_646 = arith.constant 8.000000e+00 : f32
      %mul3A_647 = vector.broadcast %mul3A_646 : f32 to vector<16xf32>
      %mul3A_648 = arith.mulf %add3A_645, %mul3A_647 : vector<16xf32>
      %swap3A = arith.index_cast %add3A_593 : i32 to index
      %swap3A_649 = arith.constant 0 : index
      %swap3A_650 = tpu.vector_load %arg10[%swap3A, %swap3A_649] {strides = array<i32>} : memref<128x64xf32, #tpu.memory_space<vmem>>, vector<16xf32>,
      tpu.vector_store %arg10[%swap3A, %swap3A_649], %mul3A_648 {strides = array<i32>} : memref<128x64xf32, #tpu.memory_space<vmem>>, vector<16xf32>,
      %add3A_651 = arith.constant 28 : i32
      %add3A_652 = arith.addi %add3A_651, %select_n3A_617 : i32
      %get3A_653 = arith.index_cast %add3A_652 : i32 to index
      %get3A_654 = arith.constant 16 : index
      %get3A_655 = tpu.vector_load %arg12[%get3A_653, %get3A_654] {strides = array<i32>} : memref<243x64xf32, #tpu.memory_space<vmem>>, vector<16xf32>,
      %add3A_656 = arith.addf %add3A_341, %get3A_655 : vector<16xf32>
      %add3A_657 = arith.constant 35 : i32
      %add3A_658 = arith.addi %add3A_657, %select_n3A_633 : i32
      %get3A_659 = arith.index_cast %add3A_658 : i32 to index
      %get3A_660 = arith.constant 16 : index
      %get3A_661 = tpu.vector_load %arg12[%get3A_659, %get3A_660] {strides = array<i32>} : memref<243x64xf32, #tpu.memory_space<vmem>>, vector<16xf32>,
      %add3A_662 = arith.addf %add3A_656, %get3A_661 : vector<16xf32>
      %mul3A_663 = arith.constant 8.000000e+00 : f32
      %mul3A_664 = vector.broadcast %mul3A_663 : f32 to vector<16xf32>
      %mul3A_665 = arith.mulf %add3A_662, %mul3A_664 : vector<16xf32>
      %swap3A_666 = arith.index_cast %add3A_593 : i32 to index
      %swap3A_667 = arith.constant 16 : index
      %swap3A_668 = tpu.vector_load %arg10[%swap3A_666, %swap3A_667] {strides = array<i32>} : memref<128x64xf32, #tpu.memory_space<vmem>>, vector<16xf32>,
      tpu.vector_store %arg10[%swap3A_666, %swap3A_667], %mul3A_665 {strides = array<i32>} : memref<128x64xf32, #tpu.memory_space<vmem>>, vector<16xf32>,
      %add3A_669 = arith.constant 28 : i32
      %add3A_670 = arith.addi %add3A_669, %select_n3A_617 : i32
      %get3A_671 = arith.index_cast %add3A_670 : i32 to index
      %get3A_672 = arith.constant 32 : index
      %get3A_673 = tpu.vector_load %arg12[%get3A_671, %get3A_672] {strides = array<i32>} : memref<243x64xf32, #tpu.memory_space<vmem>>, vector<16xf32>,
      %add3A_674 = arith.addf %add3A_352, %get3A_673 : vector<16xf32>
      %add3A_675 = arith.constant 35 : i32
      %add3A_676 = arith.addi %add3A_675, %select_n3A_633 : i32
      %get3A_677 = arith.index_cast %add3A_676 : i32 to index
      %get3A_678 = arith.constant 32 : index
      %get3A_679 = tpu.vector_load %arg12[%get3A_677, %get3A_678] {strides = array<i32>} : memref<243x64xf32, #tpu.memory_space<vmem>>, vector<16xf32>,
      %add3A_680 = arith.addf %add3A_674, %get3A_679 : vector<16xf32>
      %mul3A_681 = arith.constant 8.000000e+00 : f32
      %mul3A_682 = vector.broadcast %mul3A_681 : f32 to vector<16xf32>
      %mul3A_683 = arith.mulf %add3A_680, %mul3A_682 : vector<16xf32>
      %swap3A_684 = arith.index_cast %add3A_593 : i32 to index
      %swap3A_685 = arith.constant 32 : index
      %swap3A_686 = tpu.vector_load %arg10[%swap3A_684, %swap3A_685] {strides = array<i32>} : memref<128x64xf32, #tpu.memory_space<vmem>>, vector<16xf32>,
      tpu.vector_store %arg10[%swap3A_684, %swap3A_685], %mul3A_683 {strides = array<i32>} : memref<128x64xf32, #tpu.memory_space<vmem>>, vector<16xf32>,
      %add3A_687 = arith.constant 28 : i32
      %add3A_688 = arith.addi %add3A_687, %select_n3A_617 : i32
      %get3A_689 = arith.index_cast %add3A_688 : i32 to index
      %get3A_690 = arith.constant 48 : index
      %get3A_691 = tpu.vector_load %arg12[%get3A_689, %get3A_690] {strides = array<i32>} : memref<243x64xf32, #tpu.memory_space<vmem>>, vector<16xf32>,
      %add3A_692 = arith.addf %add3A_363, %get3A_691 : vector<16xf32>
      %add3A_693 = arith.constant 35 : i32
      %add3A_694 = arith.addi %add3A_693, %select_n3A_633 : i32
      %get3A_695 = arith.index_cast %add3A_694 : i32 to index
      %get3A_696 = arith.constant 48 : index
      %get3A_697 = tpu.vector_load %arg12[%get3A_695, %get3A_696] {strides = array<i32>} : memref<243x64xf32, #tpu.memory_space<vmem>>, vector<16xf32>,
      %add3A_698 = arith.addf %add3A_692, %get3A_697 : vector<16xf32>
      %mul3A_699 = arith.constant 8.000000e+00 : f32
      %mul3A_700 = vector.broadcast %mul3A_699 : f32 to vector<16xf32>
      %mul3A_701 = arith.mulf %add3A_698, %mul3A_700 : vector<16xf32>
      %swap3A_702 = arith.index_cast %add3A_593 : i32 to index
      %swap3A_703 = arith.constant 48 : index
      %swap3A_704 = tpu.vector_load %arg10[%swap3A_702, %swap3A_703] {strides = array<i32>} : memref<128x64xf32, #tpu.memory_space<vmem>>, vector<16xf32>,
      tpu.vector_store %arg10[%swap3A_702, %swap3A_703], %mul3A_701 {strides = array<i32>} : memref<128x64xf32, #tpu.memory_space<vmem>>, vector<16xf32>,
    }
    %scan3A_368 = arith.constant 56 : i32
    %mul3A_369 = arith.constant 56 : i32
    %mul3A_370 = arith.muli %add3A_279, %mul3A_369 : i32
    "tpu.region"() ({
      %run_scoped3A = tpu.sem_alloc : memref<!tpu.dma_semaphore, #tpu.memory_space<semaphore_mem>>
      %dma_start3A_589 = arith.constant 0 : i32
      %dma_start3A_590 = arith.constant 0 : i32
      %dma_start3A_591 = tpu.memref_slice %arg10[%dma_start3A_589, %dma_start3A_590] : memref<128x64xf32, #tpu.memory_space<vmem>> -> memref<56x64xf32, #tpu.memory_space<vmem>>
      %dma_start3A_592 = arith.constant 0 : i32
      %dma_start3A_593 = tpu.memref_slice %arg13[%mul3A_370, %dma_start3A_592] : memref<5376x64xf32, #tpu.memory_space<vmem_shared>> -> memref<56x64xf32, #tpu.memory_space<vmem_shared>>
      %dma_start3A_594 = arith.constant 0 : i32
      %dma_start3A_595 = tpu.memref_slice %arg13[%mul3A_370, %dma_start3A_594] : memref<5376x64xf32, #tpu.memory_space<vmem_shared>> -> memref<56x64xf32, #tpu.memory_space<vmem_shared>>
      %dma_start3A_596 = arith.constant 0 : i32
      %dma_start3A_597 = arith.constant 0 : i32
      %dma_start3A_598 = tpu.memref_slice %arg10[%dma_start3A_596, %dma_start3A_597] : memref<128x64xf32, #tpu.memory_space<vmem>> -> memref<56x64xf32, #tpu.memory_space<vmem>>
      tpu.enqueue_dma source(%dma_start3A_598 : memref<56x64xf32, #tpu.memory_space<vmem>>) target(%dma_start3A_595 : memref<56x64xf32, #tpu.memory_space<vmem_shared>>) target_semaphore(%run_scoped3A : memref<!tpu.dma_semaphore, #tpu.memory_space<semaphore_mem>>)
      %dma_wait3A_599 = arith.constant 0 : i32
      %dma_wait3A_600 = arith.constant 0 : i32
      %dma_wait3A_601 = tpu.memref_slice %arg10[%dma_wait3A_599, %dma_wait3A_600] : memref<128x64xf32, #tpu.memory_space<vmem>> -> memref<56x64xf32, #tpu.memory_space<vmem>>
      %dma_wait3A_602 = arith.constant 0 : i32
      %dma_wait3A_603 = tpu.memref_slice %arg13[%mul3A_370, %dma_wait3A_602] : memref<5376x64xf32, #tpu.memory_space<vmem_shared>> -> memref<56x64xf32, #tpu.memory_space<vmem_shared>>
      %dma_wait3A_604 = arith.constant 0 : i32
      %dma_wait3A_605 = tpu.memref_slice %arg13[%mul3A_370, %dma_wait3A_604] : memref<5376x64xf32, #tpu.memory_space<vmem_shared>> -> memref<56x64xf32, #tpu.memory_space<vmem_shared>>
      %dma_wait3A_606 = arith.constant 0 : i32
      %dma_wait3A_607 = arith.constant 0 : i32
      %dma_wait3A_608 = tpu.memref_slice %arg10[%dma_wait3A_606, %dma_wait3A_607] : memref<128x64xf32, #tpu.memory_space<vmem>> -> memref<56x64xf32, #tpu.memory_space<vmem>>
      tpu.wait_dma2 semaphore(%run_scoped3A : memref<!tpu.dma_semaphore, #tpu.memory_space<semaphore_mem>>) src(%dma_wait3A_608 : memref<56x64xf32, #tpu.memory_space<vmem>>) dst(%dma_wait3A_605 : memref<56x64xf32, #tpu.memory_space<vmem_shared>>)
      tpu.yield
    }) : () -> ()
    %mul3A_371 = arith.constant 6 : i32
    %mul3A_372 = arith.muli %arg1, %mul3A_371 : i32
    %add3A_373 = arith.constant 4 : i32
    %add3A_374 = arith.addi %mul3A_372, %add3A_373 : i32
    %jit3A_375 = arith.constant 4 : i32
    %div3A_376 = arith.divsi %add3A_374, %jit3A_375 : i32
    %sign3A_377 = arith.constant 0 : i32
    %sign3A_378 = arith.cmpi sgt, %add3A_374, %sign3A_377 : i32
    %sign3A_379 = arith.extui %sign3A_378 : i1 to i32
    %sign3A_380 = arith.constant 0 : i32
    %sign3A_381 = arith.cmpi slt, %add3A_374, %sign3A_380 : i32
    %sign3A_382 = arith.extui %sign3A_381 : i1 to i32
    %sign3A_383 = arith.subi %sign3A_379, %sign3A_382 : i32
    %sign3A_384 = arith.constant 0 : i32
    %sign3A_385 = arith.cmpi sgt, %jit3A_375, %sign3A_384 : i32
    %sign3A_386 = arith.extui %sign3A_385 : i1 to i32
    %sign3A_387 = arith.constant 0 : i32
    %sign3A_388 = arith.cmpi slt, %jit3A_375, %sign3A_387 : i32
    %sign3A_389 = arith.extui %sign3A_388 : i1 to i32
    %sign3A_390 = arith.subi %sign3A_386, %sign3A_389 : i32
    %ne3A_391 = arith.cmpi ne, %sign3A_383, %sign3A_390 : i32
    %rem3A_392 = arith.remsi %add3A_374, %jit3A_375 : i32
    %ne3A_393 = arith.constant 0 : i32
    %ne3A_394 = arith.cmpi ne, %rem3A_392, %ne3A_393 : i32
    %and3A_395 = arith.andi %ne3A_391, %ne3A_394 : i1
    %sub3A_396 = arith.constant 1 : i32
    %sub3A_397 = arith.subi %div3A_376, %sub3A_396 : i32
    %select_n3A_398 = arith.select %and3A_395, %sub3A_397, %div3A_376 : i32
    %jit3A_399 = arith.constant 4 : i32
    %eq3A_400 = arith.constant 0 : i32
    %eq3A_401 = arith.cmpi eq, %jit3A_399, %eq3A_400 : i32
    %jit3A_402 = arith.constant 1 : i32
    %select_n3A_403 = arith.select %eq3A_401, %jit3A_402, %jit3A_399 : i32
    %rem3A_404 = arith.remsi %add3A_374, %select_n3A_403 : i32
    %ne3A_405 = arith.constant 0 : i32
    %ne3A_406 = arith.cmpi ne, %rem3A_404, %ne3A_405 : i32
    %lt3A_407 = arith.constant 0 : i32
    %lt3A_408 = arith.cmpi slt, %rem3A_404, %lt3A_407 : i32
    %lt3A_409 = arith.constant 0 : i32
    %lt3A_410 = arith.cmpi slt, %select_n3A_403, %lt3A_409 : i32
    %ne3A_411 = arith.xori %lt3A_408, %lt3A_410 : i1
    %and3A_412 = arith.andi %ne3A_411, %ne3A_406 : i1
    %add3A_413 = arith.addi %rem3A_404, %select_n3A_403 : i32
    %select_n3A_414 = arith.select %and3A_412, %add3A_413, %rem3A_404 : i32
    %add3A_415 = arith.constant 0 : i32
    %add3A_416 = arith.addi %add3A_415, %select_n3A_398 : i32
    %get3A_417 = arith.index_cast %add3A_416 : i32 to index
    %get3A_418 = arith.constant 0 : index
    %get3A_419 = tpu.vector_load %arg12[%get3A_417, %get3A_418] {strides = array<i32>} : memref<243x64xf32, #tpu.memory_space<vmem>>, vector<16xf32>,
    %add3A_420 = arith.constant 24 : i32
    %add3A_421 = arith.addi %add3A_420, %select_n3A_414 : i32
    %get3A_422 = arith.index_cast %add3A_421 : i32 to index
    %get3A_423 = arith.constant 0 : index
    %get3A_424 = tpu.vector_load %arg12[%get3A_422, %get3A_423] {strides = array<i32>} : memref<243x64xf32, #tpu.memory_space<vmem>>, vector<16xf32>,
    %add3A_425 = arith.addf %get3A_419, %get3A_424 : vector<16xf32>
    %add3A_426 = arith.constant 0 : i32
    %add3A_427 = arith.addi %add3A_426, %select_n3A_398 : i32
    %get3A_428 = arith.index_cast %add3A_427 : i32 to index
    %get3A_429 = arith.constant 16 : index
    %get3A_430 = tpu.vector_load %arg12[%get3A_428, %get3A_429] {strides = array<i32>} : memref<243x64xf32, #tpu.memory_space<vmem>>, vector<16xf32>,
    %add3A_431 = arith.constant 24 : i32
    %add3A_432 = arith.addi %add3A_431, %select_n3A_414 : i32
    %get3A_433 = arith.index_cast %add3A_432 : i32 to index
    %get3A_434 = arith.constant 16 : index
    %get3A_435 = tpu.vector_load %arg12[%get3A_433, %get3A_434] {strides = array<i32>} : memref<243x64xf32, #tpu.memory_space<vmem>>, vector<16xf32>,
    %add3A_436 = arith.addf %get3A_430, %get3A_435 : vector<16xf32>
    %add3A_437 = arith.constant 0 : i32
    %add3A_438 = arith.addi %add3A_437, %select_n3A_398 : i32
    %get3A_439 = arith.index_cast %add3A_438 : i32 to index
    %get3A_440 = arith.constant 32 : index
    %get3A_441 = tpu.vector_load %arg12[%get3A_439, %get3A_440] {strides = array<i32>} : memref<243x64xf32, #tpu.memory_space<vmem>>, vector<16xf32>,
    %add3A_442 = arith.constant 24 : i32
    %add3A_443 = arith.addi %add3A_442, %select_n3A_414 : i32
    %get3A_444 = arith.index_cast %add3A_443 : i32 to index
    %get3A_445 = arith.constant 32 : index
    %get3A_446 = tpu.vector_load %arg12[%get3A_444, %get3A_445] {strides = array<i32>} : memref<243x64xf32, #tpu.memory_space<vmem>>, vector<16xf32>,
    %add3A_447 = arith.addf %get3A_441, %get3A_446 : vector<16xf32>
    %add3A_448 = arith.constant 0 : i32
    %add3A_449 = arith.addi %add3A_448, %select_n3A_398 : i32
    %get3A_450 = arith.index_cast %add3A_449 : i32 to index
    %get3A_451 = arith.constant 48 : index
    %get3A_452 = tpu.vector_load %arg12[%get3A_450, %get3A_451] {strides = array<i32>} : memref<243x64xf32, #tpu.memory_space<vmem>>, vector<16xf32>,
    %add3A_453 = arith.constant 24 : i32
    %add3A_454 = arith.addi %add3A_453, %select_n3A_414 : i32
    %get3A_455 = arith.index_cast %add3A_454 : i32 to index
    %get3A_456 = arith.constant 48 : index
    %get3A_457 = tpu.vector_load %arg12[%get3A_455, %get3A_456] {strides = array<i32>} : memref<243x64xf32, #tpu.memory_space<vmem>>, vector<16xf32>,
    %add3A_458 = arith.addf %get3A_452, %get3A_457 : vector<16xf32>
    %scan3A_459 = arith.constant 0 : i32
    %scan3A_460 = arith.constant 56 : i32
    %scan3A_461 = arith.addi %scan3A_459, %scan3A_460 : i32
    %scan3A_462 = arith.constant 1 : i32
    scf.for %scan3A_589 = %scan3A_459 to %scan3A_461 step %scan3A_462  : i32 {
      %mul3A_590 = arith.constant 1 : i32
      %mul3A_591 = arith.muli %scan3A_589, %mul3A_590 : i32
      %add3A_592 = arith.constant 0 : i32
      %add3A_593 = arith.addi %add3A_592, %mul3A_591 : i32
      %jit3A_594 = arith.constant 8 : i32
      %div3A_595 = arith.divsi %add3A_593, %jit3A_594 : i32
      %sign3A_596 = arith.constant 0 : i32
      %sign3A_597 = arith.cmpi sgt, %add3A_593, %sign3A_596 : i32
      %sign3A_598 = arith.extui %sign3A_597 : i1 to i32
      %sign3A_599 = arith.constant 0 : i32
      %sign3A_600 = arith.cmpi slt, %add3A_593, %sign3A_599 : i32
      %sign3A_601 = arith.extui %sign3A_600 : i1 to i32
      %sign3A_602 = arith.subi %sign3A_598, %sign3A_601 : i32
      %sign3A_603 = arith.constant 0 : i32
      %sign3A_604 = arith.cmpi sgt, %jit3A_594, %sign3A_603 : i32
      %sign3A_605 = arith.extui %sign3A_604 : i1 to i32
      %sign3A_606 = arith.constant 0 : i32
      %sign3A_607 = arith.cmpi slt, %jit3A_594, %sign3A_606 : i32
      %sign3A_608 = arith.extui %sign3A_607 : i1 to i32
      %sign3A_609 = arith.subi %sign3A_605, %sign3A_608 : i32
      %ne3A_610 = arith.cmpi ne, %sign3A_602, %sign3A_609 : i32
      %rem3A_611 = arith.remsi %add3A_593, %jit3A_594 : i32
      %ne3A_612 = arith.constant 0 : i32
      %ne3A_613 = arith.cmpi ne, %rem3A_611, %ne3A_612 : i32
      %and3A_614 = arith.andi %ne3A_610, %ne3A_613 : i1
      %sub3A_615 = arith.constant 1 : i32
      %sub3A_616 = arith.subi %div3A_595, %sub3A_615 : i32
      %select_n3A_617 = arith.select %and3A_614, %sub3A_616, %div3A_595 : i32
      %jit3A_618 = arith.constant 8 : i32
      %eq3A_619 = arith.constant 0 : i32
      %eq3A_620 = arith.cmpi eq, %jit3A_618, %eq3A_619 : i32
      %jit3A_621 = arith.constant 1 : i32
      %select_n3A_622 = arith.select %eq3A_620, %jit3A_621, %jit3A_618 : i32
      %rem3A_623 = arith.remsi %add3A_593, %select_n3A_622 : i32
      %ne3A_624 = arith.constant 0 : i32
      %ne3A_625 = arith.cmpi ne, %rem3A_623, %ne3A_624 : i32
      %lt3A_626 = arith.constant 0 : i32
      %lt3A_627 = arith.cmpi slt, %rem3A_623, %lt3A_626 : i32
      %lt3A_628 = arith.constant 0 : i32
      %lt3A_629 = arith.cmpi slt, %select_n3A_622, %lt3A_628 : i32
      %ne3A_630 = arith.xori %lt3A_627, %lt3A_629 : i1
      %and3A_631 = arith.andi %ne3A_630, %ne3A_625 : i1
      %add3A_632 = arith.addi %rem3A_623, %select_n3A_622 : i32
      %select_n3A_633 = arith.select %and3A_631, %add3A_632, %rem3A_623 : i32
      %add3A_634 = arith.constant 28 : i32
      %add3A_635 = arith.addi %add3A_634, %select_n3A_617 : i32
      %get3A_636 = arith.index_cast %add3A_635 : i32 to index
      %get3A_637 = arith.constant 0 : index
      %get3A_638 = tpu.vector_load %arg12[%get3A_636, %get3A_637] {strides = array<i32>} : memref<243x64xf32, #tpu.memory_space<vmem>>, vector<16xf32>,
      %add3A_639 = arith.addf %add3A_425, %get3A_638 : vector<16xf32>
      %add3A_640 = arith.constant 35 : i32
      %add3A_641 = arith.addi %add3A_640, %select_n3A_633 : i32
      %get3A_642 = arith.index_cast %add3A_641 : i32 to index
      %get3A_643 = arith.constant 0 : index
      %get3A_644 = tpu.vector_load %arg12[%get3A_642, %get3A_643] {strides = array<i32>} : memref<243x64xf32, #tpu.memory_space<vmem>>, vector<16xf32>,
      %add3A_645 = arith.addf %add3A_639, %get3A_644 : vector<16xf32>
      %mul3A_646 = arith.constant 8.000000e+00 : f32
      %mul3A_647 = vector.broadcast %mul3A_646 : f32 to vector<16xf32>
      %mul3A_648 = arith.mulf %add3A_645, %mul3A_647 : vector<16xf32>
      %swap3A = arith.index_cast %add3A_593 : i32 to index
      %swap3A_649 = arith.constant 0 : index
      %swap3A_650 = tpu.vector_load %arg10[%swap3A, %swap3A_649] {strides = array<i32>} : memref<128x64xf32, #tpu.memory_space<vmem>>, vector<16xf32>,
      tpu.vector_store %arg10[%swap3A, %swap3A_649], %mul3A_648 {strides = array<i32>} : memref<128x64xf32, #tpu.memory_space<vmem>>, vector<16xf32>,
      %add3A_651 = arith.constant 28 : i32
      %add3A_652 = arith.addi %add3A_651, %select_n3A_617 : i32
      %get3A_653 = arith.index_cast %add3A_652 : i32 to index
      %get3A_654 = arith.constant 16 : index
      %get3A_655 = tpu.vector_load %arg12[%get3A_653, %get3A_654] {strides = array<i32>} : memref<243x64xf32, #tpu.memory_space<vmem>>, vector<16xf32>,
      %add3A_656 = arith.addf %add3A_436, %get3A_655 : vector<16xf32>
      %add3A_657 = arith.constant 35 : i32
      %add3A_658 = arith.addi %add3A_657, %select_n3A_633 : i32
      %get3A_659 = arith.index_cast %add3A_658 : i32 to index
      %get3A_660 = arith.constant 16 : index
      %get3A_661 = tpu.vector_load %arg12[%get3A_659, %get3A_660] {strides = array<i32>} : memref<243x64xf32, #tpu.memory_space<vmem>>, vector<16xf32>,
      %add3A_662 = arith.addf %add3A_656, %get3A_661 : vector<16xf32>
      %mul3A_663 = arith.constant 8.000000e+00 : f32
      %mul3A_664 = vector.broadcast %mul3A_663 : f32 to vector<16xf32>
      %mul3A_665 = arith.mulf %add3A_662, %mul3A_664 : vector<16xf32>
      %swap3A_666 = arith.index_cast %add3A_593 : i32 to index
      %swap3A_667 = arith.constant 16 : index
      %swap3A_668 = tpu.vector_load %arg10[%swap3A_666, %swap3A_667] {strides = array<i32>} : memref<128x64xf32, #tpu.memory_space<vmem>>, vector<16xf32>,
      tpu.vector_store %arg10[%swap3A_666, %swap3A_667], %mul3A_665 {strides = array<i32>} : memref<128x64xf32, #tpu.memory_space<vmem>>, vector<16xf32>,
      %add3A_669 = arith.constant 28 : i32
      %add3A_670 = arith.addi %add3A_669, %select_n3A_617 : i32
      %get3A_671 = arith.index_cast %add3A_670 : i32 to index
      %get3A_672 = arith.constant 32 : index
      %get3A_673 = tpu.vector_load %arg12[%get3A_671, %get3A_672] {strides = array<i32>} : memref<243x64xf32, #tpu.memory_space<vmem>>, vector<16xf32>,
      %add3A_674 = arith.addf %add3A_447, %get3A_673 : vector<16xf32>
      %add3A_675 = arith.constant 35 : i32
      %add3A_676 = arith.addi %add3A_675, %select_n3A_633 : i32
      %get3A_677 = arith.index_cast %add3A_676 : i32 to index
      %get3A_678 = arith.constant 32 : index
      %get3A_679 = tpu.vector_load %arg12[%get3A_677, %get3A_678] {strides = array<i32>} : memref<243x64xf32, #tpu.memory_space<vmem>>, vector<16xf32>,
      %add3A_680 = arith.addf %add3A_674, %get3A_679 : vector<16xf32>
      %mul3A_681 = arith.constant 8.000000e+00 : f32
      %mul3A_682 = vector.broadcast %mul3A_681 : f32 to vector<16xf32>
      %mul3A_683 = arith.mulf %add3A_680, %mul3A_682 : vector<16xf32>
      %swap3A_684 = arith.index_cast %add3A_593 : i32 to index
      %swap3A_685 = arith.constant 32 : index
      %swap3A_686 = tpu.vector_load %arg10[%swap3A_684, %swap3A_685] {strides = array<i32>} : memref<128x64xf32, #tpu.memory_space<vmem>>, vector<16xf32>,
      tpu.vector_store %arg10[%swap3A_684, %swap3A_685], %mul3A_683 {strides = array<i32>} : memref<128x64xf32, #tpu.memory_space<vmem>>, vector<16xf32>,
      %add3A_687 = arith.constant 28 : i32
      %add3A_688 = arith.addi %add3A_687, %select_n3A_617 : i32
      %get3A_689 = arith.index_cast %add3A_688 : i32 to index
      %get3A_690 = arith.constant 48 : index
      %get3A_691 = tpu.vector_load %arg12[%get3A_689, %get3A_690] {strides = array<i32>} : memref<243x64xf32, #tpu.memory_space<vmem>>, vector<16xf32>,
      %add3A_692 = arith.addf %add3A_458, %get3A_691 : vector<16xf32>
      %add3A_693 = arith.constant 35 : i32
      %add3A_694 = arith.addi %add3A_693, %select_n3A_633 : i32
      %get3A_695 = arith.index_cast %add3A_694 : i32 to index
      %get3A_696 = arith.constant 48 : index
      %get3A_697 = tpu.vector_load %arg12[%get3A_695, %get3A_696] {strides = array<i32>} : memref<243x64xf32, #tpu.memory_space<vmem>>, vector<16xf32>,
      %add3A_698 = arith.addf %add3A_692, %get3A_697 : vector<16xf32>
      %mul3A_699 = arith.constant 8.000000e+00 : f32
      %mul3A_700 = vector.broadcast %mul3A_699 : f32 to vector<16xf32>
      %mul3A_701 = arith.mulf %add3A_698, %mul3A_700 : vector<16xf32>
      %swap3A_702 = arith.index_cast %add3A_593 : i32 to index
      %swap3A_703 = arith.constant 48 : index
      %swap3A_704 = tpu.vector_load %arg10[%swap3A_702, %swap3A_703] {strides = array<i32>} : memref<128x64xf32, #tpu.memory_space<vmem>>, vector<16xf32>,
      tpu.vector_store %arg10[%swap3A_702, %swap3A_703], %mul3A_701 {strides = array<i32>} : memref<128x64xf32, #tpu.memory_space<vmem>>, vector<16xf32>,
    }
    %scan3A_463 = arith.constant 56 : i32
    %mul3A_464 = arith.constant 56 : i32
    %mul3A_465 = arith.muli %add3A_374, %mul3A_464 : i32
    "tpu.region"() ({
      %run_scoped3A = tpu.sem_alloc : memref<!tpu.dma_semaphore, #tpu.memory_space<semaphore_mem>>
      %dma_start3A_589 = arith.constant 0 : i32
      %dma_start3A_590 = arith.constant 0 : i32
      %dma_start3A_591 = tpu.memref_slice %arg10[%dma_start3A_589, %dma_start3A_590] : memref<128x64xf32, #tpu.memory_space<vmem>> -> memref<56x64xf32, #tpu.memory_space<vmem>>
      %dma_start3A_592 = arith.constant 0 : i32
      %dma_start3A_593 = tpu.memref_slice %arg13[%mul3A_465, %dma_start3A_592] : memref<5376x64xf32, #tpu.memory_space<vmem_shared>> -> memref<56x64xf32, #tpu.memory_space<vmem_shared>>
      %dma_start3A_594 = arith.constant 0 : i32
      %dma_start3A_595 = tpu.memref_slice %arg13[%mul3A_465, %dma_start3A_594] : memref<5376x64xf32, #tpu.memory_space<vmem_shared>> -> memref<56x64xf32, #tpu.memory_space<vmem_shared>>
      %dma_start3A_596 = arith.constant 0 : i32
      %dma_start3A_597 = arith.constant 0 : i32
      %dma_start3A_598 = tpu.memref_slice %arg10[%dma_start3A_596, %dma_start3A_597] : memref<128x64xf32, #tpu.memory_space<vmem>> -> memref<56x64xf32, #tpu.memory_space<vmem>>
      tpu.enqueue_dma source(%dma_start3A_598 : memref<56x64xf32, #tpu.memory_space<vmem>>) target(%dma_start3A_595 : memref<56x64xf32, #tpu.memory_space<vmem_shared>>) target_semaphore(%run_scoped3A : memref<!tpu.dma_semaphore, #tpu.memory_space<semaphore_mem>>)
      %dma_wait3A_599 = arith.constant 0 : i32
      %dma_wait3A_600 = arith.constant 0 : i32
      %dma_wait3A_601 = tpu.memref_slice %arg10[%dma_wait3A_599, %dma_wait3A_600] : memref<128x64xf32, #tpu.memory_space<vmem>> -> memref<56x64xf32, #tpu.memory_space<vmem>>
      %dma_wait3A_602 = arith.constant 0 : i32
      %dma_wait3A_603 = tpu.memref_slice %arg13[%mul3A_465, %dma_wait3A_602] : memref<5376x64xf32, #tpu.memory_space<vmem_shared>> -> memref<56x64xf32, #tpu.memory_space<vmem_shared>>
      %dma_wait3A_604 = arith.constant 0 : i32
      %dma_wait3A_605 = tpu.memref_slice %arg13[%mul3A_465, %dma_wait3A_604] : memref<5376x64xf32, #tpu.memory_space<vmem_shared>> -> memref<56x64xf32, #tpu.memory_space<vmem_shared>>
      %dma_wait3A_606 = arith.constant 0 : i32
      %dma_wait3A_607 = arith.constant 0 : i32
      %dma_wait3A_608 = tpu.memref_slice %arg10[%dma_wait3A_606, %dma_wait3A_607] : memref<128x64xf32, #tpu.memory_space<vmem>> -> memref<56x64xf32, #tpu.memory_space<vmem>>
      tpu.wait_dma2 semaphore(%run_scoped3A : memref<!tpu.dma_semaphore, #tpu.memory_space<semaphore_mem>>) src(%dma_wait3A_608 : memref<56x64xf32, #tpu.memory_space<vmem>>) dst(%dma_wait3A_605 : memref<56x64xf32, #tpu.memory_space<vmem_shared>>)
      tpu.yield
    }) : () -> ()
    %mul3A_466 = arith.constant 6 : i32
    %mul3A_467 = arith.muli %arg1, %mul3A_466 : i32
    %add3A_468 = arith.constant 5 : i32
    %add3A_469 = arith.addi %mul3A_467, %add3A_468 : i32
    %jit3A_470 = arith.constant 4 : i32
    %div3A_471 = arith.divsi %add3A_469, %jit3A_470 : i32
    %sign3A_472 = arith.constant 0 : i32
    %sign3A_473 = arith.cmpi sgt, %add3A_469, %sign3A_472 : i32
    %sign3A_474 = arith.extui %sign3A_473 : i1 to i32
    %sign3A_475 = arith.constant 0 : i32
    %sign3A_476 = arith.cmpi slt, %add3A_469, %sign3A_475 : i32
    %sign3A_477 = arith.extui %sign3A_476 : i1 to i32
    %sign3A_478 = arith.subi %sign3A_474, %sign3A_477 : i32
    %sign3A_479 = arith.constant 0 : i32
    %sign3A_480 = arith.cmpi sgt, %jit3A_470, %sign3A_479 : i32
    %sign3A_481 = arith.extui %sign3A_480 : i1 to i32
    %sign3A_482 = arith.constant 0 : i32
    %sign3A_483 = arith.cmpi slt, %jit3A_470, %sign3A_482 : i32
    %sign3A_484 = arith.extui %sign3A_483 : i1 to i32
    %sign3A_485 = arith.subi %sign3A_481, %sign3A_484 : i32
    %ne3A_486 = arith.cmpi ne, %sign3A_478, %sign3A_485 : i32
    %rem3A_487 = arith.remsi %add3A_469, %jit3A_470 : i32
    %ne3A_488 = arith.constant 0 : i32
    %ne3A_489 = arith.cmpi ne, %rem3A_487, %ne3A_488 : i32
    %and3A_490 = arith.andi %ne3A_486, %ne3A_489 : i1
    %sub3A_491 = arith.constant 1 : i32
    %sub3A_492 = arith.subi %div3A_471, %sub3A_491 : i32
    %select_n3A_493 = arith.select %and3A_490, %sub3A_492, %div3A_471 : i32
    %jit3A_494 = arith.constant 4 : i32
    %eq3A_495 = arith.constant 0 : i32
    %eq3A_496 = arith.cmpi eq, %jit3A_494, %eq3A_495 : i32
    %jit3A_497 = arith.constant 1 : i32
    %select_n3A_498 = arith.select %eq3A_496, %jit3A_497, %jit3A_494 : i32
    %rem3A_499 = arith.remsi %add3A_469, %select_n3A_498 : i32
    %ne3A_500 = arith.constant 0 : i32
    %ne3A_501 = arith.cmpi ne, %rem3A_499, %ne3A_500 : i32
    %lt3A_502 = arith.constant 0 : i32
    %lt3A_503 = arith.cmpi slt, %rem3A_499, %lt3A_502 : i32
    %lt3A_504 = arith.constant 0 : i32
    %lt3A_505 = arith.cmpi slt, %select_n3A_498, %lt3A_504 : i32
    %ne3A_506 = arith.xori %lt3A_503, %lt3A_505 : i1
    %and3A_507 = arith.andi %ne3A_506, %ne3A_501 : i1
    %add3A_508 = arith.addi %rem3A_499, %select_n3A_498 : i32
    %select_n3A_509 = arith.select %and3A_507, %add3A_508, %rem3A_499 : i32
    %add3A_510 = arith.constant 0 : i32
    %add3A_511 = arith.addi %add3A_510, %select_n3A_493 : i32
    %get3A_512 = arith.index_cast %add3A_511 : i32 to index
    %get3A_513 = arith.constant 0 : index
    %get3A_514 = tpu.vector_load %arg12[%get3A_512, %get3A_513] {strides = array<i32>} : memref<243x64xf32, #tpu.memory_space<vmem>>, vector<16xf32>,
    %add3A_515 = arith.constant 24 : i32
    %add3A_516 = arith.addi %add3A_515, %select_n3A_509 : i32
    %get3A_517 = arith.index_cast %add3A_516 : i32 to index
    %get3A_518 = arith.constant 0 : index
    %get3A_519 = tpu.vector_load %arg12[%get3A_517, %get3A_518] {strides = array<i32>} : memref<243x64xf32, #tpu.memory_space<vmem>>, vector<16xf32>,
    %add3A_520 = arith.addf %get3A_514, %get3A_519 : vector<16xf32>
    %add3A_521 = arith.constant 0 : i32
    %add3A_522 = arith.addi %add3A_521, %select_n3A_493 : i32
    %get3A_523 = arith.index_cast %add3A_522 : i32 to index
    %get3A_524 = arith.constant 16 : index
    %get3A_525 = tpu.vector_load %arg12[%get3A_523, %get3A_524] {strides = array<i32>} : memref<243x64xf32, #tpu.memory_space<vmem>>, vector<16xf32>,
    %add3A_526 = arith.constant 24 : i32
    %add3A_527 = arith.addi %add3A_526, %select_n3A_509 : i32
    %get3A_528 = arith.index_cast %add3A_527 : i32 to index
    %get3A_529 = arith.constant 16 : index
    %get3A_530 = tpu.vector_load %arg12[%get3A_528, %get3A_529] {strides = array<i32>} : memref<243x64xf32, #tpu.memory_space<vmem>>, vector<16xf32>,
    %add3A_531 = arith.addf %get3A_525, %get3A_530 : vector<16xf32>
    %add3A_532 = arith.constant 0 : i32
    %add3A_533 = arith.addi %add3A_532, %select_n3A_493 : i32
    %get3A_534 = arith.index_cast %add3A_533 : i32 to index
    %get3A_535 = arith.constant 32 : index
    %get3A_536 = tpu.vector_load %arg12[%get3A_534, %get3A_535] {strides = array<i32>} : memref<243x64xf32, #tpu.memory_space<vmem>>, vector<16xf32>,
    %add3A_537 = arith.constant 24 : i32
    %add3A_538 = arith.addi %add3A_537, %select_n3A_509 : i32
    %get3A_539 = arith.index_cast %add3A_538 : i32 to index
    %get3A_540 = arith.constant 32 : index
    %get3A_541 = tpu.vector_load %arg12[%get3A_539, %get3A_540] {strides = array<i32>} : memref<243x64xf32, #tpu.memory_space<vmem>>, vector<16xf32>,
    %add3A_542 = arith.addf %get3A_536, %get3A_541 : vector<16xf32>
    %add3A_543 = arith.constant 0 : i32
    %add3A_544 = arith.addi %add3A_543, %select_n3A_493 : i32
    %get3A_545 = arith.index_cast %add3A_544 : i32 to index
    %get3A_546 = arith.constant 48 : index
    %get3A_547 = tpu.vector_load %arg12[%get3A_545, %get3A_546] {strides = array<i32>} : memref<243x64xf32, #tpu.memory_space<vmem>>, vector<16xf32>,
    %add3A_548 = arith.constant 24 : i32
    %add3A_549 = arith.addi %add3A_548, %select_n3A_509 : i32
    %get3A_550 = arith.index_cast %add3A_549 : i32 to index
    %get3A_551 = arith.constant 48 : index
    %get3A_552 = tpu.vector_load %arg12[%get3A_550, %get3A_551] {strides = array<i32>} : memref<243x64xf32, #tpu.memory_space<vmem>>, vector<16xf32>,
    %add3A_553 = arith.addf %get3A_547, %get3A_552 : vector<16xf32>
    %scan3A_554 = arith.constant 0 : i32
    %scan3A_555 = arith.constant 56 : i32
    %scan3A_556 = arith.addi %scan3A_554, %scan3A_555 : i32
    %scan3A_557 = arith.constant 1 : i32
    scf.for %scan3A_589 = %scan3A_554 to %scan3A_556 step %scan3A_557  : i32 {
      %mul3A_590 = arith.constant 1 : i32
      %mul3A_591 = arith.muli %scan3A_589, %mul3A_590 : i32
      %add3A_592 = arith.constant 0 : i32
      %add3A_593 = arith.addi %add3A_592, %mul3A_591 : i32
      %jit3A_594 = arith.constant 8 : i32
      %div3A_595 = arith.divsi %add3A_593, %jit3A_594 : i32
      %sign3A_596 = arith.constant 0 : i32
      %sign3A_597 = arith.cmpi sgt, %add3A_593, %sign3A_596 : i32
      %sign3A_598 = arith.extui %sign3A_597 : i1 to i32
      %sign3A_599 = arith.constant 0 : i32
      %sign3A_600 = arith.cmpi slt, %add3A_593, %sign3A_599 : i32
      %sign3A_601 = arith.extui %sign3A_600 : i1 to i32
      %sign3A_602 = arith.subi %sign3A_598, %sign3A_601 : i32
      %sign3A_603 = arith.constant 0 : i32
      %sign3A_604 = arith.cmpi sgt, %jit3A_594, %sign3A_603 : i32
      %sign3A_605 = arith.extui %sign3A_604 : i1 to i32
      %sign3A_606 = arith.constant 0 : i32
      %sign3A_607 = arith.cmpi slt, %jit3A_594, %sign3A_606 : i32
      %sign3A_608 = arith.extui %sign3A_607 : i1 to i32
      %sign3A_609 = arith.subi %sign3A_605, %sign3A_608 : i32
      %ne3A_610 = arith.cmpi ne, %sign3A_602, %sign3A_609 : i32
      %rem3A_611 = arith.remsi %add3A_593, %jit3A_594 : i32
      %ne3A_612 = arith.constant 0 : i32
      %ne3A_613 = arith.cmpi ne, %rem3A_611, %ne3A_612 : i32
      %and3A_614 = arith.andi %ne3A_610, %ne3A_613 : i1
      %sub3A_615 = arith.constant 1 : i32
      %sub3A_616 = arith.subi %div3A_595, %sub3A_615 : i32
      %select_n3A_617 = arith.select %and3A_614, %sub3A_616, %div3A_595 : i32
      %jit3A_618 = arith.constant 8 : i32
      %eq3A_619 = arith.constant 0 : i32
      %eq3A_620 = arith.cmpi eq, %jit3A_618, %eq3A_619 : i32
      %jit3A_621 = arith.constant 1 : i32
      %select_n3A_622 = arith.select %eq3A_620, %jit3A_621, %jit3A_618 : i32
      %rem3A_623 = arith.remsi %add3A_593, %select_n3A_622 : i32
      %ne3A_624 = arith.constant 0 : i32
      %ne3A_625 = arith.cmpi ne, %rem3A_623, %ne3A_624 : i32
      %lt3A_626 = arith.constant 0 : i32
      %lt3A_627 = arith.cmpi slt, %rem3A_623, %lt3A_626 : i32
      %lt3A_628 = arith.constant 0 : i32
      %lt3A_629 = arith.cmpi slt, %select_n3A_622, %lt3A_628 : i32
      %ne3A_630 = arith.xori %lt3A_627, %lt3A_629 : i1
      %and3A_631 = arith.andi %ne3A_630, %ne3A_625 : i1
      %add3A_632 = arith.addi %rem3A_623, %select_n3A_622 : i32
      %select_n3A_633 = arith.select %and3A_631, %add3A_632, %rem3A_623 : i32
      %add3A_634 = arith.constant 28 : i32
      %add3A_635 = arith.addi %add3A_634, %select_n3A_617 : i32
      %get3A_636 = arith.index_cast %add3A_635 : i32 to index
      %get3A_637 = arith.constant 0 : index
      %get3A_638 = tpu.vector_load %arg12[%get3A_636, %get3A_637] {strides = array<i32>} : memref<243x64xf32, #tpu.memory_space<vmem>>, vector<16xf32>,
      %add3A_639 = arith.addf %add3A_520, %get3A_638 : vector<16xf32>
      %add3A_640 = arith.constant 35 : i32
      %add3A_641 = arith.addi %add3A_640, %select_n3A_633 : i32
      %get3A_642 = arith.index_cast %add3A_641 : i32 to index
      %get3A_643 = arith.constant 0 : index
      %get3A_644 = tpu.vector_load %arg12[%get3A_642, %get3A_643] {strides = array<i32>} : memref<243x64xf32, #tpu.memory_space<vmem>>, vector<16xf32>,
      %add3A_645 = arith.addf %add3A_639, %get3A_644 : vector<16xf32>
      %mul3A_646 = arith.constant 8.000000e+00 : f32
      %mul3A_647 = vector.broadcast %mul3A_646 : f32 to vector<16xf32>
      %mul3A_648 = arith.mulf %add3A_645, %mul3A_647 : vector<16xf32>
      %swap3A = arith.index_cast %add3A_593 : i32 to index
      %swap3A_649 = arith.constant 0 : index
      %swap3A_650 = tpu.vector_load %arg10[%swap3A, %swap3A_649] {strides = array<i32>} : memref<128x64xf32, #tpu.memory_space<vmem>>, vector<16xf32>,
      tpu.vector_store %arg10[%swap3A, %swap3A_649], %mul3A_648 {strides = array<i32>} : memref<128x64xf32, #tpu.memory_space<vmem>>, vector<16xf32>,
      %add3A_651 = arith.constant 28 : i32
      %add3A_652 = arith.addi %add3A_651, %select_n3A_617 : i32
      %get3A_653 = arith.index_cast %add3A_652 : i32 to index
      %get3A_654 = arith.constant 16 : index
      %get3A_655 = tpu.vector_load %arg12[%get3A_653, %get3A_654] {strides = array<i32>} : memref<243x64xf32, #tpu.memory_space<vmem>>, vector<16xf32>,
      %add3A_656 = arith.addf %add3A_531, %get3A_655 : vector<16xf32>
      %add3A_657 = arith.constant 35 : i32
      %add3A_658 = arith.addi %add3A_657, %select_n3A_633 : i32
      %get3A_659 = arith.index_cast %add3A_658 : i32 to index
      %get3A_660 = arith.constant 16 : index
      %get3A_661 = tpu.vector_load %arg12[%get3A_659, %get3A_660] {strides = array<i32>} : memref<243x64xf32, #tpu.memory_space<vmem>>, vector<16xf32>,
      %add3A_662 = arith.addf %add3A_656, %get3A_661 : vector<16xf32>
      %mul3A_663 = arith.constant 8.000000e+00 : f32
      %mul3A_664 = vector.broadcast %mul3A_663 : f32 to vector<16xf32>
      %mul3A_665 = arith.mulf %add3A_662, %mul3A_664 : vector<16xf32>
      %swap3A_666 = arith.index_cast %add3A_593 : i32 to index
      %swap3A_667 = arith.constant 16 : index
      %swap3A_668 = tpu.vector_load %arg10[%swap3A_666, %swap3A_667] {strides = array<i32>} : memref<128x64xf32, #tpu.memory_space<vmem>>, vector<16xf32>,
      tpu.vector_store %arg10[%swap3A_666, %swap3A_667], %mul3A_665 {strides = array<i32>} : memref<128x64xf32, #tpu.memory_space<vmem>>, vector<16xf32>,
      %add3A_669 = arith.constant 28 : i32
      %add3A_670 = arith.addi %add3A_669, %select_n3A_617 : i32
      %get3A_671 = arith.index_cast %add3A_670 : i32 to index
      %get3A_672 = arith.constant 32 : index
      %get3A_673 = tpu.vector_load %arg12[%get3A_671, %get3A_672] {strides = array<i32>} : memref<243x64xf32, #tpu.memory_space<vmem>>, vector<16xf32>,
      %add3A_674 = arith.addf %add3A_542, %get3A_673 : vector<16xf32>
      %add3A_675 = arith.constant 35 : i32
      %add3A_676 = arith.addi %add3A_675, %select_n3A_633 : i32
      %get3A_677 = arith.index_cast %add3A_676 : i32 to index
      %get3A_678 = arith.constant 32 : index
      %get3A_679 = tpu.vector_load %arg12[%get3A_677, %get3A_678] {strides = array<i32>} : memref<243x64xf32, #tpu.memory_space<vmem>>, vector<16xf32>,
      %add3A_680 = arith.addf %add3A_674, %get3A_679 : vector<16xf32>
      %mul3A_681 = arith.constant 8.000000e+00 : f32
      %mul3A_682 = vector.broadcast %mul3A_681 : f32 to vector<16xf32>
      %mul3A_683 = arith.mulf %add3A_680, %mul3A_682 : vector<16xf32>
      %swap3A_684 = arith.index_cast %add3A_593 : i32 to index
      %swap3A_685 = arith.constant 32 : index
      %swap3A_686 = tpu.vector_load %arg10[%swap3A_684, %swap3A_685] {strides = array<i32>} : memref<128x64xf32, #tpu.memory_space<vmem>>, vector<16xf32>,
      tpu.vector_store %arg10[%swap3A_684, %swap3A_685], %mul3A_683 {strides = array<i32>} : memref<128x64xf32, #tpu.memory_space<vmem>>, vector<16xf32>,
      %add3A_687 = arith.constant 28 : i32
      %add3A_688 = arith.addi %add3A_687, %select_n3A_617 : i32
      %get3A_689 = arith.index_cast %add3A_688 : i32 to index
      %get3A_690 = arith.constant 48 : index
      %get3A_691 = tpu.vector_load %arg12[%get3A_689, %get3A_690] {strides = array<i32>} : memref<243x64xf32, #tpu.memory_space<vmem>>, vector<16xf32>,
      %add3A_692 = arith.addf %add3A_553, %get3A_691 : vector<16xf32>
      %add3A_693 = arith.constant 35 : i32
      %add3A_694 = arith.addi %add3A_693, %select_n3A_633 : i32
      %get3A_695 = arith.index_cast %add3A_694 : i32 to index
      %get3A_696 = arith.constant 48 : index
      %get3A_697 = tpu.vector_load %arg12[%get3A_695, %get3A_696] {strides = array<i32>} : memref<243x64xf32, #tpu.memory_space<vmem>>, vector<16xf32>,
      %add3A_698 = arith.addf %add3A_692, %get3A_697 : vector<16xf32>
      %mul3A_699 = arith.constant 8.000000e+00 : f32
      %mul3A_700 = vector.broadcast %mul3A_699 : f32 to vector<16xf32>
      %mul3A_701 = arith.mulf %add3A_698, %mul3A_700 : vector<16xf32>
      %swap3A_702 = arith.index_cast %add3A_593 : i32 to index
      %swap3A_703 = arith.constant 48 : index
      %swap3A_704 = tpu.vector_load %arg10[%swap3A_702, %swap3A_703] {strides = array<i32>} : memref<128x64xf32, #tpu.memory_space<vmem>>, vector<16xf32>,
      tpu.vector_store %arg10[%swap3A_702, %swap3A_703], %mul3A_701 {strides = array<i32>} : memref<128x64xf32, #tpu.memory_space<vmem>>, vector<16xf32>,
    }
    %scan3A_558 = arith.constant 56 : i32
    %mul3A_559 = arith.constant 56 : i32
    %mul3A_560 = arith.muli %add3A_469, %mul3A_559 : i32
    "tpu.region"() ({
      %run_scoped3A = tpu.sem_alloc : memref<!tpu.dma_semaphore, #tpu.memory_space<semaphore_mem>>
      %dma_start3A_589 = arith.constant 0 : i32
      %dma_start3A_590 = arith.constant 0 : i32
      %dma_start3A_591 = tpu.memref_slice %arg10[%dma_start3A_589, %dma_start3A_590] : memref<128x64xf32, #tpu.memory_space<vmem>> -> memref<56x64xf32, #tpu.memory_space<vmem>>
      %dma_start3A_592 = arith.constant 0 : i32
      %dma_start3A_593 = tpu.memref_slice %arg13[%mul3A_560, %dma_start3A_592] : memref<5376x64xf32, #tpu.memory_space<vmem_shared>> -> memref<56x64xf32, #tpu.memory_space<vmem_shared>>
      %dma_start3A_594 = arith.constant 0 : i32
      %dma_start3A_595 = tpu.memref_slice %arg13[%mul3A_560, %dma_start3A_594] : memref<5376x64xf32, #tpu.memory_space<vmem_shared>> -> memref<56x64xf32, #tpu.memory_space<vmem_shared>>
      %dma_start3A_596 = arith.constant 0 : i32
      %dma_start3A_597 = arith.constant 0 : i32
      %dma_start3A_598 = tpu.memref_slice %arg10[%dma_start3A_596, %dma_start3A_597] : memref<128x64xf32, #tpu.memory_space<vmem>> -> memref<56x64xf32, #tpu.memory_space<vmem>>
      tpu.enqueue_dma source(%dma_start3A_598 : memref<56x64xf32, #tpu.memory_space<vmem>>) target(%dma_start3A_595 : memref<56x64xf32, #tpu.memory_space<vmem_shared>>) target_semaphore(%run_scoped3A : memref<!tpu.dma_semaphore, #tpu.memory_space<semaphore_mem>>)
      %dma_wait3A_599 = arith.constant 0 : i32
      %dma_wait3A_600 = arith.constant 0 : i32
      %dma_wait3A_601 = tpu.memref_slice %arg10[%dma_wait3A_599, %dma_wait3A_600] : memref<128x64xf32, #tpu.memory_space<vmem>> -> memref<56x64xf32, #tpu.memory_space<vmem>>
      %dma_wait3A_602 = arith.constant 0 : i32
      %dma_wait3A_603 = tpu.memref_slice %arg13[%mul3A_560, %dma_wait3A_602] : memref<5376x64xf32, #tpu.memory_space<vmem_shared>> -> memref<56x64xf32, #tpu.memory_space<vmem_shared>>
      %dma_wait3A_604 = arith.constant 0 : i32
      %dma_wait3A_605 = tpu.memref_slice %arg13[%mul3A_560, %dma_wait3A_604] : memref<5376x64xf32, #tpu.memory_space<vmem_shared>> -> memref<56x64xf32, #tpu.memory_space<vmem_shared>>
      %dma_wait3A_606 = arith.constant 0 : i32
      %dma_wait3A_607 = arith.constant 0 : i32
      %dma_wait3A_608 = tpu.memref_slice %arg10[%dma_wait3A_606, %dma_wait3A_607] : memref<128x64xf32, #tpu.memory_space<vmem>> -> memref<56x64xf32, #tpu.memory_space<vmem>>
      tpu.wait_dma2 semaphore(%run_scoped3A : memref<!tpu.dma_semaphore, #tpu.memory_space<semaphore_mem>>) src(%dma_wait3A_608 : memref<56x64xf32, #tpu.memory_space<vmem>>) dst(%dma_wait3A_605 : memref<56x64xf32, #tpu.memory_space<vmem_shared>>)
      tpu.yield
    }) : () -> ()
    "tpu.region"() ({
      %run_scoped3A = tpu.sem_alloc : memref<!tpu.dma_semaphore, #tpu.memory_space<semaphore_mem>>
      %dma_start3A_589 = arith.constant 0 : i32
      %dma_start3A_590 = tpu.memref_slice %arg2[%dma_start3A_589, %mul3A_2] : memref<4x204800xi32, #tpu.memory_space<hbm>> -> memref<4x6400xi32, #tpu.memory_space<hbm>>
      %dma_start3A_591 = arith.constant 0 : i32
      %dma_start3A_592 = tpu.memref_slice %arg2[%dma_start3A_591, %mul3A_2] : memref<4x204800xi32, #tpu.memory_space<hbm>> -> memref<4x6400xi32, #tpu.memory_space<hbm>>
      tpu.enqueue_dma source(%dma_start3A_592 : memref<4x6400xi32, #tpu.memory_space<hbm>>) target(%arg6 : memref<4x6400xi32, #tpu.memory_space<vmem>>) target_semaphore(%run_scoped3A : memref<!tpu.dma_semaphore, #tpu.memory_space<semaphore_mem>>)
      %dma_wait3A_593 = arith.constant 0 : i32
      %dma_wait3A_594 = tpu.memref_slice %arg2[%dma_wait3A_593, %mul3A_2] : memref<4x204800xi32, #tpu.memory_space<hbm>> -> memref<4x6400xi32, #tpu.memory_space<hbm>>
      %dma_wait3A_595 = arith.constant 0 : i32
      %dma_wait3A_596 = tpu.memref_slice %arg2[%dma_wait3A_595, %mul3A_2] : memref<4x204800xi32, #tpu.memory_space<hbm>> -> memref<4x6400xi32, #tpu.memory_space<hbm>>
      tpu.wait_dma2 semaphore(%run_scoped3A : memref<!tpu.dma_semaphore, #tpu.memory_space<semaphore_mem>>) src(%dma_wait3A_596 : memref<4x6400xi32, #tpu.memory_space<hbm>>) dst(%arg6 : memref<4x6400xi32, #tpu.memory_space<vmem>>)
      tpu.yield
    }) : () -> ()
    %scan3A_561 = arith.constant 0 : i32
    %scan3A_562 = arith.constant 400 : i32
    %scan3A_563 = arith.addi %scan3A_561, %scan3A_562 : i32
    %scan3A_564 = arith.constant 1 : i32
    scf.for %scan3A_589 = %scan3A_561 to %scan3A_563 step %scan3A_564  : i32 {
      %mul3A_590 = arith.constant 1 : i32
      %mul3A_591 = arith.muli %scan3A_589, %mul3A_590 : i32
      %add3A_592 = arith.constant 0 : i32
      %add3A_593 = arith.addi %add3A_592, %mul3A_591 : i32
      %mul3A_594 = arith.constant 16 : i32
      %mul3A_595 = arith.muli %add3A_593, %mul3A_594 : i32
      %get3A_596 = arith.constant 1 : i32
      %get3A_597 = arith.index_cast %get3A_596 : i32 to index
      %get3A_598 = arith.index_cast %mul3A_595 : i32 to index
      %get3A_599 = tpu.vector_load %arg6[%get3A_597, %get3A_598] {strides = array<i32>} : memref<4x6400xi32, #tpu.memory_space<vmem>>, vector<16xi32>,
      %mul3A_600 = arith.constant 56 : i32
      %mul3A_601 = vector.broadcast %mul3A_600 : i32 to vector<16xi32>
      %mul3A_602 = arith.muli %get3A_599, %mul3A_601 : vector<16xi32>
      %get3A_603 = arith.constant 2 : i32
      %get3A_604 = arith.index_cast %get3A_603 : i32 to index
      %get3A_605 = arith.index_cast %mul3A_595 : i32 to index
      %get3A_606 = tpu.vector_load %arg6[%get3A_604, %get3A_605] {strides = array<i32>} : memref<4x6400xi32, #tpu.memory_space<vmem>>, vector<16xi32>,
      %mul3A_607 = arith.constant 8 : i32
      %mul3A_608 = vector.broadcast %mul3A_607 : i32 to vector<16xi32>
      %mul3A_609 = arith.muli %get3A_606, %mul3A_608 : vector<16xi32>
      %add3A_610 = arith.addi %mul3A_602, %mul3A_609 : vector<16xi32>
      %get3A_611 = arith.constant 3 : i32
      %get3A_612 = arith.index_cast %get3A_611 : i32 to index
      %get3A_613 = arith.index_cast %mul3A_595 : i32 to index
      %get3A_614 = tpu.vector_load %arg6[%get3A_612, %get3A_613] {strides = array<i32>} : memref<4x6400xi32, #tpu.memory_space<vmem>>, vector<16xi32>,
      %add3A_615 = arith.addi %add3A_610, %get3A_614 : vector<16xi32>
      %swap3A = arith.index_cast %mul3A_595 : i32 to index
      %swap3A_616 = tpu.vector_load %arg7[%swap3A] {strides = array<i32>} : memref<6400xi32, #tpu.memory_space<vmem>>, vector<16xi32>,
      tpu.vector_store %arg7[%swap3A], %add3A_615 {strides = array<i32>} : memref<6400xi32, #tpu.memory_space<vmem>>, vector<16xi32>,
    }
    %scan3A_565 = arith.constant 400 : i32
    %barrier3A = arith.constant 0 : index
    tpu.barrier barrier_id(%barrier3A)
    %dma_start3A = arith.constant 0 : i32
    %dma_start3A_566 = arith.constant 0 : i32
    %dma_start3A_567 = tpu.memref_slice %arg6[%dma_start3A, %dma_start3A_566] : memref<4x6400xi32, #tpu.memory_space<vmem>> -> memref<1x128xi32, #tpu.memory_space<vmem>>
    %dma_start3A_568 = tpu.memref_squeeze %dma_start3A_567 : memref<1x128xi32, #tpu.memory_space<vmem>> -> memref<128xi32, #tpu.memory_space<vmem>>
    %dma_start3A_569 = arith.constant 0 : i32
    %dma_start3A_570 = arith.constant 0 : i32
    %dma_start3A_571 = tpu.memref_slice %arg4[%dma_start3A_569, %dma_start3A_570] : memref<1000000x64xf32, #tpu.memory_space<hbm>> -> memref<1000000x64xf32, #tpu.memory_space<hbm>>
    tpu.enqueue_indirect_dma source(%dma_start3A_571 : memref<1000000x64xf32, #tpu.memory_space<hbm>>) target(%arg8 : memref<128x64xf32, #tpu.memory_space<vmem>>) offsets(%dma_start3A_568 : memref<128xi32, #tpu.memory_space<vmem>>) semaphore(%arg14 : memref<!tpu.dma_semaphore, #tpu.memory_space<semaphore_mem>>)
    %dma_start3A_572 = arith.constant 0 : i32
    %dma_start3A_573 = tpu.memref_slice %arg7[%dma_start3A_572] : memref<6400xi32, #tpu.memory_space<vmem>> -> memref<128xi32, #tpu.memory_space<vmem>>
    %dma_start3A_574 = arith.constant 0 : i32
    %dma_start3A_575 = arith.constant 0 : i32
    %dma_start3A_576 = tpu.memref_slice %arg13[%dma_start3A_574, %dma_start3A_575] : memref<5376x64xf32, #tpu.memory_space<vmem_shared>> -> memref<5376x64xf32, #tpu.memory_space<vmem_shared>>
    tpu.enqueue_indirect_dma source(%dma_start3A_576 : memref<5376x64xf32, #tpu.memory_space<vmem_shared>>) target(%arg10 : memref<128x64xf32, #tpu.memory_space<vmem>>) offsets(%dma_start3A_573 : memref<128xi32, #tpu.memory_space<vmem>>) semaphore(%arg16 : memref<!tpu.dma_semaphore, #tpu.memory_space<semaphore_mem>>)
    %scan3A_577 = arith.constant 0 : i32
    %scan3A_578 = arith.constant 25 : i32
    %scan3A_579 = arith.addi %scan3A_577, %scan3A_578 : i32
    %scan3A_580 = arith.constant 1 : i32
    scf.for %scan3A_589 = %scan3A_577 to %scan3A_579 step %scan3A_580  : i32 {
      %mul3A_590 = arith.constant 1 : i32
      %mul3A_591 = arith.muli %scan3A_589, %mul3A_590 : i32
      %add3A_592 = arith.constant 0 : i32
      %add3A_593 = arith.addi %add3A_592, %mul3A_591 : i32
      %mul3A_594 = arith.constant 2 : i32
      %mul3A_595 = arith.muli %add3A_593, %mul3A_594 : i32
      %add3A_596 = arith.constant 0 : i32
      %add3A_597 = arith.addi %mul3A_595, %add3A_596 : i32
      %dma_wait3A_598 = arith.constant 0 : i32
      %dma_wait3A_599 = arith.constant 0 : i32
      %dma_wait3A_600 = tpu.memref_slice %arg6[%dma_wait3A_598, %dma_wait3A_599] : memref<4x6400xi32, #tpu.memory_space<vmem>> -> memref<1x128xi32, #tpu.memory_space<vmem>>
      %dma_wait3A_601 = tpu.memref_squeeze %dma_wait3A_600 : memref<1x128xi32, #tpu.memory_space<vmem>> -> memref<128xi32, #tpu.memory_space<vmem>>
      %dma_wait3A_602 = arith.constant 0 : i32
      %dma_wait3A_603 = arith.constant 0 : i32
      %dma_wait3A_604 = tpu.memref_slice %arg4[%dma_wait3A_602, %dma_wait3A_603] : memref<1000000x64xf32, #tpu.memory_space<hbm>> -> memref<1000000x64xf32, #tpu.memory_space<hbm>>
      tpu.wait_indirect_dma semaphore(%arg14 : memref<!tpu.dma_semaphore, #tpu.memory_space<semaphore_mem>>) src(%dma_wait3A_604 : memref<1000000x64xf32, #tpu.memory_space<hbm>>) dst(%arg8 : memref<128x64xf32, #tpu.memory_space<vmem>>)
      %dma_wait3A_605 = arith.constant 0 : i32
      %dma_wait3A_606 = tpu.memref_slice %arg7[%dma_wait3A_605] : memref<6400xi32, #tpu.memory_space<vmem>> -> memref<128xi32, #tpu.memory_space<vmem>>
      %dma_wait3A_607 = arith.constant 0 : i32
      %dma_wait3A_608 = arith.constant 0 : i32
      %dma_wait3A_609 = tpu.memref_slice %arg13[%dma_wait3A_607, %dma_wait3A_608] : memref<5376x64xf32, #tpu.memory_space<vmem_shared>> -> memref<5376x64xf32, #tpu.memory_space<vmem_shared>>
      tpu.wait_indirect_dma semaphore(%arg16 : memref<!tpu.dma_semaphore, #tpu.memory_space<semaphore_mem>>) src(%dma_wait3A_609 : memref<5376x64xf32, #tpu.memory_space<vmem_shared>>) dst(%arg10 : memref<128x64xf32, #tpu.memory_space<vmem>>)
      %add3A_610 = arith.constant 1 : i32
      %add3A_611 = arith.addi %add3A_597, %add3A_610 : i32
      %lt3A_612 = arith.constant 50 : i32
      %lt3A_613 = arith.cmpi slt, %add3A_611, %lt3A_612 : i32
      %convert_element_type3A = arith.extui %lt3A_613 : i1 to i32
      %cond3A = arith.constant 0 : i32
      %cond3A_614 = arith.cmpi ne, %convert_element_type3A, %cond3A : i32
      scf.if %cond3A_614 {
        %ge3A = arith.constant 1 : i32
        %ge3A_756 = arith.cmpi sge, %add3A_597, %ge3A : i32
        %convert_element_type3A_757 = arith.extui %ge3A_756 : i1 to i32
        %cond3A_758 = arith.constant 0 : i32
        %cond3A_759 = arith.cmpi ne, %convert_element_type3A_757, %cond3A_758 : i32
        scf.if %cond3A_759 {
          %dma_wait3A_774 = arith.constant 0 : i32
          %dma_wait3A_775 = tpu.memref_slice %arg5[%mul3A_2, %dma_wait3A_774] : memref<204800x64xf32, #tpu.memory_space<hbm>> -> memref<128x64xf32, #tpu.memory_space<hbm>>
          %dma_wait3A_776 = arith.constant 0 : i32
          %dma_wait3A_777 = tpu.memref_slice %arg5[%mul3A_2, %dma_wait3A_776] : memref<204800x64xf32, #tpu.memory_space<hbm>> -> memref<128x64xf32, #tpu.memory_space<hbm>>
          tpu.wait_dma2 semaphore(%arg19 : memref<!tpu.dma_semaphore, #tpu.memory_space<semaphore_mem>>) src(%arg11 : memref<128x64xf32, #tpu.memory_space<vmem>>) dst(%dma_wait3A_777 : memref<128x64xf32, #tpu.memory_space<hbm>>)
        } else {
        }
        %add3A_760 = arith.constant 1 : i32
        %add3A_761 = arith.addi %add3A_597, %add3A_760 : i32
        %mul3A_762 = arith.constant 128 : i32
        %mul3A_763 = arith.muli %add3A_761, %mul3A_762 : i32
        %dma_start3A_764 = arith.constant 0 : i32
        %dma_start3A_765 = tpu.memref_slice %arg6[%dma_start3A_764, %mul3A_763] : memref<4x6400xi32, #tpu.memory_space<vmem>> -> memref<1x128xi32, #tpu.memory_space<vmem>>
        %dma_start3A_766 = tpu.memref_squeeze %dma_start3A_765 : memref<1x128xi32, #tpu.memory_space<vmem>> -> memref<128xi32, #tpu.memory_space<vmem>>
        %dma_start3A_767 = arith.constant 0 : i32
        %dma_start3A_768 = arith.constant 0 : i32
        %dma_start3A_769 = tpu.memref_slice %arg4[%dma_start3A_767, %dma_start3A_768] : memref<1000000x64xf32, #tpu.memory_space<hbm>> -> memref<1000000x64xf32, #tpu.memory_space<hbm>>
        tpu.enqueue_indirect_dma source(%dma_start3A_769 : memref<1000000x64xf32, #tpu.memory_space<hbm>>) target(%arg9 : memref<128x64xf32, #tpu.memory_space<vmem>>) offsets(%dma_start3A_766 : memref<128xi32, #tpu.memory_space<vmem>>) semaphore(%arg15 : memref<!tpu.dma_semaphore, #tpu.memory_space<semaphore_mem>>)
        %dma_start3A_770 = tpu.memref_slice %arg7[%mul3A_763] : memref<6400xi32, #tpu.memory_space<vmem>> -> memref<128xi32, #tpu.memory_space<vmem>>
        %dma_start3A_771 = arith.constant 0 : i32
        %dma_start3A_772 = arith.constant 0 : i32
        %dma_start3A_773 = tpu.memref_slice %arg13[%dma_start3A_771, %dma_start3A_772] : memref<5376x64xf32, #tpu.memory_space<vmem_shared>> -> memref<5376x64xf32, #tpu.memory_space<vmem_shared>>
        tpu.enqueue_indirect_dma source(%dma_start3A_773 : memref<5376x64xf32, #tpu.memory_space<vmem_shared>>) target(%arg11 : memref<128x64xf32, #tpu.memory_space<vmem>>) offsets(%dma_start3A_770 : memref<128xi32, #tpu.memory_space<vmem>>) semaphore(%arg17 : memref<!tpu.dma_semaphore, #tpu.memory_space<semaphore_mem>>)
      } else {
      }
      %mul3A_615 = arith.constant 128 : i32
      %mul3A_616 = arith.muli %add3A_597, %mul3A_615 : i32
      %add3A_617 = arith.addi %mul3A_2, %mul3A_616 : i32
      %jit3A_618 = arith.constant 1024 : i32
      %div3A_619 = arith.divsi %add3A_617, %jit3A_618 : i32
      %sign3A_620 = arith.constant 0 : i32
      %sign3A_621 = arith.cmpi sgt, %add3A_617, %sign3A_620 : i32
      %sign3A_622 = arith.extui %sign3A_621 : i1 to i32
      %sign3A_623 = arith.constant 0 : i32
      %sign3A_624 = arith.cmpi slt, %add3A_617, %sign3A_623 : i32
      %sign3A_625 = arith.extui %sign3A_624 : i1 to i32
      %sign3A_626 = arith.subi %sign3A_622, %sign3A_625 : i32
      %sign3A_627 = arith.constant 0 : i32
      %sign3A_628 = arith.cmpi sgt, %jit3A_618, %sign3A_627 : i32
      %sign3A_629 = arith.extui %sign3A_628 : i1 to i32
      %sign3A_630 = arith.constant 0 : i32
      %sign3A_631 = arith.cmpi slt, %jit3A_618, %sign3A_630 : i32
      %sign3A_632 = arith.extui %sign3A_631 : i1 to i32
      %sign3A_633 = arith.subi %sign3A_629, %sign3A_632 : i32
      %ne3A_634 = arith.cmpi ne, %sign3A_626, %sign3A_633 : i32
      %rem3A_635 = arith.remsi %add3A_617, %jit3A_618 : i32
      %ne3A_636 = arith.constant 0 : i32
      %ne3A_637 = arith.cmpi ne, %rem3A_635, %ne3A_636 : i32
      %and3A_638 = arith.andi %ne3A_634, %ne3A_637 : i1
      %sub3A_639 = arith.constant 1 : i32
      %sub3A_640 = arith.subi %div3A_619, %sub3A_639 : i32
      %select_n3A_641 = arith.select %and3A_638, %sub3A_640, %div3A_619 : i32
      %add3A_642 = arith.constant 43 : i32
      %add3A_643 = arith.addi %add3A_642, %select_n3A_641 : i32
      %get3A_644 = arith.index_cast %add3A_643 : i32 to index
      %get3A_645 = arith.constant 0 : index
      %get3A_646 = tpu.vector_load %arg12[%get3A_644, %get3A_645] {strides = array<i32>} : memref<243x64xf32, #tpu.memory_space<vmem>>, vector<16xf32>,
      %add3A_647 = arith.constant 43 : i32
      %add3A_648 = arith.addi %add3A_647, %select_n3A_641 : i32
      %get3A_649 = arith.index_cast %add3A_648 : i32 to index
      %get3A_650 = arith.constant 16 : index
      %get3A_651 = tpu.vector_load %arg12[%get3A_649, %get3A_650] {strides = array<i32>} : memref<243x64xf32, #tpu.memory_space<vmem>>, vector<16xf32>,
      %add3A_652 = arith.constant 43 : i32
      %add3A_653 = arith.addi %add3A_652, %select_n3A_641 : i32
      %get3A_654 = arith.index_cast %add3A_653 : i32 to index
      %get3A_655 = arith.constant 32 : index
      %get3A_656 = tpu.vector_load %arg12[%get3A_654, %get3A_655] {strides = array<i32>} : memref<243x64xf32, #tpu.memory_space<vmem>>, vector<16xf32>,
      %add3A_657 = arith.constant 43 : i32
      %add3A_658 = arith.addi %add3A_657, %select_n3A_641 : i32
      %get3A_659 = arith.index_cast %add3A_658 : i32 to index
      %get3A_660 = arith.constant 48 : index
      %get3A_661 = tpu.vector_load %arg12[%get3A_659, %get3A_660] {strides = array<i32>} : memref<243x64xf32, #tpu.memory_space<vmem>>, vector<16xf32>,
      %scan3A_662 = arith.constant 0 : i32
      %scan3A_663 = arith.constant 64 : i32
      %scan3A_664 = arith.addi %scan3A_662, %scan3A_663 : i32
      %scan3A_665 = arith.constant 1 : i32
      scf.for %scan3A_756 = %scan3A_662 to %scan3A_664 step %scan3A_665  : i32 {
        %mul3A_757 = arith.constant 2 : i32
        %mul3A_758 = arith.muli %scan3A_756, %mul3A_757 : i32
        %add3A_759 = arith.constant 0 : i32
        %add3A_760 = arith.addi %add3A_759, %mul3A_758 : i32
        %add3A_761 = arith.constant 0 : i32
        %add3A_762 = arith.addi %add3A_760, %add3A_761 : i32
        %get3A_763 = arith.index_cast %add3A_762 : i32 to index
        %get3A_764 = arith.constant 0 : index
        %get3A_765 = tpu.vector_load %arg8[%get3A_763, %get3A_764] {strides = array<i32>} : memref<128x64xf32, #tpu.memory_space<vmem>>, vector<16xf32>,
        %mul3A_766 = arith.constant 8.000000e+00 : f32
        %mul3A_767 = vector.broadcast %mul3A_766 : f32 to vector<16xf32>
        %mul3A_768 = arith.mulf %get3A_765, %mul3A_767 : vector<16xf32>
        %get3A_769 = arith.index_cast %add3A_762 : i32 to index
        %get3A_770 = arith.constant 0 : index
        %get3A_771 = tpu.vector_load %arg10[%get3A_769, %get3A_770] {strides = array<i32>} : memref<128x64xf32, #tpu.memory_space<vmem>>, vector<16xf32>,
        %add3A_772 = arith.addf %mul3A_768, %get3A_771 : vector<16xf32>
        %add3A_773 = arith.addf %add3A_772, %get3A_646 : vector<16xf32>
        %swap3A = arith.index_cast %add3A_762 : i32 to index
        %swap3A_774 = arith.constant 0 : index
        %swap3A_775 = tpu.vector_load %arg10[%swap3A, %swap3A_774] {strides = array<i32>} : memref<128x64xf32, #tpu.memory_space<vmem>>, vector<16xf32>,
        tpu.vector_store %arg10[%swap3A, %swap3A_774], %add3A_773 {strides = array<i32>} : memref<128x64xf32, #tpu.memory_space<vmem>>, vector<16xf32>,
        %get3A_776 = arith.index_cast %add3A_762 : i32 to index
        %get3A_777 = arith.constant 16 : index
        %get3A_778 = tpu.vector_load %arg8[%get3A_776, %get3A_777] {strides = array<i32>} : memref<128x64xf32, #tpu.memory_space<vmem>>, vector<16xf32>,
        %mul3A_779 = arith.constant 8.000000e+00 : f32
        %mul3A_780 = vector.broadcast %mul3A_779 : f32 to vector<16xf32>
        %mul3A_781 = arith.mulf %get3A_778, %mul3A_780 : vector<16xf32>
        %get3A_782 = arith.index_cast %add3A_762 : i32 to index
        %get3A_783 = arith.constant 16 : index
        %get3A_784 = tpu.vector_load %arg10[%get3A_782, %get3A_783] {strides = array<i32>} : memref<128x64xf32, #tpu.memory_space<vmem>>, vector<16xf32>,
        %add3A_785 = arith.addf %mul3A_781, %get3A_784 : vector<16xf32>
        %add3A_786 = arith.addf %add3A_785, %get3A_651 : vector<16xf32>
        %swap3A_787 = arith.index_cast %add3A_762 : i32 to index
        %swap3A_788 = arith.constant 16 : index
        %swap3A_789 = tpu.vector_load %arg10[%swap3A_787, %swap3A_788] {strides = array<i32>} : memref<128x64xf32, #tpu.memory_space<vmem>>, vector<16xf32>,
        tpu.vector_store %arg10[%swap3A_787, %swap3A_788], %add3A_786 {strides = array<i32>} : memref<128x64xf32, #tpu.memory_space<vmem>>, vector<16xf32>,
        %get3A_790 = arith.index_cast %add3A_762 : i32 to index
        %get3A_791 = arith.constant 32 : index
        %get3A_792 = tpu.vector_load %arg8[%get3A_790, %get3A_791] {strides = array<i32>} : memref<128x64xf32, #tpu.memory_space<vmem>>, vector<16xf32>,
        %mul3A_793 = arith.constant 8.000000e+00 : f32
        %mul3A_794 = vector.broadcast %mul3A_793 : f32 to vector<16xf32>
        %mul3A_795 = arith.mulf %get3A_792, %mul3A_794 : vector<16xf32>
        %get3A_796 = arith.index_cast %add3A_762 : i32 to index
        %get3A_797 = arith.constant 32 : index
        %get3A_798 = tpu.vector_load %arg10[%get3A_796, %get3A_797] {strides = array<i32>} : memref<128x64xf32, #tpu.memory_space<vmem>>, vector<16xf32>,
        %add3A_799 = arith.addf %mul3A_795, %get3A_798 : vector<16xf32>
        %add3A_800 = arith.addf %add3A_799, %get3A_656 : vector<16xf32>
        %swap3A_801 = arith.index_cast %add3A_762 : i32 to index
        %swap3A_802 = arith.constant 32 : index
        %swap3A_803 = tpu.vector_load %arg10[%swap3A_801, %swap3A_802] {strides = array<i32>} : memref<128x64xf32, #tpu.memory_space<vmem>>, vector<16xf32>,
        tpu.vector_store %arg10[%swap3A_801, %swap3A_802], %add3A_800 {strides = array<i32>} : memref<128x64xf32, #tpu.memory_space<vmem>>, vector<16xf32>,
        %get3A_804 = arith.index_cast %add3A_762 : i32 to index
        %get3A_805 = arith.constant 48 : index
        %get3A_806 = tpu.vector_load %arg8[%get3A_804, %get3A_805] {strides = array<i32>} : memref<128x64xf32, #tpu.memory_space<vmem>>, vector<16xf32>,
        %mul3A_807 = arith.constant 8.000000e+00 : f32
        %mul3A_808 = vector.broadcast %mul3A_807 : f32 to vector<16xf32>
        %mul3A_809 = arith.mulf %get3A_806, %mul3A_808 : vector<16xf32>
        %get3A_810 = arith.index_cast %add3A_762 : i32 to index
        %get3A_811 = arith.constant 48 : index
        %get3A_812 = tpu.vector_load %arg10[%get3A_810, %get3A_811] {strides = array<i32>} : memref<128x64xf32, #tpu.memory_space<vmem>>, vector<16xf32>,
        %add3A_813 = arith.addf %mul3A_809, %get3A_812 : vector<16xf32>
        %add3A_814 = arith.addf %add3A_813, %get3A_661 : vector<16xf32>
        %swap3A_815 = arith.index_cast %add3A_762 : i32 to index
        %swap3A_816 = arith.constant 48 : index
        %swap3A_817 = tpu.vector_load %arg10[%swap3A_815, %swap3A_816] {strides = array<i32>} : memref<128x64xf32, #tpu.memory_space<vmem>>, vector<16xf32>,
        tpu.vector_store %arg10[%swap3A_815, %swap3A_816], %add3A_814 {strides = array<i32>} : memref<128x64xf32, #tpu.memory_space<vmem>>, vector<16xf32>,
        %add3A_818 = arith.constant 1 : i32
        %add3A_819 = arith.addi %add3A_760, %add3A_818 : i32
        %get3A_820 = arith.index_cast %add3A_819 : i32 to index
        %get3A_821 = arith.constant 0 : index
        %get3A_822 = tpu.vector_load %arg8[%get3A_820, %get3A_821] {strides = array<i32>} : memref<128x64xf32, #tpu.memory_space<vmem>>, vector<16xf32>,
        %mul3A_823 = arith.constant 8.000000e+00 : f32
        %mul3A_824 = vector.broadcast %mul3A_823 : f32 to vector<16xf32>
        %mul3A_825 = arith.mulf %get3A_822, %mul3A_824 : vector<16xf32>
        %get3A_826 = arith.index_cast %add3A_819 : i32 to index
        %get3A_827 = arith.constant 0 : index
        %get3A_828 = tpu.vector_load %arg10[%get3A_826, %get3A_827] {strides = array<i32>} : memref<128x64xf32, #tpu.memory_space<vmem>>, vector<16xf32>,
        %add3A_829 = arith.addf %mul3A_825, %get3A_828 : vector<16xf32>
        %add3A_830 = arith.addf %add3A_829, %get3A_646 : vector<16xf32>
        %swap3A_831 = arith.index_cast %add3A_819 : i32 to index
        %swap3A_832 = arith.constant 0 : index
        %swap3A_833 = tpu.vector_load %arg10[%swap3A_831, %swap3A_832] {strides = array<i32>} : memref<128x64xf32, #tpu.memory_space<vmem>>, vector<16xf32>,
        tpu.vector_store %arg10[%swap3A_831, %swap3A_832], %add3A_830 {strides = array<i32>} : memref<128x64xf32, #tpu.memory_space<vmem>>, vector<16xf32>,
        %get3A_834 = arith.index_cast %add3A_819 : i32 to index
        %get3A_835 = arith.constant 16 : index
        %get3A_836 = tpu.vector_load %arg8[%get3A_834, %get3A_835] {strides = array<i32>} : memref<128x64xf32, #tpu.memory_space<vmem>>, vector<16xf32>,
        %mul3A_837 = arith.constant 8.000000e+00 : f32
        %mul3A_838 = vector.broadcast %mul3A_837 : f32 to vector<16xf32>
        %mul3A_839 = arith.mulf %get3A_836, %mul3A_838 : vector<16xf32>
        %get3A_840 = arith.index_cast %add3A_819 : i32 to index
        %get3A_841 = arith.constant 16 : index
        %get3A_842 = tpu.vector_load %arg10[%get3A_840, %get3A_841] {strides = array<i32>} : memref<128x64xf32, #tpu.memory_space<vmem>>, vector<16xf32>,
        %add3A_843 = arith.addf %mul3A_839, %get3A_842 : vector<16xf32>
        %add3A_844 = arith.addf %add3A_843, %get3A_651 : vector<16xf32>
        %swap3A_845 = arith.index_cast %add3A_819 : i32 to index
        %swap3A_846 = arith.constant 16 : index
        %swap3A_847 = tpu.vector_load %arg10[%swap3A_845, %swap3A_846] {strides = array<i32>} : memref<128x64xf32, #tpu.memory_space<vmem>>, vector<16xf32>,
        tpu.vector_store %arg10[%swap3A_845, %swap3A_846], %add3A_844 {strides = array<i32>} : memref<128x64xf32, #tpu.memory_space<vmem>>, vector<16xf32>,
        %get3A_848 = arith.index_cast %add3A_819 : i32 to index
        %get3A_849 = arith.constant 32 : index
        %get3A_850 = tpu.vector_load %arg8[%get3A_848, %get3A_849] {strides = array<i32>} : memref<128x64xf32, #tpu.memory_space<vmem>>, vector<16xf32>,
        %mul3A_851 = arith.constant 8.000000e+00 : f32
        %mul3A_852 = vector.broadcast %mul3A_851 : f32 to vector<16xf32>
        %mul3A_853 = arith.mulf %get3A_850, %mul3A_852 : vector<16xf32>
        %get3A_854 = arith.index_cast %add3A_819 : i32 to index
        %get3A_855 = arith.constant 32 : index
        %get3A_856 = tpu.vector_load %arg10[%get3A_854, %get3A_855] {strides = array<i32>} : memref<128x64xf32, #tpu.memory_space<vmem>>, vector<16xf32>,
        %add3A_857 = arith.addf %mul3A_853, %get3A_856 : vector<16xf32>
        %add3A_858 = arith.addf %add3A_857, %get3A_656 : vector<16xf32>
        %swap3A_859 = arith.index_cast %add3A_819 : i32 to index
        %swap3A_860 = arith.constant 32 : index
        %swap3A_861 = tpu.vector_load %arg10[%swap3A_859, %swap3A_860] {strides = array<i32>} : memref<128x64xf32, #tpu.memory_space<vmem>>, vector<16xf32>,
        tpu.vector_store %arg10[%swap3A_859, %swap3A_860], %add3A_858 {strides = array<i32>} : memref<128x64xf32, #tpu.memory_space<vmem>>, vector<16xf32>,
        %get3A_862 = arith.index_cast %add3A_819 : i32 to index
        %get3A_863 = arith.constant 48 : index
        %get3A_864 = tpu.vector_load %arg8[%get3A_862, %get3A_863] {strides = array<i32>} : memref<128x64xf32, #tpu.memory_space<vmem>>, vector<16xf32>,
        %mul3A_865 = arith.constant 8.000000e+00 : f32
        %mul3A_866 = vector.broadcast %mul3A_865 : f32 to vector<16xf32>
        %mul3A_867 = arith.mulf %get3A_864, %mul3A_866 : vector<16xf32>
        %get3A_868 = arith.index_cast %add3A_819 : i32 to index
        %get3A_869 = arith.constant 48 : index
        %get3A_870 = tpu.vector_load %arg10[%get3A_868, %get3A_869] {strides = array<i32>} : memref<128x64xf32, #tpu.memory_space<vmem>>, vector<16xf32>,
        %add3A_871 = arith.addf %mul3A_867, %get3A_870 : vector<16xf32>
        %add3A_872 = arith.addf %add3A_871, %get3A_661 : vector<16xf32>
        %swap3A_873 = arith.index_cast %add3A_819 : i32 to index
        %swap3A_874 = arith.constant 48 : index
        %swap3A_875 = tpu.vector_load %arg10[%swap3A_873, %swap3A_874] {strides = array<i32>} : memref<128x64xf32, #tpu.memory_space<vmem>>, vector<16xf32>,
        tpu.vector_store %arg10[%swap3A_873, %swap3A_874], %add3A_872 {strides = array<i32>} : memref<128x64xf32, #tpu.memory_space<vmem>>, vector<16xf32>,
      }
      %scan3A_666 = arith.constant 64 : i32
      %mul3A_667 = arith.constant 128 : i32
      %mul3A_668 = arith.muli %add3A_597, %mul3A_667 : i32
      %add3A_669 = arith.addi %mul3A_2, %mul3A_668 : i32
      %dma_start3A_670 = arith.constant 0 : i32
      %dma_start3A_671 = tpu.memref_slice %arg5[%add3A_669, %dma_start3A_670] : memref<204800x64xf32, #tpu.memory_space<hbm>> -> memref<128x64xf32, #tpu.memory_space<hbm>>
      %dma_start3A_672 = arith.constant 0 : i32
      %dma_start3A_673 = tpu.memref_slice %arg5[%add3A_669, %dma_start3A_672] : memref<204800x64xf32, #tpu.memory_space<hbm>> -> memref<128x64xf32, #tpu.memory_space<hbm>>
      tpu.enqueue_dma source(%arg10 : memref<128x64xf32, #tpu.memory_space<vmem>>) target(%dma_start3A_673 : memref<128x64xf32, #tpu.memory_space<hbm>>) target_semaphore(%arg18 : memref<!tpu.dma_semaphore, #tpu.memory_space<semaphore_mem>>)
      %mul3A_674 = arith.constant 2 : i32
      %mul3A_675 = arith.muli %add3A_593, %mul3A_674 : i32
      %add3A_676 = arith.constant 1 : i32
      %add3A_677 = arith.addi %mul3A_675, %add3A_676 : i32
      %dma_wait3A_678 = arith.constant 0 : i32
      %dma_wait3A_679 = arith.constant 0 : i32
      %dma_wait3A_680 = tpu.memref_slice %arg6[%dma_wait3A_678, %dma_wait3A_679] : memref<4x6400xi32, #tpu.memory_space<vmem>> -> memref<1x128xi32, #tpu.memory_space<vmem>>
      %dma_wait3A_681 = tpu.memref_squeeze %dma_wait3A_680 : memref<1x128xi32, #tpu.memory_space<vmem>> -> memref<128xi32, #tpu.memory_space<vmem>>
      %dma_wait3A_682 = arith.constant 0 : i32
      %dma_wait3A_683 = arith.constant 0 : i32
      %dma_wait3A_684 = tpu.memref_slice %arg4[%dma_wait3A_682, %dma_wait3A_683] : memref<1000000x64xf32, #tpu.memory_space<hbm>> -> memref<1000000x64xf32, #tpu.memory_space<hbm>>
      tpu.wait_indirect_dma semaphore(%arg15 : memref<!tpu.dma_semaphore, #tpu.memory_space<semaphore_mem>>) src(%dma_wait3A_684 : memref<1000000x64xf32, #tpu.memory_space<hbm>>) dst(%arg9 : memref<128x64xf32, #tpu.memory_space<vmem>>)
      %dma_wait3A_685 = arith.constant 0 : i32
      %dma_wait3A_686 = tpu.memref_slice %arg7[%dma_wait3A_685] : memref<6400xi32, #tpu.memory_space<vmem>> -> memref<128xi32, #tpu.memory_space<vmem>>
      %dma_wait3A_687 = arith.constant 0 : i32
      %dma_wait3A_688 = arith.constant 0 : i32
      %dma_wait3A_689 = tpu.memref_slice %arg13[%dma_wait3A_687, %dma_wait3A_688] : memref<5376x64xf32, #tpu.memory_space<vmem_shared>> -> memref<5376x64xf32, #tpu.memory_space<vmem_shared>>
      tpu.wait_indirect_dma semaphore(%arg17 : memref<!tpu.dma_semaphore, #tpu.memory_space<semaphore_mem>>) src(%dma_wait3A_689 : memref<5376x64xf32, #tpu.memory_space<vmem_shared>>) dst(%arg11 : memref<128x64xf32, #tpu.memory_space<vmem>>)
      %add3A_690 = arith.constant 1 : i32
      %add3A_691 = arith.addi %add3A_677, %add3A_690 : i32
      %lt3A_692 = arith.constant 50 : i32
      %lt3A_693 = arith.cmpi slt, %add3A_691, %lt3A_692 : i32
      %convert_element_type3A_694 = arith.extui %lt3A_693 : i1 to i32
      %cond3A_695 = arith.constant 0 : i32
      %cond3A_696 = arith.cmpi ne, %convert_element_type3A_694, %cond3A_695 : i32
      scf.if %cond3A_696 {
        %ge3A = arith.constant 1 : i32
        %ge3A_756 = arith.cmpi sge, %add3A_677, %ge3A : i32
        %convert_element_type3A_757 = arith.extui %ge3A_756 : i1 to i32
        %cond3A_758 = arith.constant 0 : i32
        %cond3A_759 = arith.cmpi ne, %convert_element_type3A_757, %cond3A_758 : i32
        scf.if %cond3A_759 {
          %dma_wait3A_774 = arith.constant 0 : i32
          %dma_wait3A_775 = tpu.memref_slice %arg5[%mul3A_2, %dma_wait3A_774] : memref<204800x64xf32, #tpu.memory_space<hbm>> -> memref<128x64xf32, #tpu.memory_space<hbm>>
          %dma_wait3A_776 = arith.constant 0 : i32
          %dma_wait3A_777 = tpu.memref_slice %arg5[%mul3A_2, %dma_wait3A_776] : memref<204800x64xf32, #tpu.memory_space<hbm>> -> memref<128x64xf32, #tpu.memory_space<hbm>>
          tpu.wait_dma2 semaphore(%arg18 : memref<!tpu.dma_semaphore, #tpu.memory_space<semaphore_mem>>) src(%arg10 : memref<128x64xf32, #tpu.memory_space<vmem>>) dst(%dma_wait3A_777 : memref<128x64xf32, #tpu.memory_space<hbm>>)
        } else {
        }
        %add3A_760 = arith.constant 1 : i32
        %add3A_761 = arith.addi %add3A_677, %add3A_760 : i32
        %mul3A_762 = arith.constant 128 : i32
        %mul3A_763 = arith.muli %add3A_761, %mul3A_762 : i32
        %dma_start3A_764 = arith.constant 0 : i32
        %dma_start3A_765 = tpu.memref_slice %arg6[%dma_start3A_764, %mul3A_763] : memref<4x6400xi32, #tpu.memory_space<vmem>> -> memref<1x128xi32, #tpu.memory_space<vmem>>
        %dma_start3A_766 = tpu.memref_squeeze %dma_start3A_765 : memref<1x128xi32, #tpu.memory_space<vmem>> -> memref<128xi32, #tpu.memory_space<vmem>>
        %dma_start3A_767 = arith.constant 0 : i32
        %dma_start3A_768 = arith.constant 0 : i32
        %dma_start3A_769 = tpu.memref_slice %arg4[%dma_start3A_767, %dma_start3A_768] : memref<1000000x64xf32, #tpu.memory_space<hbm>> -> memref<1000000x64xf32, #tpu.memory_space<hbm>>
        tpu.enqueue_indirect_dma source(%dma_start3A_769 : memref<1000000x64xf32, #tpu.memory_space<hbm>>) target(%arg8 : memref<128x64xf32, #tpu.memory_space<vmem>>) offsets(%dma_start3A_766 : memref<128xi32, #tpu.memory_space<vmem>>) semaphore(%arg14 : memref<!tpu.dma_semaphore, #tpu.memory_space<semaphore_mem>>)
        %dma_start3A_770 = tpu.memref_slice %arg7[%mul3A_763] : memref<6400xi32, #tpu.memory_space<vmem>> -> memref<128xi32, #tpu.memory_space<vmem>>
        %dma_start3A_771 = arith.constant 0 : i32
        %dma_start3A_772 = arith.constant 0 : i32
        %dma_start3A_773 = tpu.memref_slice %arg13[%dma_start3A_771, %dma_start3A_772] : memref<5376x64xf32, #tpu.memory_space<vmem_shared>> -> memref<5376x64xf32, #tpu.memory_space<vmem_shared>>
        tpu.enqueue_indirect_dma source(%dma_start3A_773 : memref<5376x64xf32, #tpu.memory_space<vmem_shared>>) target(%arg10 : memref<128x64xf32, #tpu.memory_space<vmem>>) offsets(%dma_start3A_770 : memref<128xi32, #tpu.memory_space<vmem>>) semaphore(%arg16 : memref<!tpu.dma_semaphore, #tpu.memory_space<semaphore_mem>>)
      } else {
      }
      %mul3A_697 = arith.constant 128 : i32
      %mul3A_698 = arith.muli %add3A_677, %mul3A_697 : i32
      %add3A_699 = arith.addi %mul3A_2, %mul3A_698 : i32
      %jit3A_700 = arith.constant 1024 : i32
      %div3A_701 = arith.divsi %add3A_699, %jit3A_700 : i32
      %sign3A_702 = arith.constant 0 : i32
      %sign3A_703 = arith.cmpi sgt, %add3A_699, %sign3A_702 : i32
      %sign3A_704 = arith.extui %sign3A_703 : i1 to i32
      %sign3A_705 = arith.constant 0 : i32
      %sign3A_706 = arith.cmpi slt, %add3A_699, %sign3A_705 : i32
      %sign3A_707 = arith.extui %sign3A_706 : i1 to i32
      %sign3A_708 = arith.subi %sign3A_704, %sign3A_707 : i32
      %sign3A_709 = arith.constant 0 : i32
      %sign3A_710 = arith.cmpi sgt, %jit3A_700, %sign3A_709 : i32
      %sign3A_711 = arith.extui %sign3A_710 : i1 to i32
      %sign3A_712 = arith.constant 0 : i32
      %sign3A_713 = arith.cmpi slt, %jit3A_700, %sign3A_712 : i32
      %sign3A_714 = arith.extui %sign3A_713 : i1 to i32
      %sign3A_715 = arith.subi %sign3A_711, %sign3A_714 : i32
      %ne3A_716 = arith.cmpi ne, %sign3A_708, %sign3A_715 : i32
      %rem3A_717 = arith.remsi %add3A_699, %jit3A_700 : i32
      %ne3A_718 = arith.constant 0 : i32
      %ne3A_719 = arith.cmpi ne, %rem3A_717, %ne3A_718 : i32
      %and3A_720 = arith.andi %ne3A_716, %ne3A_719 : i1
      %sub3A_721 = arith.constant 1 : i32
      %sub3A_722 = arith.subi %div3A_701, %sub3A_721 : i32
      %select_n3A_723 = arith.select %and3A_720, %sub3A_722, %div3A_701 : i32
      %add3A_724 = arith.constant 43 : i32
      %add3A_725 = arith.addi %add3A_724, %select_n3A_723 : i32
      %get3A_726 = arith.index_cast %add3A_725 : i32 to index
      %get3A_727 = arith.constant 0 : index
      %get3A_728 = tpu.vector_load %arg12[%get3A_726, %get3A_727] {strides = array<i32>} : memref<243x64xf32, #tpu.memory_space<vmem>>, vector<16xf32>,
      %add3A_729 = arith.constant 43 : i32
      %add3A_730 = arith.addi %add3A_729, %select_n3A_723 : i32
      %get3A_731 = arith.index_cast %add3A_730 : i32 to index
      %get3A_732 = arith.constant 16 : index
      %get3A_733 = tpu.vector_load %arg12[%get3A_731, %get3A_732] {strides = array<i32>} : memref<243x64xf32, #tpu.memory_space<vmem>>, vector<16xf32>,
      %add3A_734 = arith.constant 43 : i32
      %add3A_735 = arith.addi %add3A_734, %select_n3A_723 : i32
      %get3A_736 = arith.index_cast %add3A_735 : i32 to index
      %get3A_737 = arith.constant 32 : index
      %get3A_738 = tpu.vector_load %arg12[%get3A_736, %get3A_737] {strides = array<i32>} : memref<243x64xf32, #tpu.memory_space<vmem>>, vector<16xf32>,
      %add3A_739 = arith.constant 43 : i32
      %add3A_740 = arith.addi %add3A_739, %select_n3A_723 : i32
      %get3A_741 = arith.index_cast %add3A_740 : i32 to index
      %get3A_742 = arith.constant 48 : index
      %get3A_743 = tpu.vector_load %arg12[%get3A_741, %get3A_742] {strides = array<i32>} : memref<243x64xf32, #tpu.memory_space<vmem>>, vector<16xf32>,
      %scan3A_744 = arith.constant 0 : i32
      %scan3A_745 = arith.constant 64 : i32
      %scan3A_746 = arith.addi %scan3A_744, %scan3A_745 : i32
      %scan3A_747 = arith.constant 1 : i32
      scf.for %scan3A_756 = %scan3A_744 to %scan3A_746 step %scan3A_747  : i32 {
        %mul3A_757 = arith.constant 2 : i32
        %mul3A_758 = arith.muli %scan3A_756, %mul3A_757 : i32
        %add3A_759 = arith.constant 0 : i32
        %add3A_760 = arith.addi %add3A_759, %mul3A_758 : i32
        %add3A_761 = arith.constant 0 : i32
        %add3A_762 = arith.addi %add3A_760, %add3A_761 : i32
        %get3A_763 = arith.index_cast %add3A_762 : i32 to index
        %get3A_764 = arith.constant 0 : index
        %get3A_765 = tpu.vector_load %arg9[%get3A_763, %get3A_764] {strides = array<i32>} : memref<128x64xf32, #tpu.memory_space<vmem>>, vector<16xf32>,
        %mul3A_766 = arith.constant 8.000000e+00 : f32
        %mul3A_767 = vector.broadcast %mul3A_766 : f32 to vector<16xf32>
        %mul3A_768 = arith.mulf %get3A_765, %mul3A_767 : vector<16xf32>
        %get3A_769 = arith.index_cast %add3A_762 : i32 to index
        %get3A_770 = arith.constant 0 : index
        %get3A_771 = tpu.vector_load %arg11[%get3A_769, %get3A_770] {strides = array<i32>} : memref<128x64xf32, #tpu.memory_space<vmem>>, vector<16xf32>,
        %add3A_772 = arith.addf %mul3A_768, %get3A_771 : vector<16xf32>
        %add3A_773 = arith.addf %add3A_772, %get3A_728 : vector<16xf32>
        %swap3A = arith.index_cast %add3A_762 : i32 to index
        %swap3A_774 = arith.constant 0 : index
        %swap3A_775 = tpu.vector_load %arg11[%swap3A, %swap3A_774] {strides = array<i32>} : memref<128x64xf32, #tpu.memory_space<vmem>>, vector<16xf32>,
        tpu.vector_store %arg11[%swap3A, %swap3A_774], %add3A_773 {strides = array<i32>} : memref<128x64xf32, #tpu.memory_space<vmem>>, vector<16xf32>,
        %get3A_776 = arith.index_cast %add3A_762 : i32 to index
        %get3A_777 = arith.constant 16 : index
        %get3A_778 = tpu.vector_load %arg9[%get3A_776, %get3A_777] {strides = array<i32>} : memref<128x64xf32, #tpu.memory_space<vmem>>, vector<16xf32>,
        %mul3A_779 = arith.constant 8.000000e+00 : f32
        %mul3A_780 = vector.broadcast %mul3A_779 : f32 to vector<16xf32>
        %mul3A_781 = arith.mulf %get3A_778, %mul3A_780 : vector<16xf32>
        %get3A_782 = arith.index_cast %add3A_762 : i32 to index
        %get3A_783 = arith.constant 16 : index
        %get3A_784 = tpu.vector_load %arg11[%get3A_782, %get3A_783] {strides = array<i32>} : memref<128x64xf32, #tpu.memory_space<vmem>>, vector<16xf32>,
        %add3A_785 = arith.addf %mul3A_781, %get3A_784 : vector<16xf32>
        %add3A_786 = arith.addf %add3A_785, %get3A_733 : vector<16xf32>
        %swap3A_787 = arith.index_cast %add3A_762 : i32 to index
        %swap3A_788 = arith.constant 16 : index
        %swap3A_789 = tpu.vector_load %arg11[%swap3A_787, %swap3A_788] {strides = array<i32>} : memref<128x64xf32, #tpu.memory_space<vmem>>, vector<16xf32>,
        tpu.vector_store %arg11[%swap3A_787, %swap3A_788], %add3A_786 {strides = array<i32>} : memref<128x64xf32, #tpu.memory_space<vmem>>, vector<16xf32>,
        %get3A_790 = arith.index_cast %add3A_762 : i32 to index
        %get3A_791 = arith.constant 32 : index
        %get3A_792 = tpu.vector_load %arg9[%get3A_790, %get3A_791] {strides = array<i32>} : memref<128x64xf32, #tpu.memory_space<vmem>>, vector<16xf32>,
        %mul3A_793 = arith.constant 8.000000e+00 : f32
        %mul3A_794 = vector.broadcast %mul3A_793 : f32 to vector<16xf32>
        %mul3A_795 = arith.mulf %get3A_792, %mul3A_794 : vector<16xf32>
        %get3A_796 = arith.index_cast %add3A_762 : i32 to index
        %get3A_797 = arith.constant 32 : index
        %get3A_798 = tpu.vector_load %arg11[%get3A_796, %get3A_797] {strides = array<i32>} : memref<128x64xf32, #tpu.memory_space<vmem>>, vector<16xf32>,
        %add3A_799 = arith.addf %mul3A_795, %get3A_798 : vector<16xf32>
        %add3A_800 = arith.addf %add3A_799, %get3A_738 : vector<16xf32>
        %swap3A_801 = arith.index_cast %add3A_762 : i32 to index
        %swap3A_802 = arith.constant 32 : index
        %swap3A_803 = tpu.vector_load %arg11[%swap3A_801, %swap3A_802] {strides = array<i32>} : memref<128x64xf32, #tpu.memory_space<vmem>>, vector<16xf32>,
        tpu.vector_store %arg11[%swap3A_801, %swap3A_802], %add3A_800 {strides = array<i32>} : memref<128x64xf32, #tpu.memory_space<vmem>>, vector<16xf32>,
        %get3A_804 = arith.index_cast %add3A_762 : i32 to index
        %get3A_805 = arith.constant 48 : index
        %get3A_806 = tpu.vector_load %arg9[%get3A_804, %get3A_805] {strides = array<i32>} : memref<128x64xf32, #tpu.memory_space<vmem>>, vector<16xf32>,
        %mul3A_807 = arith.constant 8.000000e+00 : f32
        %mul3A_808 = vector.broadcast %mul3A_807 : f32 to vector<16xf32>
        %mul3A_809 = arith.mulf %get3A_806, %mul3A_808 : vector<16xf32>
        %get3A_810 = arith.index_cast %add3A_762 : i32 to index
        %get3A_811 = arith.constant 48 : index
        %get3A_812 = tpu.vector_load %arg11[%get3A_810, %get3A_811] {strides = array<i32>} : memref<128x64xf32, #tpu.memory_space<vmem>>, vector<16xf32>,
        %add3A_813 = arith.addf %mul3A_809, %get3A_812 : vector<16xf32>
        %add3A_814 = arith.addf %add3A_813, %get3A_743 : vector<16xf32>
        %swap3A_815 = arith.index_cast %add3A_762 : i32 to index
        %swap3A_816 = arith.constant 48 : index
        %swap3A_817 = tpu.vector_load %arg11[%swap3A_815, %swap3A_816] {strides = array<i32>} : memref<128x64xf32, #tpu.memory_space<vmem>>, vector<16xf32>,
        tpu.vector_store %arg11[%swap3A_815, %swap3A_816], %add3A_814 {strides = array<i32>} : memref<128x64xf32, #tpu.memory_space<vmem>>, vector<16xf32>,
        %add3A_818 = arith.constant 1 : i32
        %add3A_819 = arith.addi %add3A_760, %add3A_818 : i32
        %get3A_820 = arith.index_cast %add3A_819 : i32 to index
        %get3A_821 = arith.constant 0 : index
        %get3A_822 = tpu.vector_load %arg9[%get3A_820, %get3A_821] {strides = array<i32>} : memref<128x64xf32, #tpu.memory_space<vmem>>, vector<16xf32>,
        %mul3A_823 = arith.constant 8.000000e+00 : f32
        %mul3A_824 = vector.broadcast %mul3A_823 : f32 to vector<16xf32>
        %mul3A_825 = arith.mulf %get3A_822, %mul3A_824 : vector<16xf32>
        %get3A_826 = arith.index_cast %add3A_819 : i32 to index
        %get3A_827 = arith.constant 0 : index
        %get3A_828 = tpu.vector_load %arg11[%get3A_826, %get3A_827] {strides = array<i32>} : memref<128x64xf32, #tpu.memory_space<vmem>>, vector<16xf32>,
        %add3A_829 = arith.addf %mul3A_825, %get3A_828 : vector<16xf32>
        %add3A_830 = arith.addf %add3A_829, %get3A_728 : vector<16xf32>
        %swap3A_831 = arith.index_cast %add3A_819 : i32 to index
        %swap3A_832 = arith.constant 0 : index
        %swap3A_833 = tpu.vector_load %arg11[%swap3A_831, %swap3A_832] {strides = array<i32>} : memref<128x64xf32, #tpu.memory_space<vmem>>, vector<16xf32>,
        tpu.vector_store %arg11[%swap3A_831, %swap3A_832], %add3A_830 {strides = array<i32>} : memref<128x64xf32, #tpu.memory_space<vmem>>, vector<16xf32>,
        %get3A_834 = arith.index_cast %add3A_819 : i32 to index
        %get3A_835 = arith.constant 16 : index
        %get3A_836 = tpu.vector_load %arg9[%get3A_834, %get3A_835] {strides = array<i32>} : memref<128x64xf32, #tpu.memory_space<vmem>>, vector<16xf32>,
        %mul3A_837 = arith.constant 8.000000e+00 : f32
        %mul3A_838 = vector.broadcast %mul3A_837 : f32 to vector<16xf32>
        %mul3A_839 = arith.mulf %get3A_836, %mul3A_838 : vector<16xf32>
        %get3A_840 = arith.index_cast %add3A_819 : i32 to index
        %get3A_841 = arith.constant 16 : index
        %get3A_842 = tpu.vector_load %arg11[%get3A_840, %get3A_841] {strides = array<i32>} : memref<128x64xf32, #tpu.memory_space<vmem>>, vector<16xf32>,
        %add3A_843 = arith.addf %mul3A_839, %get3A_842 : vector<16xf32>
        %add3A_844 = arith.addf %add3A_843, %get3A_733 : vector<16xf32>
        %swap3A_845 = arith.index_cast %add3A_819 : i32 to index
        %swap3A_846 = arith.constant 16 : index
        %swap3A_847 = tpu.vector_load %arg11[%swap3A_845, %swap3A_846] {strides = array<i32>} : memref<128x64xf32, #tpu.memory_space<vmem>>, vector<16xf32>,
        tpu.vector_store %arg11[%swap3A_845, %swap3A_846], %add3A_844 {strides = array<i32>} : memref<128x64xf32, #tpu.memory_space<vmem>>, vector<16xf32>,
        %get3A_848 = arith.index_cast %add3A_819 : i32 to index
        %get3A_849 = arith.constant 32 : index
        %get3A_850 = tpu.vector_load %arg9[%get3A_848, %get3A_849] {strides = array<i32>} : memref<128x64xf32, #tpu.memory_space<vmem>>, vector<16xf32>,
        %mul3A_851 = arith.constant 8.000000e+00 : f32
        %mul3A_852 = vector.broadcast %mul3A_851 : f32 to vector<16xf32>
        %mul3A_853 = arith.mulf %get3A_850, %mul3A_852 : vector<16xf32>
        %get3A_854 = arith.index_cast %add3A_819 : i32 to index
        %get3A_855 = arith.constant 32 : index
        %get3A_856 = tpu.vector_load %arg11[%get3A_854, %get3A_855] {strides = array<i32>} : memref<128x64xf32, #tpu.memory_space<vmem>>, vector<16xf32>,
        %add3A_857 = arith.addf %mul3A_853, %get3A_856 : vector<16xf32>
        %add3A_858 = arith.addf %add3A_857, %get3A_738 : vector<16xf32>
        %swap3A_859 = arith.index_cast %add3A_819 : i32 to index
        %swap3A_860 = arith.constant 32 : index
        %swap3A_861 = tpu.vector_load %arg11[%swap3A_859, %swap3A_860] {strides = array<i32>} : memref<128x64xf32, #tpu.memory_space<vmem>>, vector<16xf32>,
        tpu.vector_store %arg11[%swap3A_859, %swap3A_860], %add3A_858 {strides = array<i32>} : memref<128x64xf32, #tpu.memory_space<vmem>>, vector<16xf32>,
        %get3A_862 = arith.index_cast %add3A_819 : i32 to index
        %get3A_863 = arith.constant 48 : index
        %get3A_864 = tpu.vector_load %arg9[%get3A_862, %get3A_863] {strides = array<i32>} : memref<128x64xf32, #tpu.memory_space<vmem>>, vector<16xf32>,
        %mul3A_865 = arith.constant 8.000000e+00 : f32
        %mul3A_866 = vector.broadcast %mul3A_865 : f32 to vector<16xf32>
        %mul3A_867 = arith.mulf %get3A_864, %mul3A_866 : vector<16xf32>
        %get3A_868 = arith.index_cast %add3A_819 : i32 to index
        %get3A_869 = arith.constant 48 : index
        %get3A_870 = tpu.vector_load %arg11[%get3A_868, %get3A_869] {strides = array<i32>} : memref<128x64xf32, #tpu.memory_space<vmem>>, vector<16xf32>,
        %add3A_871 = arith.addf %mul3A_867, %get3A_870 : vector<16xf32>
        %add3A_872 = arith.addf %add3A_871, %get3A_743 : vector<16xf32>
        %swap3A_873 = arith.index_cast %add3A_819 : i32 to index
        %swap3A_874 = arith.constant 48 : index
        %swap3A_875 = tpu.vector_load %arg11[%swap3A_873, %swap3A_874] {strides = array<i32>} : memref<128x64xf32, #tpu.memory_space<vmem>>, vector<16xf32>,
        tpu.vector_store %arg11[%swap3A_873, %swap3A_874], %add3A_872 {strides = array<i32>} : memref<128x64xf32, #tpu.memory_space<vmem>>, vector<16xf32>,
      }
      %scan3A_748 = arith.constant 64 : i32
      %mul3A_749 = arith.constant 128 : i32
      %mul3A_750 = arith.muli %add3A_677, %mul3A_749 : i32
      %add3A_751 = arith.addi %mul3A_2, %mul3A_750 : i32
      %dma_start3A_752 = arith.constant 0 : i32
      %dma_start3A_753 = tpu.memref_slice %arg5[%add3A_751, %dma_start3A_752] : memref<204800x64xf32, #tpu.memory_space<hbm>> -> memref<128x64xf32, #tpu.memory_space<hbm>>
      %dma_start3A_754 = arith.constant 0 : i32
      %dma_start3A_755 = tpu.memref_slice %arg5[%add3A_751, %dma_start3A_754] : memref<204800x64xf32, #tpu.memory_space<hbm>> -> memref<128x64xf32, #tpu.memory_space<hbm>>
      tpu.enqueue_dma source(%arg11 : memref<128x64xf32, #tpu.memory_space<vmem>>) target(%dma_start3A_755 : memref<128x64xf32, #tpu.memory_space<hbm>>) target_semaphore(%arg19 : memref<!tpu.dma_semaphore, #tpu.memory_space<semaphore_mem>>)
    }
    %scan3A_581 = arith.constant 25 : i32
    %dma_wait3A = arith.constant 0 : i32
    %dma_wait3A_582 = tpu.memref_slice %arg5[%mul3A_2, %dma_wait3A] : memref<204800x64xf32, #tpu.memory_space<hbm>> -> memref<128x64xf32, #tpu.memory_space<hbm>>
    %dma_wait3A_583 = arith.constant 0 : i32
    %dma_wait3A_584 = tpu.memref_slice %arg5[%mul3A_2, %dma_wait3A_583] : memref<204800x64xf32, #tpu.memory_space<hbm>> -> memref<128x64xf32, #tpu.memory_space<hbm>>
    tpu.wait_dma2 semaphore(%arg18 : memref<!tpu.dma_semaphore, #tpu.memory_space<semaphore_mem>>) src(%arg10 : memref<128x64xf32, #tpu.memory_space<vmem>>) dst(%dma_wait3A_584 : memref<128x64xf32, #tpu.memory_space<hbm>>)
    %dma_wait3A_585 = arith.constant 0 : i32
    %dma_wait3A_586 = tpu.memref_slice %arg5[%mul3A_2, %dma_wait3A_585] : memref<204800x64xf32, #tpu.memory_space<hbm>> -> memref<128x64xf32, #tpu.memory_space<hbm>>
    %dma_wait3A_587 = arith.constant 0 : i32
    %dma_wait3A_588 = tpu.memref_slice %arg5[%mul3A_2, %dma_wait3A_587] : memref<204800x64xf32, #tpu.memory_space<hbm>> -> memref<128x64xf32, #tpu.memory_space<hbm>>
    tpu.wait_dma2 semaphore(%arg19 : memref<!tpu.dma_semaphore, #tpu.memory_space<semaphore_mem>>) src(%arg11 : memref<128x64xf32, #tpu.memory_space<vmem>>) dst(%dma_wait3A_588 : memref<128x64xf32, #tpu.memory_space<hbm>>)
    return
  }
}

</mosaic_0001>

<sc_bundles>
// kernel: kernel.3.cloned.1.call-start
scs
__scs_entry_jumppad:
0x0: {  	(pc) =	sbr.rel $0x88, $3  }
0x1: {  	(tag) =	ssettag $0x0;
	lr =	simm.s32 $0x1  }
0x2: {  	[smem:$0x3F98] =	sst lr;
	_ =	strace $0xD0000000  }
0x3: {  	_ = 	snop  }
0x4: {  	_ = 	snop  }
0x5: {  	_ = 	snop  }
0x6: {  	_ = 	snop  }
0x7: {  	_ = 	snop  }
__scs_overlays_trampoline_lowered:
0x8: {  	[smem:$0x3FA7] =	sst s0  }
0x9: {  	[smem:$0x3FA8] =	sst s1  }
0xa: {  	[smem:$0x3FA9] =	sst s2  }
0xb: {  	[smem:$0x3FAA] =	sst s3  }
0xc: {  	[smem:$0x3FAB] =	sst s4  }
0xd: {  	[smem:$0x3FAC] =	sst s5  }
0xe: {  	[smem:$0x3FAD] =	sst s6  }
0xf: {  	[smem:$0x3FAE] =	sst s7  }
0x10: {  	[smem:$0x3FAF] =	sst s8  }
0x11: {  	[smem:$0x3FB0] =	sst s9;
	s0 =	simm.s32 @!p0 $0x0  }
0x12: {  	s1 =	sld [smem:$0x3F96];
	s0 =	simm.s32 @p0 $0x1  }
0x13: {  	[smem:$0x3FB1] =	sst s0;
	s0 =	simm.s32 @!p1 $0x0  }
0x14: {  	s2 =	sld [smem:$0x3F95];
	s0 =	simm.s32 @p1 $0x1  }
0x15: {  	[smem:$0x3FB2] =	sst s0;
	s0 =	simm.s32 @!p2 $0x0  }
0x16: {  	s3 =	sld [smem:$0x3FDB];
	s0 =	simm.s32 @p2 $0x1  }
0x17: {  	s4 =	simm.s32 $0x1BF5;
	[smem:$0x3FB4] =	sst s0  }
0x18: {  	s0 =	sld [smem:$0x3F97];
	_ =	swait.ge [sflag:s4], $0x0  }
0x19: {  	s7 =	sld [smem:$0x3F98]  }
0x1a: {  	s8 =	sadd.s32 $0xFFFFE003, lr  }
0x1b: {  	s9 =	sadd.s32 $0xFFFFFEF7, lr;
	s5 =	simm.s32 $0xFFFFFFFF;
	p2 =	slt.u32 s8, $0xFFFFF086  }
0x1c: {  	p1 =	slt.u32 s9, $0xF7A;
	s5 =	simm.s32 @!p2 $0x0  }
0x1d: {  	s5 =	simm.s32 @p1 $0x1;
	p0 =	seq.s32 s7, s2  }
0x1e: {  	s7 =	smul.u32 @!p0 $0xF7A, s2;
	p2 =	seq.s32 @!p0 s5, $0x0  }
0x1f: {  	s9 =	smul.u32 $0xF7A, s1;
	s8 =	simm.s32 @!p0 $0x1BF5;
	p2 =	por !p2, p0  }
0x20: {  	[sflag:s8] =	ssyncset.s32 @!p0 $0xFFFFF086;
	s6 =	sadd.s32 @!p0 s3, s7;
	s7 =	simm.s32 @!p0 $0x108  }
0x21: {  	s3 =	sadd.s32 s3, s9;
	s6 =	sadd.s32 @!p0 $0x88, s6;
	s7 =	simm.s32 @p2 $0x1082  }
0x22: {  	[simem:s7], [sflag:s8] =	dma.local @!p0 [hbm:s6], $0xF7A  }
0x23: {  	s9 =	sor.u32 $0xD0000000, s2;
	s6 =	simm.s32 $0x108;
	_ =	swait.ge @!p0 [sflag:s8], $0x0  }
0x24: {  	s3 =	sadd.s32 $0x88, s3;
	s6 =	simm.s32 @!p1 $0x1082;
	[sflag:s4] =	ssyncset.s32 $0xFFFFF086  }
0x25: {  	[simem:s6], [sflag:s4] =	dma.local [hbm:s3], $0xF7A  }
0x26: {  	[smem:$0x3F98] =	sst s1;
	(tag) =	ssettag s2;
	_ =	strace s9  }
0x27: {  	s1 =	sld [smem:$0x3FA8]  }
0x28: {  	s2 =	sld [smem:$0x3FA9]  }
0x29: {  	s4 =	sld [smem:$0x3FAB]  }
0x2a: {  	p0 =	seq.s32 s5, $0x0;
	s5 =	sld [smem:$0x3FAC]  }
0x2b: {  	s6 =	sld [smem:$0x3FAD]  }
0x2c: {  	s7 =	sld [smem:$0x3FAE]  }
0x2d: {  	s3 =	simm.s32 $0x108;
	s8 =	sld [smem:$0x3FAF]  }
0x2e: {  	s3 =	simm.s32 @!p0 $0x1082;
	s9 =	sld [smem:$0x3FB0]  }
0x2f: {  	lr =	sadd.s32 s0, s3;
	s0 =	sld [smem:$0x3FA7]  }
0x30: {  	s3 =	sld [smem:$0x3FAA]  }
0x31: {  	[smem:$0x3FB3] =	sst s10  }
0x32: {  	s10 =	sld [smem:$0x3FB1];
	_ =	sdelay $0x3  }
0x33: {  	p0 =	seq.s32 s10, $0x1;
	s10 =	sld [smem:$0x3FB3];
	_ =	sdelay $0x3  }
0x34: {  	[smem:$0x3FB3] =	sst s10  }
0x35: {  	s10 =	sld [smem:$0x3FB2];
	_ =	sdelay $0x3  }
0x36: {  	p1 =	seq.s32 s10, $0x1;
	s10 =	sld [smem:$0x3FB3];
	_ =	sdelay $0x3  }
0x37: {  	[smem:$0x3FB3] =	sst s10  }
0x38: {  	s10 =	sld [smem:$0x3FB4]  }
0x39: {  	_ = 	snop;
	(pc) =	sbr.ind lr, $3  }
0x3a: {  	_ = 	snop  }
0x3b: {  	_ = 	snop  }
0x3c: {  	p2 =	seq.s32 s10, $0x1;
	s10 =	sld [smem:$0x3FB3]  }
0x3d: {  	_ =	shalt  }
0x3e: {  	_ =	shalt  }
0x3f: {  	_ =	shalt  }
0x40: {  	_ =	shalt  }
0x41: {  	_ =	shalt  }
0x42: {  	_ =	shalt  }
0x43: {  	_ =	shalt  }
0x44: {  	_ =	shalt  }
0x45: {  	_ =	shalt  }
0x46: {  	_ =	shalt  }
0x47: {  	_ =	shalt  }
0x48: {  	_ =	shalt  }
0x49: {  	_ =	shalt  }
0x4a: {  	_ =	shalt  }
0x4b: {  	_ =	shalt  }
0x4c: {  	_ =	shalt  }
0x4d: {  	_ =	shalt  }
0x4e: {  	_ =	shalt  }
0x4f: {  	_ =	shalt  }
0x50: {  	_ =	shalt  }
0x51: {  	_ =	shalt  }
0x52: {  	_ =	shalt  }
0x53: {  	_ =	shalt  }
0x54: {  	_ =	shalt  }
0x55: {  	_ =	shalt  }
0x56: {  	_ =	shalt  }
0x57: {  	_ =	shalt  }
0x58: {  	_ =	shalt  }
0x59: {  	_ =	shalt  }
0x5a: {  	_ =	shalt  }
0x5b: {  	_ =	shalt  }
0x5c: {  	_ =	shalt  }
0x5d: {  	_ =	shalt  }
0x5e: {  	_ =	shalt  }
0x5f: {  	_ =	shalt  }
0x60: {  	_ =	shalt  }
0x61: {  	_ =	shalt  }
0x62: {  	_ =	shalt  }
0x63: {  	_ =	shalt  }
0x64: {  	_ =	shalt  }
0x65: {  	_ =	shalt  }
0x66: {  	_ =	shalt  }
0x67: {  	_ =	shalt  }
0x68: {  	_ =	shalt  }
0x69: {  	_ =	shalt  }
0x6a: {  	_ =	shalt  }
0x6b: {  	_ =	shalt  }
0x6c: {  	_ =	shalt  }
0x6d: {  	_ =	shalt  }
0x6e: {  	_ =	shalt  }
0x6f: {  	_ =	shalt  }
0x70: {  	_ =	shalt  }
0x71: {  	_ =	shalt  }
0x72: {  	_ =	shalt  }
0x73: {  	_ =	shalt  }
0x74: {  	_ =	shalt  }
0x75: {  	_ =	shalt  }
0x76: {  	_ =	shalt  }
0x77: {  	_ =	shalt  }
0x78: {  	_ =	shalt  }
0x79: {  	_ =	shalt  }
0x7a: {  	_ =	shalt  }
0x7b: {  	_ =	shalt  }
0x7c: {  	_ =	shalt  }
0x7d: {  	_ =	shalt  }
0x7e: {  	_ =	shalt  }
0x7f: {  	_ =	shalt  }
0x80: {  	_ =	shalt  }
0x81: {  	_ =	shalt  }
0x82: {  	_ =	shalt  }
0x83: {  	_ =	shalt  }
0x84: {  	_ =	shalt  }
0x85: {  	_ =	shalt  }
0x86: {  	_ =	shalt  }
0x87: {  	_ =	shalt  }
.Lfunc_end0:
.L_simem_size_0:
called_computation.1_lowered:
.L_overlay_start_0:
0x88: {  	s2 =	sld [smem:$0x3FD9]  }
0x89: {  	s3 =	sld [smem:$0x3FFE];
	_ =	sdelay $0x1  }
0x8a: {  	s1 =	srdreg.scid  }
0x8b: {  	s0 =	sand.u32 $0x1, s1  }
0x8c: {  	s17 =	sshll.u32 s0, $0xA;
	s2 =	sadd.s32 s3, s2  }
0x8d: {  	s2 =	sadd.s32 s2, s17  }
0x8e: {  	[smem:$0x3FBF] =	sst s2  }
0x8f: {  	_ = 	snop  }
0x90: {  	s2 =	sld [smem:$0x3FD0];
	(tm) =	ssettm $0x1  }
0x91: {  	s18 =	sld [smem:$0x3FFB];
	_ =	sdelay $0x3  }
0x92: {  	_ =	strace s18  }
0x93: {  	s3 =	sld [smem:$0x3FFC];
	_ =	sdelay $0x3  }
0x94: {  	_ =	strace s3  }
0x95: {  	s3 =	sld [smem:$0x3FFD];
	_ =	sdelay $0x3  }
0x96: {  	_ =	strace s3  }
0x97: {  	_ =	strace $0x8FFFFFFF  }
0x98: {  	s19 =	sld [smem:$0x3FDB];
	_ =	sdelay $0x1  }
0x99: {  	s4 =	simm.s32 $_scs_section_size  }
0x9a: {  	s5 =	simm.s32 $_size__tile_overlayer_lowered;
	s6 =	simm.s32 $_tile_overlayer_lowered  }
0x9b: {  	s22 =	simm.s32 $0x1BFF;
	s21 =	sshll.u32 s6, $0x1;
	s3 =	sadd.s32 s4, s19  }
0x9c: {  	s7 =	simm.s32 $0x0;
	s20 =	sshll.u32 s5, $0x1;
	s5 =	sadd.s32 s21, s3  }
0x9d: {  	[timem:s7], [sflag:s22] =	dma.local [hbm:s5], s20  }
0x9e: {  	_ =	swait.ge [sflag:s22], s20  }
0x9f: {  	s4 =	ssub.s32 $0x0, s20;
	[sflag:s22] =	ssyncset.done $0x0  }
0xa0: {  	[sflag:s22] =	ssyncadd.s32 s4;
	_ =	sdelay $0x1  }
0xa1: {  	s23 =	simm.s32 $0x1B8B  }
0xa2: {  	_ =	swait.ge [sflag:s23], $0x1  }
0xa3: {  	[sflag:s23] =	ssyncset.done $0x0  }
0xa4: {  	s25 =	simm.s32 $0x1B8E;
	s24 =	sld [smem:$0x3FFE];
	[sflag:s23] =	ssyncadd.s32 $0xFFFFFFFF  }
0xa5: {  	s26 =	simm.s32 $execute0_lowered;
	[smem:$0x3FD2] =	sst s25  }
0xa6: {  	s5 =	sshll.u32 s26, $0x1;
	_ =	strace $0x80000046;
	[dreg:$0x1] =	wrdreg $0xFFFFFFFF  }
0xa7: {  	s28 =	simm.s32 $_size_execute0_lowered;
	s3 =	sadd.s32 s3, s5;
	[dreg:$0x0] =	wrdreg $0x0  }
0xa8: {  	s5 =	sshll.u32 s28, $0x1;
	[dreg:$0x2] =	wrdreg s3  }
0xa9: {  	[dreg:$0x3] =	wrdreg s5  }
0xaa: {  	[dreg:$0x4] =	wrdreg $0xC0  }
0xab: {  	_ =	task [dreg:s7], $0x5FFFF  }
0xac: {  	[dreg:$0x1] =	wrdreg $0xFFFFFFFF  }
0xad: {  	[dreg:$0x0] =	wrdreg $0x60  }
0xae: {  	[dreg:$0x2] =	wrdreg s24  }
0xaf: {  	[dreg:$0x3] =	wrdreg s2  }
0xb0: {  	[dreg:$0x4] =	wrdreg $0x139C00  }
0xb1: {  	[dreg:$0x5] =	wrdreg $0x9  }
0xb2: {  	_ =	task.clear_ibuf [dreg:s7], $0x6FFFF;
	_ =	strace $0x90000046  }
0xb3: {  	s29 =	simm.s32 $0x9;
	_ =	strace $0x80000048  }
0xb4: {  	_ =	swait.ge [sflag:s29], $0x1  }
0xb5: {  	[sflag:s29] =	ssyncadd.s32 $0xFFFFFFFF  }
0xb6: {  	_ =	strace $0x90000048  }
0xb7: {  	_ =	sfence  }
0xb8: {  	s30 =	sld [smem:$0x0];
	_ =	sdelay $0x2  }
0xb9: {  	s31 =	sshll.u32 s1, $0xD;
	s1 =	sshrl.u32 s1, $0x2  }
0xba: {  	s3 =	sand.u32 $0x4000, s31;
	s1 =	sadd.s32 s1, s30  }
0xbb: {  	s0 =	sor.u32 s3, s0;
	s1 =	sshll.u32 s1, $0x11  }
0xbc: {  	s0 =	sor.u32 s1, s0  }
0xbd: {  	s0 =	sadd.s32 $0x8F2B, s0  }
0xbe: {  	[sflag:s0] =	ssyncadd.remote.s32 $0x1  }
0xbf: {  	_ =	sfence.sel $0xFFFF  }
0xc0: {  	[dreg:$0x0] =	wrdreg $0xFFFFFFFF;
	(pc) =	sbr.abs _section_cstart, $3  }
0xc1: {  	[dreg:$0x1] =	wrdreg $0xFFFFFFFF  }
0xc2: {  	_ =	task.clear_ibuf [dreg:s7], $0x2FFFF;
	_ =	strace $0x9FFFFFFF  }
0xc3: {  	(tm) =	ssettm $0x7FFFFFFF  }
tec
execute0_lowered:
.L_overlay_start_1:
0x0: {  	(tag) =	ssettag $0x1  }
0x1: {  	s0 =	rddreg [dreg:$0x0];
	s1 =	srdreg.scid  }
0x2: {  	s11 =	stileid.u32;
	s2 =	rddreg [dreg:$0x1]  }
0x3: {  	s3 =	rddreg [dreg:$0x2];
	s28 =	simm.s32 $0x7;
	s29 =	simm.s32 $0xBD00  }
0x4: {  	s30 =	simm.s32 $0x1;
	s31 =	simm.s32 $0x3;
	s1 =	sand.u32 $0x1, s1  }
0x5: {  	s4 =	sshll.u32 s11, $0x1;
	s10 =	smul.u32 $0x6, s11;
	s7 =	sadd.s32 $0x1AA00, s0  }
0x6: {  	s9 =	smul.u32 $0x60, s11;
	s20 =	sshll.u32 s11, $0x7;
	s5 =	sor.u32 s1, s4  }
0x7: {  	s4 =	simm.s32 $0x0;
	s1 =	ssub.s32 $0x2, s1;
	s5 =	smul.u32 $0x1900, s5  }
0x8: {  	[smem:$0x7FF] =	sst s4;
	s8 =	sshrl.u32 s1, $0x1;
	s21 =	sor.u32 $0x1, s10  }
0x9: {  	s22 =	sadd.s32 $0x2, s10;
	s17 =	sadd.s32 $0x3, s10;
	s19 =	sshll.u32 s10, $0x4  }
0xa: {  	s10 =	sadd.s32 $0x5, s10;
	_ =	strace $0x80000047;
	[dreg:$0x4] =	wrdreg s7  }
0xb: {  	s7 =	sadd.s32 $0xF43E00, s0;
	s13 =	smul.u32 $0x3800, s21;
	s14 =	sshll.u32 s22, $0x4  }
0xc: {  	s15 =	smul.u32 $0x3800, s22;
	s25 =	sshll.u32 s17, $0x4;
	s26 =	sshll.u32 s17, $0x6  }
0xd: {  	s6 =	sshrl.u32 s5, $0x3;
	s16 =	sand.u32 $0xFC0, s25;
	s17 =	sand.u32 $0xC0, s26  }
0xe: {  	s25 =	sshll.u32 s10, $0x4;
	s10 =	sshll.u32 s10, $0x6;
	s6 =	sadd.s32 s6, s0  }
0xf: {  	s0 =	ssub.s32 s1, s8;
	s1 =	smul.u32 $0x15000, s11;
	s8 =	sand.u32 $0x7C0, s9  }
0x10: {  	s9 =	sand.u32 $0x80, s20;
	s11 =	sshll.u32 s21, $0x6;
	s13 =	sshrl.u32 s13, $0x2  }
0x11: {  	s15 =	sshrl.u32 s15, $0x2;
	s21 =	sadd.s32 $0x40, s19;
	s11 =	sand.u32 $0xC0, s11  }
0x12: {  	s23 =	sadd.s32 s13, s3;
	s13 =	sand.u32 $0xFC0, s14;
	[dreg:$0x6] =	wrdreg s11  }
0x13: {  	s24 =	sadd.s32 s15, s3;
	s19 =	sand.u32 $0xFC0, s21;
	[dreg:$0x7] =	wrdreg s23  }
0x14: {  	s21 =	sand.u32 $0xFC0, s25;
	s26 =	sadd.s32 $0x1A00, s6;
	[dreg:$0x8] =	wrdreg s24  }
0x15: {  	s0 =	smax.u32 s0, $0x1;
	s6 =	simm.s32 $0x2;
	[dreg:$0xc] =	wrdreg s26  }
0x16: {  	s12 =	sshrl.u32 s1, $0x2;
	s11 =	sadd.s32 $0xA800, s1;
	[dreg:$0xd] =	wrdreg s0  }
0x17: {  	s0 =	simm.s32 $0x9D00;
	s26 =	simm.s32 $0xDD00;
	s12 =	sadd.s32 s12, s3  }
0x18: {  	s18 =	sshrl.u32 s11, $0x2;
	[dreg:$0x5] =	wrdreg s12;
	s12 =	sshll.u32 s22, $0x6  }
0x19: {  	s20 =	sadd.s32 s18, s3;
	s22 =	sadd.s32 $0xE000, s1;
	s1 =	sadd.s32 $0x11800, s1  }
0x1a: {  	s18 =	simm.s32 $0x0;
	s14 =	sand.u32 $0x80, s12;
	s23 =	sshrl.u32 s22, $0x2  }
0x1b: {  	[dreg:$0x9] =	wrdreg s20;
	s1 =	sshrl.u32 s1, $0x2;
	s24 =	sadd.s32 s23, s3  }
0x1c: {  	s22 =	sand.u32 $0xC0, s10;
	s1 =	sadd.s32 s1, s3;
	[dreg:$0xa] =	wrdreg s24  }
0x1d: {  	s10 =	simm.s32 $0x4;
	[dreg:$0xb] =	wrdreg s1;
	s1 =	simm.s32 $0x80  }
.LBB2_1:
0x1e: {  	s11 =	rddreg [dreg:$0x4];
	s12 =	simm.s32 $0xFD00  }
0x1f: {  	[tilespmem:s12], [sflag:$0x7] =	stream.linear.gather [hbm4b:s11+s4], $0x3CC0, $0x38;
	[tilespmem:$0x18DC0] =	vst v63  }
0x20: {  	_ =	swait.ge [sflag:s28], $0x3CC0  }
0x21: {  	[sflag:s28] =	ssyncset.done $0x0  }
0x22: {  	[sflag:s28] =	ssyncadd.s32 $0xFFFFC340  }
0x23: {  	v0 =	vld [tilespmem:s8+$0xFD00]  }
0x24: {  	v1 =	vld [tilespmem:s9+$0x10300]  }
0x25: {  	s15 =	sand.u32 $0x1C0, s4  }
0x26: {  	v2 =	vld [tilespmem:s15+$0x10400]  }
0x27: {  	s20 =	sand.u32 $0x1C0, s4  }
0x28: {  	v3 =	vld [tilespmem:s20+$0x105C0]  }
0x29: {  	v0 =	vadd.f32 v1, v0;
	_ =	sdelay $0x1  }
0x2a: {  	v2 =	vadd.f32 v2, v0  }
0x2b: {  	v4 =	vld [tilespmem:s9+$0x10310]  }
0x2c: {  	v5 =	vld [tilespmem:s8+$0xFD20];
	v2 =	vadd.f32 v3, v2  }
0x2d: {  	v6 =	vld [tilespmem:s8+$0xFD30]  }
0x2e: {  	v7 =	vld [tilespmem:s9+$0x10330];
	v2 =	vmul.f32 $8.000000000e+00, v2  }
0x2f: {  	s12 =	simm.s32 $0xBD20;
	v1 =	vld [tilespmem:s8+$0xFD10]  }
0x30: {  	v3 =	vld [tilespmem:s9+$0x10320];
	[tilespmem:s12+$0xFFFFFFE0] =	vst v2  }
0x31: {  	v2 =	vld [tilespmem:s15+$0x10410];
	_ =	sdelay $0x1  }
0x32: {  	v8 =	vld [tilespmem:s20+$0x105D0]  }
0x33: {  	v1 =	vadd.f32 v4, v1;
	_ =	sdelay $0x1  }
0x34: {  	v2 =	vadd.f32 v2, v1;
	_ =	sdelay $0x1  }
0x35: {  	v2 =	vadd.f32 v8, v2;
	_ =	sdelay $0x1  }
0x36: {  	v2 =	vmul.f32 $8.000000000e+00, v2;
	_ =	sdelay $0x1  }
0x37: {  	[tilespmem:s12+$0xFFFFFFF0] =	vst v2  }
0x38: {  	v4 =	vld [tilespmem:s15+$0x10420];
	_ =	sdelay $0x1  }
0x39: {  	v63 =	vld [tilespmem:s20+$0x105E0]  }
0x3a: {  	v2 =	vadd.f32 v3, v5;
	_ =	sdelay $0x1  }
0x3b: {  	v3 =	vadd.f32 v4, v2;
	_ =	sdelay $0x1  }
0x3c: {  	v3 =	vadd.f32 v63, v3;
	_ =	sdelay $0x1  }
0x3d: {  	v3 =	vmul.f32 $8.000000000e+00, v3;
	_ =	sdelay $0x1  }
0x3e: {  	[tilespmem:s12+$0x0] =	vst v3  }
0x3f: {  	v4 =	vld [tilespmem:s15+$0x10430];
	_ =	sdelay $0x1  }
0x40: {  	v5 =	vld [tilespmem:s20+$0x105F0]  }
0x41: {  	v3 =	vadd.f32 v7, v6;
	_ =	sdelay $0x1  }
0x42: {  	v4 =	vadd.f32 v4, v3;
	_ =	sdelay $0x1  }
0x43: {  	v4 =	vadd.f32 v5, v4;
	_ =	sdelay $0x1  }
0x44: {  	v4 =	vmul.f32 $8.000000000e+00, v4  }
0x45: {  	s24 =	simm.s32 $0x8  }
0x46: {  	s23 =	simm.s32 $0x40;
	s25 =	simm.s32 $0x80;
	s20 =	sand.u32 $0x1C0, s24;
	[tilespmem:s12+$0x10] =	vst v4  }
.LBB2_2:
0x47: {  	p0 =	sne.s32 s25, $0xDC0;
	v4 =	vld [tilespmem:s20+$0x10400];
	s15 =	sand.u32 $0x1C0, s23;
	s23 =	smov.u32 s25  }
0x48: {  	v5 =	vld [tilespmem:s15+$0x105C0];
	_ =	sdelay $0x3  }
0x49: {  	v4 =	vadd.f32 v4, v0;
	_ =	sdelay $0x1  }
0x4a: {  	v4 =	vadd.f32 v5, v4;
	_ =	sdelay $0x1  }
0x4b: {  	v4 =	vmul.f32 $8.000000000e+00, v4  }
0x4c: {  	s12 =	sadd.s32 $0x40, s12  }
0x4d: {  	[tilespmem:s12+$0xFFFFFFE0] =	vst v4  }
0x4e: {  	v4 =	vld [tilespmem:s20+$0x10410];
	_ =	sdelay $0x1  }
0x4f: {  	v5 =	vld [tilespmem:s15+$0x105D0];
	_ =	sdelay $0x2  }
0x50: {  	v4 =	vadd.f32 v4, v1;
	_ =	sdelay $0x1  }
0x51: {  	v4 =	vadd.f32 v5, v4;
	_ =	sdelay $0x1  }
0x52: {  	v4 =	vmul.f32 $8.000000000e+00, v4;
	_ =	sdelay $0x1  }
0x53: {  	[tilespmem:s12+$0xFFFFFFF0] =	vst v4  }
0x54: {  	v4 =	vld [tilespmem:s20+$0x10420];
	_ =	sdelay $0x1  }
0x55: {  	v5 =	vld [tilespmem:s15+$0x105E0];
	_ =	sdelay $0x2  }
0x56: {  	v4 =	vadd.f32 v4, v2;
	_ =	sdelay $0x1  }
0x57: {  	v4 =	vadd.f32 v5, v4;
	_ =	sdelay $0x1  }
0x58: {  	v4 =	vmul.f32 $8.000000000e+00, v4;
	_ =	sdelay $0x1  }
0x59: {  	[tilespmem:s12+$0x0] =	vst v4  }
0x5a: {  	v4 =	vld [tilespmem:s20+$0x10430]  }
0x5b: {  	v5 =	vld [tilespmem:s15+$0x105F0];
	_ =	sdelay $0x3  }
0x5c: {  	v4 =	vadd.f32 v4, v3;
	_ =	sdelay $0x1  }
.Ltmp0:
0x5d: {  	v4 =	vadd.f32 v5, v4;
	(pc) =	sbr.rel @p0 .LBB2_2-.Ltmp0, $4  }
0x5e: {  	_ = 	snop  }
0x5f: {  	v4 =	vmul.f32 $8.000000000e+00, v4  }
0x60: {  	s24 =	sadd.s32 $0x8, s24  }
0x61: {  	s25 =	sadd.s32 $0x40, s25;
	s20 =	sand.u32 $0x1C0, s24;
	[tilespmem:s12+$0x10] =	vst v4  }
0x62: {  	v4 =	vld [tilespmem:s20+$0x10400]  }
0x63: {  	s15 =	sand.u32 $0x1C0, s23  }
0x64: {  	v5 =	vld [tilespmem:s15+$0x105C0];
	_ =	sdelay $0x2  }
0x65: {  	v0 =	vadd.f32 v4, v0;
	_ =	sdelay $0x1  }
0x66: {  	v0 =	vadd.f32 v5, v0;
	_ =	sdelay $0x1  }
0x67: {  	v0 =	vmul.f32 $8.000000000e+00, v0  }
0x68: {  	s12 =	sadd.s32 $0x40, s12  }
0x69: {  	[tilespmem:s12+$0xFFFFFFE0] =	vst v0  }
0x6a: {  	v0 =	vld [tilespmem:s20+$0x10410];
	_ =	sdelay $0x1  }
0x6b: {  	v4 =	vld [tilespmem:s15+$0x105D0];
	_ =	sdelay $0x2  }
0x6c: {  	v0 =	vadd.f32 v0, v1;
	_ =	sdelay $0x1  }
0x6d: {  	v0 =	vadd.f32 v4, v0;
	_ =	sdelay $0x1  }
0x6e: {  	v0 =	vmul.f32 $8.000000000e+00, v0;
	_ =	sdelay $0x1  }
0x6f: {  	[tilespmem:s12+$0xFFFFFFF0] =	vst v0  }
0x70: {  	v0 =	vld [tilespmem:s20+$0x10420];
	_ =	sdelay $0x1  }
0x71: {  	v1 =	vld [tilespmem:s15+$0x105E0];
	_ =	sdelay $0x2  }
0x72: {  	v0 =	vadd.f32 v0, v2;
	_ =	sdelay $0x1  }
0x73: {  	v0 =	vadd.f32 v1, v0;
	_ =	sdelay $0x1  }
0x74: {  	v0 =	vmul.f32 $8.000000000e+00, v0;
	_ =	sdelay $0x1  }
0x75: {  	[tilespmem:s12+$0x0] =	vst v0  }
0x76: {  	v0 =	vld [tilespmem:s20+$0x10430];
	_ =	sdelay $0x1  }
0x77: {  	v1 =	vld [tilespmem:s15+$0x105F0];
	_ =	sdelay $0x2  }
0x78: {  	v0 =	vadd.f32 v0, v3;
	_ =	sdelay $0x1  }
0x79: {  	v0 =	vadd.f32 v1, v0;
	_ =	sdelay $0x1  }
0x7a: {  	v0 =	vmul.f32 $8.000000000e+00, v0;
	_ =	sdelay $0x1  }
0x7b: {  	s11 =	rddreg [dreg:$0x5];
	[tilespmem:s12+$0x10] =	vst v0  }
0x7c: {  	[spmem:s11] =	stream.linear.scatter [tilespmem:s29], [sflag:$0x7], $0xE00, $0x38;
	[tilespmem:$0x18DC0] =	vst v63  }
0x7d: {  	_ =	swait.ge [sflag:s28], $0xE00  }
0x7e: {  	[sflag:s28] =	ssyncset.done $0x0  }
0x7f: {  	[sflag:s28] =	ssyncadd.s32 $0xFFFFF200  }
0x80: {  	s20 =	rddreg [dreg:$0x6];
	v0 =	vld [tilespmem:s8+$0xFD00]  }
0x81: {  	s23 =	simm.s32 $0x0;
	v1 =	vld [tilespmem:s20+$0x10300]  }
0x82: {  	s24 =	sand.u32 $0x1C0, s23  }
0x83: {  	v2 =	vld [tilespmem:s24+$0x10400]  }
0x84: {  	s25 =	sand.u32 $0x1C0, s23  }
0x85: {  	v3 =	vld [tilespmem:s25+$0x105C0]  }
0x86: {  	v0 =	vadd.f32 v1, v0;
	_ =	sdelay $0x1  }
0x87: {  	v2 =	vadd.f32 v2, v0  }
0x88: {  	v4 =	vld [tilespmem:s20+$0x10310]  }
0x89: {  	v5 =	vld [tilespmem:s8+$0xFD20];
	v2 =	vadd.f32 v3, v2  }
0x8a: {  	v6 =	vld [tilespmem:s8+$0xFD30]  }
0x8b: {  	v7 =	vld [tilespmem:s20+$0x10330];
	v2 =	vmul.f32 $8.000000000e+00, v2  }
0x8c: {  	s12 =	simm.s32 $0xBD20;
	v1 =	vld [tilespmem:s8+$0xFD10]  }
0x8d: {  	v3 =	vld [tilespmem:s20+$0x10320];
	[tilespmem:s12+$0xFFFFFFE0] =	vst v2  }
0x8e: {  	v2 =	vld [tilespmem:s24+$0x10410];
	_ =	sdelay $0x1  }
0x8f: {  	v8 =	vld [tilespmem:s25+$0x105D0]  }
0x90: {  	v1 =	vadd.f32 v4, v1;
	_ =	sdelay $0x1  }
0x91: {  	v2 =	vadd.f32 v2, v1;
	_ =	sdelay $0x1  }
0x92: {  	v2 =	vadd.f32 v8, v2;
	_ =	sdelay $0x1  }
0x93: {  	v2 =	vmul.f32 $8.000000000e+00, v2;
	_ =	sdelay $0x1  }
0x94: {  	[tilespmem:s12+$0xFFFFFFF0] =	vst v2  }
0x95: {  	v4 =	vld [tilespmem:s24+$0x10420];
	_ =	sdelay $0x1  }
0x96: {  	v63 =	vld [tilespmem:s25+$0x105E0]  }
0x97: {  	v2 =	vadd.f32 v3, v5;
	_ =	sdelay $0x1  }
0x98: {  	v3 =	vadd.f32 v4, v2;
	_ =	sdelay $0x1  }
0x99: {  	v3 =	vadd.f32 v63, v3;
	_ =	sdelay $0x1  }
0x9a: {  	v3 =	vmul.f32 $8.000000000e+00, v3;
	_ =	sdelay $0x1  }
0x9b: {  	[tilespmem:s12+$0x0] =	vst v3  }
0x9c: {  	v4 =	vld [tilespmem:s24+$0x10430];
	_ =	sdelay $0x1  }
0x9d: {  	v5 =	vld [tilespmem:s25+$0x105F0]  }
0x9e: {  	v3 =	vadd.f32 v7, v6;
	_ =	sdelay $0x1  }
0x9f: {  	v4 =	vadd.f32 v4, v3;
	_ =	sdelay $0x1  }
0xa0: {  	v4 =	vadd.f32 v5, v4;
	_ =	sdelay $0x1  }
0xa1: {  	v4 =	vmul.f32 $8.000000000e+00, v4  }
0xa2: {  	s24 =	simm.s32 $0x8  }
0xa3: {  	s23 =	simm.s32 $0x40;
	s25 =	simm.s32 $0x80;
	s20 =	sand.u32 $0x1C0, s24;
	[tilespmem:s12+$0x10] =	vst v4  }
.LBB2_4:
0xa4: {  	p0 =	sne.s32 s25, $0xDC0;
	v4 =	vld [tilespmem:s20+$0x10400];
	s15 =	sand.u32 $0x1C0, s23;
	s23 =	smov.u32 s25  }
0xa5: {  	v5 =	vld [tilespmem:s15+$0x105C0];
	_ =	sdelay $0x3  }
0xa6: {  	v4 =	vadd.f32 v4, v0;
	_ =	sdelay $0x1  }
0xa7: {  	v4 =	vadd.f32 v5, v4;
	_ =	sdelay $0x1  }
0xa8: {  	v4 =	vmul.f32 $8.000000000e+00, v4  }
0xa9: {  	s12 =	sadd.s32 $0x40, s12  }
0xaa: {  	[tilespmem:s12+$0xFFFFFFE0] =	vst v4  }
0xab: {  	v4 =	vld [tilespmem:s20+$0x10410];
	_ =	sdelay $0x1  }
0xac: {  	v5 =	vld [tilespmem:s15+$0x105D0];
	_ =	sdelay $0x2  }
0xad: {  	v4 =	vadd.f32 v4, v1;
	_ =	sdelay $0x1  }
0xae: {  	v4 =	vadd.f32 v5, v4;
	_ =	sdelay $0x1  }
0xaf: {  	v4 =	vmul.f32 $8.000000000e+00, v4;
	_ =	sdelay $0x1  }
0xb0: {  	[tilespmem:s12+$0xFFFFFFF0] =	vst v4  }
0xb1: {  	v4 =	vld [tilespmem:s20+$0x10420];
	_ =	sdelay $0x1  }
0xb2: {  	v5 =	vld [tilespmem:s15+$0x105E0];
	_ =	sdelay $0x2  }
0xb3: {  	v4 =	vadd.f32 v4, v2;
	_ =	sdelay $0x1  }
0xb4: {  	v4 =	vadd.f32 v5, v4;
	_ =	sdelay $0x1  }
0xb5: {  	v4 =	vmul.f32 $8.000000000e+00, v4;
	_ =	sdelay $0x1  }
0xb6: {  	[tilespmem:s12+$0x0] =	vst v4  }
0xb7: {  	v4 =	vld [tilespmem:s20+$0x10430]  }
0xb8: {  	v5 =	vld [tilespmem:s15+$0x105F0];
	_ =	sdelay $0x3  }
0xb9: {  	v4 =	vadd.f32 v4, v3;
	_ =	sdelay $0x1  }
.Ltmp1:
0xba: {  	v4 =	vadd.f32 v5, v4;
	(pc) =	sbr.rel @p0 .LBB2_4-.Ltmp1, $4  }
0xbb: {  	_ = 	snop  }
0xbc: {  	v4 =	vmul.f32 $8.000000000e+00, v4  }
0xbd: {  	s24 =	sadd.s32 $0x8, s24  }
0xbe: {  	s25 =	sadd.s32 $0x40, s25;
	s20 =	sand.u32 $0x1C0, s24;
	[tilespmem:s12+$0x10] =	vst v4  }
0xbf: {  	v4 =	vld [tilespmem:s20+$0x10400]  }
0xc0: {  	s15 =	sand.u32 $0x1C0, s23  }
0xc1: {  	v5 =	vld [tilespmem:s15+$0x105C0];
	_ =	sdelay $0x2  }
0xc2: {  	v0 =	vadd.f32 v4, v0;
	_ =	sdelay $0x1  }
0xc3: {  	v0 =	vadd.f32 v5, v0;
	_ =	sdelay $0x1  }
0xc4: {  	v0 =	vmul.f32 $8.000000000e+00, v0  }
0xc5: {  	s12 =	sadd.s32 $0x40, s12  }
0xc6: {  	[tilespmem:s12+$0xFFFFFFE0] =	vst v0  }
0xc7: {  	v0 =	vld [tilespmem:s20+$0x10410];
	_ =	sdelay $0x1  }
0xc8: {  	v4 =	vld [tilespmem:s15+$0x105D0];
	_ =	sdelay $0x2  }
0xc9: {  	v0 =	vadd.f32 v0, v1;
	_ =	sdelay $0x1  }
0xca: {  	v0 =	vadd.f32 v4, v0;
	_ =	sdelay $0x1  }
0xcb: {  	v0 =	vmul.f32 $8.000000000e+00, v0;
	_ =	sdelay $0x1  }
0xcc: {  	[tilespmem:s12+$0xFFFFFFF0] =	vst v0  }
0xcd: {  	v0 =	vld [tilespmem:s20+$0x10420];
	_ =	sdelay $0x1  }
0xce: {  	v1 =	vld [tilespmem:s15+$0x105E0];
	_ =	sdelay $0x2  }
0xcf: {  	v0 =	vadd.f32 v0, v2;
	_ =	sdelay $0x1  }
0xd0: {  	v0 =	vadd.f32 v1, v0;
	_ =	sdelay $0x1  }
0xd1: {  	v0 =	vmul.f32 $8.000000000e+00, v0;
	_ =	sdelay $0x1  }
0xd2: {  	[tilespmem:s12+$0x0] =	vst v0  }
0xd3: {  	v0 =	vld [tilespmem:s20+$0x10430];
	_ =	sdelay $0x1  }
0xd4: {  	v1 =	vld [tilespmem:s15+$0x105F0];
	_ =	sdelay $0x2  }
0xd5: {  	v0 =	vadd.f32 v0, v3;
	_ =	sdelay $0x1  }
0xd6: {  	v0 =	vadd.f32 v1, v0;
	_ =	sdelay $0x1  }
0xd7: {  	v0 =	vmul.f32 $8.000000000e+00, v0;
	_ =	sdelay $0x1  }
0xd8: {  	s11 =	rddreg [dreg:$0x7];
	[tilespmem:s12+$0x10] =	vst v0  }
0xd9: {  	[spmem:s11] =	stream.linear.scatter [tilespmem:s29], [sflag:$0x7], $0xE00, $0x38;
	[tilespmem:$0x18DC0] =	vst v63  }
0xda: {  	_ =	swait.ge [sflag:s28], $0xE00  }
0xdb: {  	[sflag:s28] =	ssyncset.done $0x0  }
0xdc: {  	[sflag:s28] =	ssyncadd.s32 $0xFFFFF200  }
0xdd: {  	v0 =	vld [tilespmem:s13+$0xFD00]  }
0xde: {  	s23 =	simm.s32 $0x0;
	v1 =	vld [tilespmem:s14+$0x10300]  }
0xdf: {  	s24 =	sand.u32 $0x1C0, s23  }
0xe0: {  	v2 =	vld [tilespmem:s24+$0x10400]  }
0xe1: {  	s25 =	sand.u32 $0x1C0, s23  }
0xe2: {  	v3 =	vld [tilespmem:s25+$0x105C0]  }
0xe3: {  	v0 =	vadd.f32 v1, v0;
	_ =	sdelay $0x1  }
0xe4: {  	v2 =	vadd.f32 v2, v0  }
0xe5: {  	v4 =	vld [tilespmem:s14+$0x10310]  }
0xe6: {  	v5 =	vld [tilespmem:s13+$0xFD20];
	v2 =	vadd.f32 v3, v2  }
0xe7: {  	v6 =	vld [tilespmem:s13+$0xFD30]  }
0xe8: {  	v7 =	vld [tilespmem:s14+$0x10330];
	v2 =	vmul.f32 $8.000000000e+00, v2  }
0xe9: {  	s12 =	simm.s32 $0xBD20;
	v1 =	vld [tilespmem:s13+$0xFD10]  }
0xea: {  	v3 =	vld [tilespmem:s14+$0x10320];
	[tilespmem:s12+$0xFFFFFFE0] =	vst v2  }
0xeb: {  	v2 =	vld [tilespmem:s24+$0x10410];
	_ =	sdelay $0x1  }
0xec: {  	v8 =	vld [tilespmem:s25+$0x105D0]  }
0xed: {  	v1 =	vadd.f32 v4, v1;
	_ =	sdelay $0x1  }
0xee: {  	v2 =	vadd.f32 v2, v1;
	_ =	sdelay $0x1  }
0xef: {  	v2 =	vadd.f32 v8, v2;
	_ =	sdelay $0x1  }
0xf0: {  	v2 =	vmul.f32 $8.000000000e+00, v2;
	_ =	sdelay $0x1  }
0xf1: {  	[tilespmem:s12+$0xFFFFFFF0] =	vst v2  }
0xf2: {  	v4 =	vld [tilespmem:s24+$0x10420];
	_ =	sdelay $0x1  }
0xf3: {  	v63 =	vld [tilespmem:s25+$0x105E0]  }
0xf4: {  	v2 =	vadd.f32 v3, v5;
	_ =	sdelay $0x1  }
0xf5: {  	v3 =	vadd.f32 v4, v2;
	_ =	sdelay $0x1  }
0xf6: {  	v3 =	vadd.f32 v63, v3;
	_ =	sdelay $0x1  }
0xf7: {  	v3 =	vmul.f32 $8.000000000e+00, v3;
	_ =	sdelay $0x1  }
0xf8: {  	[tilespmem:s12+$0x0] =	vst v3  }
0xf9: {  	v4 =	vld [tilespmem:s24+$0x10430];
	_ =	sdelay $0x1  }
0xfa: {  	v5 =	vld [tilespmem:s25+$0x105F0]  }
0xfb: {  	v3 =	vadd.f32 v7, v6;
	_ =	sdelay $0x1  }
0xfc: {  	v4 =	vadd.f32 v4, v3;
	_ =	sdelay $0x1  }
0xfd: {  	v4 =	vadd.f32 v5, v4;
	_ =	sdelay $0x1  }
0xfe: {  	v4 =	vmul.f32 $8.000000000e+00, v4  }
0xff: {  	s24 =	simm.s32 $0x8  }
0x100: {  	s23 =	simm.s32 $0x40;
	s25 =	simm.s32 $0x80;
	s20 =	sand.u32 $0x1C0, s24;
	[tilespmem:s12+$0x10] =	vst v4  }
.LBB2_6:
0x101: {  	p0 =	sne.s32 s25, $0xDC0;
	v4 =	vld [tilespmem:s20+$0x10400];
	s15 =	sand.u32 $0x1C0, s23;
	s23 =	smov.u32 s25  }
0x102: {  	v5 =	vld [tilespmem:s15+$0x105C0];
	_ =	sdelay $0x3  }
0x103: {  	v4 =	vadd.f32 v4, v0;
	_ =	sdelay $0x1  }
0x104: {  	v4 =	vadd.f32 v5, v4;
	_ =	sdelay $0x1  }
0x105: {  	v4 =	vmul.f32 $8.000000000e+00, v4  }
0x106: {  	s12 =	sadd.s32 $0x40, s12  }
0x107: {  	[tilespmem:s12+$0xFFFFFFE0] =	vst v4  }
0x108: {  	v4 =	vld [tilespmem:s20+$0x10410];
	_ =	sdelay $0x1  }
0x109: {  	v5 =	vld [tilespmem:s15+$0x105D0];
	_ =	sdelay $0x2  }
0x10a: {  	v4 =	vadd.f32 v4, v1;
	_ =	sdelay $0x1  }
0x10b: {  	v4 =	vadd.f32 v5, v4;
	_ =	sdelay $0x1  }
0x10c: {  	v4 =	vmul.f32 $8.000000000e+00, v4;
	_ =	sdelay $0x1  }
0x10d: {  	[tilespmem:s12+$0xFFFFFFF0] =	vst v4  }
0x10e: {  	v4 =	vld [tilespmem:s20+$0x10420];
	_ =	sdelay $0x1  }
0x10f: {  	v5 =	vld [tilespmem:s15+$0x105E0];
	_ =	sdelay $0x2  }
0x110: {  	v4 =	vadd.f32 v4, v2;
	_ =	sdelay $0x1  }
0x111: {  	v4 =	vadd.f32 v5, v4;
	_ =	sdelay $0x1  }
0x112: {  	v4 =	vmul.f32 $8.000000000e+00, v4;
	_ =	sdelay $0x1  }
0x113: {  	[tilespmem:s12+$0x0] =	vst v4  }
0x114: {  	v4 =	vld [tilespmem:s20+$0x10430]  }
0x115: {  	v5 =	vld [tilespmem:s15+$0x105F0];
	_ =	sdelay $0x3  }
0x116: {  	v4 =	vadd.f32 v4, v3;
	_ =	sdelay $0x1  }
.Ltmp2:
0x117: {  	v4 =	vadd.f32 v5, v4;
	(pc) =	sbr.rel @p0 .LBB2_6-.Ltmp2, $4  }
0x118: {  	_ = 	snop  }
0x119: {  	v4 =	vmul.f32 $8.000000000e+00, v4  }
0x11a: {  	s24 =	sadd.s32 $0x8, s24  }
0x11b: {  	s25 =	sadd.s32 $0x40, s25;
	s20 =	sand.u32 $0x1C0, s24;
	[tilespmem:s12+$0x10] =	vst v4  }
0x11c: {  	v4 =	vld [tilespmem:s20+$0x10400]  }
0x11d: {  	s15 =	sand.u32 $0x1C0, s23  }
0x11e: {  	v5 =	vld [tilespmem:s15+$0x105C0];
	_ =	sdelay $0x2  }
0x11f: {  	v0 =	vadd.f32 v4, v0;
	_ =	sdelay $0x1  }
0x120: {  	v0 =	vadd.f32 v5, v0;
	_ =	sdelay $0x1  }
0x121: {  	v0 =	vmul.f32 $8.000000000e+00, v0  }
0x122: {  	s12 =	sadd.s32 $0x40, s12  }
0x123: {  	[tilespmem:s12+$0xFFFFFFE0] =	vst v0  }
0x124: {  	v0 =	vld [tilespmem:s20+$0x10410];
	_ =	sdelay $0x1  }
0x125: {  	v4 =	vld [tilespmem:s15+$0x105D0];
	_ =	sdelay $0x2  }
0x126: {  	v0 =	vadd.f32 v0, v1;
	_ =	sdelay $0x1  }
0x127: {  	v0 =	vadd.f32 v4, v0;
	_ =	sdelay $0x1  }
0x128: {  	v0 =	vmul.f32 $8.000000000e+00, v0;
	_ =	sdelay $0x1  }
0x129: {  	[tilespmem:s12+$0xFFFFFFF0] =	vst v0  }
0x12a: {  	v0 =	vld [tilespmem:s20+$0x10420];
	_ =	sdelay $0x1  }
0x12b: {  	v1 =	vld [tilespmem:s15+$0x105E0];
	_ =	sdelay $0x2  }
0x12c: {  	v0 =	vadd.f32 v0, v2;
	_ =	sdelay $0x1  }
0x12d: {  	v0 =	vadd.f32 v1, v0;
	_ =	sdelay $0x1  }
0x12e: {  	v0 =	vmul.f32 $8.000000000e+00, v0;
	_ =	sdelay $0x1  }
0x12f: {  	[tilespmem:s12+$0x0] =	vst v0  }
0x130: {  	v0 =	vld [tilespmem:s20+$0x10430];
	_ =	sdelay $0x1  }
0x131: {  	v1 =	vld [tilespmem:s15+$0x105F0];
	_ =	sdelay $0x2  }
0x132: {  	v0 =	vadd.f32 v0, v3;
	_ =	sdelay $0x1  }
0x133: {  	v0 =	vadd.f32 v1, v0;
	_ =	sdelay $0x1  }
0x134: {  	v0 =	vmul.f32 $8.000000000e+00, v0;
	_ =	sdelay $0x1  }
0x135: {  	s11 =	rddreg [dreg:$0x8];
	[tilespmem:s12+$0x10] =	vst v0  }
0x136: {  	[spmem:s11] =	stream.linear.scatter [tilespmem:s29], [sflag:$0x7], $0xE00, $0x38;
	[tilespmem:$0x18DC0] =	vst v63  }
0x137: {  	_ =	swait.ge [sflag:s28], $0xE00  }
0x138: {  	[sflag:s28] =	ssyncset.done $0x0  }
0x139: {  	[sflag:s28] =	ssyncadd.s32 $0xFFFFF200  }
0x13a: {  	v0 =	vld [tilespmem:s16+$0xFD00]  }
0x13b: {  	s23 =	simm.s32 $0x0;
	v1 =	vld [tilespmem:s17+$0x10300]  }
0x13c: {  	s24 =	sand.u32 $0x1C0, s23  }
0x13d: {  	v2 =	vld [tilespmem:s24+$0x10400]  }
0x13e: {  	s25 =	sand.u32 $0x1C0, s23  }
0x13f: {  	v3 =	vld [tilespmem:s25+$0x105C0]  }
0x140: {  	v0 =	vadd.f32 v1, v0;
	_ =	sdelay $0x1  }
0x141: {  	v2 =	vadd.f32 v2, v0  }
0x142: {  	v4 =	vld [tilespmem:s17+$0x10310]  }
0x143: {  	v5 =	vld [tilespmem:s16+$0xFD20];
	v2 =	vadd.f32 v3, v2  }
0x144: {  	v6 =	vld [tilespmem:s16+$0xFD30]  }
0x145: {  	v7 =	vld [tilespmem:s17+$0x10330];
	v2 =	vmul.f32 $8.000000000e+00, v2  }
0x146: {  	s12 =	simm.s32 $0xBD20;
	v1 =	vld [tilespmem:s16+$0xFD10]  }
0x147: {  	v3 =	vld [tilespmem:s17+$0x10320];
	[tilespmem:s12+$0xFFFFFFE0] =	vst v2  }
0x148: {  	v2 =	vld [tilespmem:s24+$0x10410];
	_ =	sdelay $0x1  }
0x149: {  	v8 =	vld [tilespmem:s25+$0x105D0]  }
0x14a: {  	v1 =	vadd.f32 v4, v1;
	_ =	sdelay $0x1  }
0x14b: {  	v2 =	vadd.f32 v2, v1;
	_ =	sdelay $0x1  }
0x14c: {  	v2 =	vadd.f32 v8, v2;
	_ =	sdelay $0x1  }
0x14d: {  	v2 =	vmul.f32 $8.000000000e+00, v2;
	_ =	sdelay $0x1  }
0x14e: {  	[tilespmem:s12+$0xFFFFFFF0] =	vst v2  }
0x14f: {  	v4 =	vld [tilespmem:s24+$0x10420];
	_ =	sdelay $0x1  }
0x150: {  	v63 =	vld [tilespmem:s25+$0x105E0]  }
0x151: {  	v2 =	vadd.f32 v3, v5;
	_ =	sdelay $0x1  }
0x152: {  	v3 =	vadd.f32 v4, v2;
	_ =	sdelay $0x1  }
0x153: {  	v3 =	vadd.f32 v63, v3;
	_ =	sdelay $0x1  }
0x154: {  	v3 =	vmul.f32 $8.000000000e+00, v3;
	_ =	sdelay $0x1  }
0x155: {  	[tilespmem:s12+$0x0] =	vst v3  }
0x156: {  	v4 =	vld [tilespmem:s24+$0x10430];
	_ =	sdelay $0x1  }
0x157: {  	v5 =	vld [tilespmem:s25+$0x105F0]  }
0x158: {  	v3 =	vadd.f32 v7, v6;
	_ =	sdelay $0x1  }
0x159: {  	v4 =	vadd.f32 v4, v3;
	_ =	sdelay $0x1  }
0x15a: {  	v4 =	vadd.f32 v5, v4;
	_ =	sdelay $0x1  }
0x15b: {  	v4 =	vmul.f32 $8.000000000e+00, v4  }
0x15c: {  	s24 =	simm.s32 $0x8  }
0x15d: {  	s23 =	simm.s32 $0x40;
	s25 =	simm.s32 $0x80;
	s20 =	sand.u32 $0x1C0, s24;
	[tilespmem:s12+$0x10] =	vst v4  }
.LBB2_8:
0x15e: {  	p0 =	sne.s32 s25, $0xDC0;
	v4 =	vld [tilespmem:s20+$0x10400];
	s15 =	sand.u32 $0x1C0, s23;
	s23 =	smov.u32 s25  }
0x15f: {  	v5 =	vld [tilespmem:s15+$0x105C0];
	_ =	sdelay $0x3  }
0x160: {  	v4 =	vadd.f32 v4, v0;
	_ =	sdelay $0x1  }
0x161: {  	v4 =	vadd.f32 v5, v4;
	_ =	sdelay $0x1  }
0x162: {  	v4 =	vmul.f32 $8.000000000e+00, v4  }
0x163: {  	s12 =	sadd.s32 $0x40, s12  }
0x164: {  	[tilespmem:s12+$0xFFFFFFE0] =	vst v4  }
0x165: {  	v4 =	vld [tilespmem:s20+$0x10410];
	_ =	sdelay $0x1  }
0x166: {  	v5 =	vld [tilespmem:s15+$0x105D0];
	_ =	sdelay $0x2  }
0x167: {  	v4 =	vadd.f32 v4, v1;
	_ =	sdelay $0x1  }
0x168: {  	v4 =	vadd.f32 v5, v4;
	_ =	sdelay $0x1  }
0x169: {  	v4 =	vmul.f32 $8.000000000e+00, v4;
	_ =	sdelay $0x1  }
0x16a: {  	[tilespmem:s12+$0xFFFFFFF0] =	vst v4  }
0x16b: {  	v4 =	vld [tilespmem:s20+$0x10420];
	_ =	sdelay $0x1  }
0x16c: {  	v5 =	vld [tilespmem:s15+$0x105E0];
	_ =	sdelay $0x2  }
0x16d: {  	v4 =	vadd.f32 v4, v2;
	_ =	sdelay $0x1  }
0x16e: {  	v4 =	vadd.f32 v5, v4;
	_ =	sdelay $0x1  }
0x16f: {  	v4 =	vmul.f32 $8.000000000e+00, v4;
	_ =	sdelay $0x1  }
0x170: {  	[tilespmem:s12+$0x0] =	vst v4  }
0x171: {  	v4 =	vld [tilespmem:s20+$0x10430]  }
0x172: {  	v5 =	vld [tilespmem:s15+$0x105F0];
	_ =	sdelay $0x3  }
0x173: {  	v4 =	vadd.f32 v4, v3;
	_ =	sdelay $0x1  }
.Ltmp3:
0x174: {  	v4 =	vadd.f32 v5, v4;
	(pc) =	sbr.rel @p0 .LBB2_8-.Ltmp3, $4  }
0x175: {  	_ = 	snop  }
0x176: {  	v4 =	vmul.f32 $8.000000000e+00, v4  }
0x177: {  	s24 =	sadd.s32 $0x8, s24  }
0x178: {  	s25 =	sadd.s32 $0x40, s25;
	s20 =	sand.u32 $0x1C0, s24;
	[tilespmem:s12+$0x10] =	vst v4  }
0x179: {  	v4 =	vld [tilespmem:s20+$0x10400]  }
0x17a: {  	s15 =	sand.u32 $0x1C0, s23  }
0x17b: {  	v5 =	vld [tilespmem:s15+$0x105C0];
	_ =	sdelay $0x2  }
0x17c: {  	v0 =	vadd.f32 v4, v0;
	_ =	sdelay $0x1  }
0x17d: {  	v0 =	vadd.f32 v5, v0;
	_ =	sdelay $0x1  }
0x17e: {  	v0 =	vmul.f32 $8.000000000e+00, v0  }
0x17f: {  	s12 =	sadd.s32 $0x40, s12  }
0x180: {  	[tilespmem:s12+$0xFFFFFFE0] =	vst v0  }
0x181: {  	v0 =	vld [tilespmem:s20+$0x10410];
	_ =	sdelay $0x1  }
0x182: {  	v4 =	vld [tilespmem:s15+$0x105D0];
	_ =	sdelay $0x2  }
0x183: {  	v0 =	vadd.f32 v0, v1;
	_ =	sdelay $0x1  }
0x184: {  	v0 =	vadd.f32 v4, v0;
	_ =	sdelay $0x1  }
0x185: {  	v0 =	vmul.f32 $8.000000000e+00, v0;
	_ =	sdelay $0x1  }
0x186: {  	[tilespmem:s12+$0xFFFFFFF0] =	vst v0  }
0x187: {  	v0 =	vld [tilespmem:s20+$0x10420];
	_ =	sdelay $0x1  }
0x188: {  	v1 =	vld [tilespmem:s15+$0x105E0];
	_ =	sdelay $0x2  }
0x189: {  	v0 =	vadd.f32 v0, v2;
	_ =	sdelay $0x1  }
0x18a: {  	v0 =	vadd.f32 v1, v0;
	_ =	sdelay $0x1  }
0x18b: {  	v0 =	vmul.f32 $8.000000000e+00, v0;
	_ =	sdelay $0x1  }
0x18c: {  	[tilespmem:s12+$0x0] =	vst v0  }
0x18d: {  	v0 =	vld [tilespmem:s20+$0x10430];
	_ =	sdelay $0x1  }
0x18e: {  	v1 =	vld [tilespmem:s15+$0x105F0];
	_ =	sdelay $0x2  }
0x18f: {  	v0 =	vadd.f32 v0, v3;
	_ =	sdelay $0x1  }
0x190: {  	v0 =	vadd.f32 v1, v0;
	_ =	sdelay $0x1  }
0x191: {  	v0 =	vmul.f32 $8.000000000e+00, v0;
	_ =	sdelay $0x1  }
0x192: {  	s11 =	rddreg [dreg:$0x9];
	[tilespmem:s12+$0x10] =	vst v0  }
0x193: {  	[spmem:s11] =	stream.linear.scatter [tilespmem:s29], [sflag:$0x7], $0xE00, $0x38;
	[tilespmem:$0x18DC0] =	vst v63  }
0x194: {  	_ =	swait.ge [sflag:s28], $0xE00  }
0x195: {  	[sflag:s28] =	ssyncset.done $0x0  }
0x196: {  	[sflag:s28] =	ssyncadd.s32 $0xFFFFF200  }
0x197: {  	v0 =	vld [tilespmem:s19+$0xFD00]  }
0x198: {  	s23 =	simm.s32 $0x0;
	v1 =	vld [tilespmem:s9+$0x10300]  }
0x199: {  	s24 =	sand.u32 $0x1C0, s23  }
0x19a: {  	v2 =	vld [tilespmem:s24+$0x10400]  }
0x19b: {  	s25 =	sand.u32 $0x1C0, s23  }
0x19c: {  	v3 =	vld [tilespmem:s25+$0x105C0]  }
0x19d: {  	v0 =	vadd.f32 v1, v0;
	_ =	sdelay $0x1  }
0x19e: {  	v2 =	vadd.f32 v2, v0  }
0x19f: {  	v4 =	vld [tilespmem:s9+$0x10310]  }
0x1a0: {  	v5 =	vld [tilespmem:s19+$0xFD20];
	v2 =	vadd.f32 v3, v2  }
0x1a1: {  	v6 =	vld [tilespmem:s19+$0xFD30]  }
0x1a2: {  	v7 =	vld [tilespmem:s9+$0x10330];
	v2 =	vmul.f32 $8.000000000e+00, v2  }
0x1a3: {  	s12 =	simm.s32 $0xBD20;
	v1 =	vld [tilespmem:s19+$0xFD10]  }
0x1a4: {  	v3 =	vld [tilespmem:s9+$0x10320];
	[tilespmem:s12+$0xFFFFFFE0] =	vst v2  }
0x1a5: {  	v2 =	vld [tilespmem:s24+$0x10410];
	_ =	sdelay $0x1  }
0x1a6: {  	v8 =	vld [tilespmem:s25+$0x105D0]  }
0x1a7: {  	v1 =	vadd.f32 v4, v1;
	_ =	sdelay $0x1  }
0x1a8: {  	v2 =	vadd.f32 v2, v1;
	_ =	sdelay $0x1  }
0x1a9: {  	v2 =	vadd.f32 v8, v2;
	_ =	sdelay $0x1  }
0x1aa: {  	v2 =	vmul.f32 $8.000000000e+00, v2;
	_ =	sdelay $0x1  }
0x1ab: {  	[tilespmem:s12+$0xFFFFFFF0] =	vst v2  }
0x1ac: {  	v4 =	vld [tilespmem:s24+$0x10420];
	_ =	sdelay $0x1  }
0x1ad: {  	v63 =	vld [tilespmem:s25+$0x105E0]  }
0x1ae: {  	v2 =	vadd.f32 v3, v5;
	_ =	sdelay $0x1  }
0x1af: {  	v3 =	vadd.f32 v4, v2;
	_ =	sdelay $0x1  }
0x1b0: {  	v3 =	vadd.f32 v63, v3;
	_ =	sdelay $0x1  }
0x1b1: {  	v3 =	vmul.f32 $8.000000000e+00, v3;
	_ =	sdelay $0x1  }
0x1b2: {  	[tilespmem:s12+$0x0] =	vst v3  }
0x1b3: {  	v4 =	vld [tilespmem:s24+$0x10430];
	_ =	sdelay $0x1  }
0x1b4: {  	v5 =	vld [tilespmem:s25+$0x105F0]  }
0x1b5: {  	v3 =	vadd.f32 v7, v6;
	_ =	sdelay $0x1  }
0x1b6: {  	v4 =	vadd.f32 v4, v3;
	_ =	sdelay $0x1  }
0x1b7: {  	v4 =	vadd.f32 v5, v4;
	_ =	sdelay $0x1  }
0x1b8: {  	v4 =	vmul.f32 $8.000000000e+00, v4  }
0x1b9: {  	s24 =	simm.s32 $0x8  }
0x1ba: {  	s23 =	simm.s32 $0x40;
	s25 =	simm.s32 $0x80;
	s20 =	sand.u32 $0x1C0, s24;
	[tilespmem:s12+$0x10] =	vst v4  }
.LBB2_10:
0x1bb: {  	p0 =	sne.s32 s25, $0xDC0;
	v4 =	vld [tilespmem:s20+$0x10400];
	s15 =	sand.u32 $0x1C0, s23;
	s23 =	smov.u32 s25  }
0x1bc: {  	v5 =	vld [tilespmem:s15+$0x105C0];
	_ =	sdelay $0x3  }
0x1bd: {  	v4 =	vadd.f32 v4, v0;
	_ =	sdelay $0x1  }
0x1be: {  	v4 =	vadd.f32 v5, v4;
	_ =	sdelay $0x1  }
0x1bf: {  	v4 =	vmul.f32 $8.000000000e+00, v4  }
0x1c0: {  	s12 =	sadd.s32 $0x40, s12  }
0x1c1: {  	[tilespmem:s12+$0xFFFFFFE0] =	vst v4  }
0x1c2: {  	v4 =	vld [tilespmem:s20+$0x10410];
	_ =	sdelay $0x1  }
0x1c3: {  	v5 =	vld [tilespmem:s15+$0x105D0];
	_ =	sdelay $0x2  }
0x1c4: {  	v4 =	vadd.f32 v4, v1;
	_ =	sdelay $0x1  }
0x1c5: {  	v4 =	vadd.f32 v5, v4;
	_ =	sdelay $0x1  }
0x1c6: {  	v4 =	vmul.f32 $8.000000000e+00, v4;
	_ =	sdelay $0x1  }
0x1c7: {  	[tilespmem:s12+$0xFFFFFFF0] =	vst v4  }
0x1c8: {  	v4 =	vld [tilespmem:s20+$0x10420];
	_ =	sdelay $0x1  }
0x1c9: {  	v5 =	vld [tilespmem:s15+$0x105E0];
	_ =	sdelay $0x2  }
0x1ca: {  	v4 =	vadd.f32 v4, v2;
	_ =	sdelay $0x1  }
0x1cb: {  	v4 =	vadd.f32 v5, v4;
	_ =	sdelay $0x1  }
0x1cc: {  	v4 =	vmul.f32 $8.000000000e+00, v4;
	_ =	sdelay $0x1  }
0x1cd: {  	[tilespmem:s12+$0x0] =	vst v4  }
0x1ce: {  	v4 =	vld [tilespmem:s20+$0x10430]  }
0x1cf: {  	v5 =	vld [tilespmem:s15+$0x105F0];
	_ =	sdelay $0x3  }
0x1d0: {  	v4 =	vadd.f32 v4, v3;
	_ =	sdelay $0x1  }
.Ltmp4:
0x1d1: {  	v4 =	vadd.f32 v5, v4;
	(pc) =	sbr.rel @p0 .LBB2_10-.Ltmp4, $4  }
0x1d2: {  	_ = 	snop  }
0x1d3: {  	v4 =	vmul.f32 $8.000000000e+00, v4  }
0x1d4: {  	s24 =	sadd.s32 $0x8, s24  }
0x1d5: {  	s25 =	sadd.s32 $0x40, s25;
	s20 =	sand.u32 $0x1C0, s24;
	[tilespmem:s12+$0x10] =	vst v4  }
0x1d6: {  	v4 =	vld [tilespmem:s20+$0x10400]  }
0x1d7: {  	s15 =	sand.u32 $0x1C0, s23  }
0x1d8: {  	v5 =	vld [tilespmem:s15+$0x105C0];
	_ =	sdelay $0x2  }
0x1d9: {  	v0 =	vadd.f32 v4, v0;
	_ =	sdelay $0x1  }
0x1da: {  	v0 =	vadd.f32 v5, v0;
	_ =	sdelay $0x1  }
0x1db: {  	v0 =	vmul.f32 $8.000000000e+00, v0  }
0x1dc: {  	s12 =	sadd.s32 $0x40, s12  }
0x1dd: {  	[tilespmem:s12+$0xFFFFFFE0] =	vst v0  }
0x1de: {  	v0 =	vld [tilespmem:s20+$0x10410];
	_ =	sdelay $0x1  }
0x1df: {  	v4 =	vld [tilespmem:s15+$0x105D0];
	_ =	sdelay $0x2  }
0x1e0: {  	v0 =	vadd.f32 v0, v1;
	_ =	sdelay $0x1  }
0x1e1: {  	v0 =	vadd.f32 v4, v0;
	_ =	sdelay $0x1  }
0x1e2: {  	v0 =	vmul.f32 $8.000000000e+00, v0;
	_ =	sdelay $0x1  }
0x1e3: {  	[tilespmem:s12+$0xFFFFFFF0] =	vst v0  }
0x1e4: {  	v0 =	vld [tilespmem:s20+$0x10420];
	_ =	sdelay $0x1  }
0x1e5: {  	v1 =	vld [tilespmem:s15+$0x105E0];
	_ =	sdelay $0x2  }
0x1e6: {  	v0 =	vadd.f32 v0, v2;
	_ =	sdelay $0x1  }
0x1e7: {  	v0 =	vadd.f32 v1, v0;
	_ =	sdelay $0x1  }
0x1e8: {  	v0 =	vmul.f32 $8.000000000e+00, v0;
	_ =	sdelay $0x1  }
0x1e9: {  	[tilespmem:s12+$0x0] =	vst v0  }
0x1ea: {  	v0 =	vld [tilespmem:s20+$0x10430];
	_ =	sdelay $0x1  }
0x1eb: {  	v1 =	vld [tilespmem:s15+$0x105F0];
	_ =	sdelay $0x2  }
0x1ec: {  	v0 =	vadd.f32 v0, v3;
	_ =	sdelay $0x1  }
0x1ed: {  	v0 =	vadd.f32 v1, v0;
	_ =	sdelay $0x1  }
0x1ee: {  	v0 =	vmul.f32 $8.000000000e+00, v0;
	_ =	sdelay $0x1  }
0x1ef: {  	s11 =	rddreg [dreg:$0xa];
	[tilespmem:s12+$0x10] =	vst v0  }
0x1f0: {  	[spmem:s11] =	stream.linear.scatter [tilespmem:s29], [sflag:$0x7], $0xE00, $0x38;
	[tilespmem:$0x18DC0] =	vst v63  }
0x1f1: {  	_ =	swait.ge [sflag:s28], $0xE00  }
0x1f2: {  	[sflag:s28] =	ssyncset.done $0x0  }
0x1f3: {  	[sflag:s28] =	ssyncadd.s32 $0xFFFFF200  }
0x1f4: {  	v0 =	vld [tilespmem:s21+$0xFD00]  }
0x1f5: {  	s23 =	simm.s32 $0x0;
	v1 =	vld [tilespmem:s22+$0x10300]  }
0x1f6: {  	s24 =	sand.u32 $0x1C0, s23  }
0x1f7: {  	v2 =	vld [tilespmem:s24+$0x10400]  }
0x1f8: {  	s25 =	sand.u32 $0x1C0, s23  }
0x1f9: {  	v3 =	vld [tilespmem:s25+$0x105C0]  }
0x1fa: {  	v0 =	vadd.f32 v1, v0;
	_ =	sdelay $0x1  }
0x1fb: {  	v2 =	vadd.f32 v2, v0  }
0x1fc: {  	v4 =	vld [tilespmem:s22+$0x10310]  }
0x1fd: {  	v5 =	vld [tilespmem:s21+$0xFD20];
	v2 =	vadd.f32 v3, v2  }
0x1fe: {  	v6 =	vld [tilespmem:s21+$0xFD30]  }
0x1ff: {  	v7 =	vld [tilespmem:s22+$0x10330];
	v2 =	vmul.f32 $8.000000000e+00, v2  }
0x200: {  	s12 =	simm.s32 $0xBD20;
	v1 =	vld [tilespmem:s21+$0xFD10]  }
0x201: {  	v3 =	vld [tilespmem:s22+$0x10320];
	[tilespmem:s12+$0xFFFFFFE0] =	vst v2  }
0x202: {  	v2 =	vld [tilespmem:s24+$0x10410];
	_ =	sdelay $0x1  }
0x203: {  	v8 =	vld [tilespmem:s25+$0x105D0]  }
0x204: {  	v1 =	vadd.f32 v4, v1;
	_ =	sdelay $0x1  }
0x205: {  	v2 =	vadd.f32 v2, v1;
	_ =	sdelay $0x1  }
0x206: {  	v2 =	vadd.f32 v8, v2;
	_ =	sdelay $0x1  }
0x207: {  	v2 =	vmul.f32 $8.000000000e+00, v2;
	_ =	sdelay $0x1  }
0x208: {  	[tilespmem:s12+$0xFFFFFFF0] =	vst v2  }
0x209: {  	v4 =	vld [tilespmem:s24+$0x10420];
	_ =	sdelay $0x1  }
0x20a: {  	v63 =	vld [tilespmem:s25+$0x105E0]  }
0x20b: {  	v2 =	vadd.f32 v3, v5;
	_ =	sdelay $0x1  }
0x20c: {  	v3 =	vadd.f32 v4, v2;
	_ =	sdelay $0x1  }
0x20d: {  	v3 =	vadd.f32 v63, v3;
	_ =	sdelay $0x1  }
0x20e: {  	v3 =	vmul.f32 $8.000000000e+00, v3;
	_ =	sdelay $0x1  }
0x20f: {  	[tilespmem:s12+$0x0] =	vst v3  }
0x210: {  	v4 =	vld [tilespmem:s24+$0x10430];
	_ =	sdelay $0x1  }
0x211: {  	v5 =	vld [tilespmem:s25+$0x105F0]  }
0x212: {  	v3 =	vadd.f32 v7, v6;
	_ =	sdelay $0x1  }
0x213: {  	v4 =	vadd.f32 v4, v3;
	_ =	sdelay $0x1  }
0x214: {  	v4 =	vadd.f32 v5, v4;
	_ =	sdelay $0x1  }
0x215: {  	v4 =	vmul.f32 $8.000000000e+00, v4  }
0x216: {  	s24 =	simm.s32 $0x8  }
0x217: {  	s23 =	simm.s32 $0x40;
	s25 =	simm.s32 $0x80;
	s20 =	sand.u32 $0x1C0, s24;
	[tilespmem:s12+$0x10] =	vst v4  }
.LBB2_12:
0x218: {  	p0 =	sne.s32 s25, $0xDC0;
	v4 =	vld [tilespmem:s20+$0x10400];
	s15 =	sand.u32 $0x1C0, s23;
	s23 =	smov.u32 s25  }
0x219: {  	v5 =	vld [tilespmem:s15+$0x105C0];
	_ =	sdelay $0x3  }
0x21a: {  	v4 =	vadd.f32 v4, v0;
	_ =	sdelay $0x1  }
0x21b: {  	v4 =	vadd.f32 v5, v4;
	_ =	sdelay $0x1  }
0x21c: {  	v4 =	vmul.f32 $8.000000000e+00, v4  }
0x21d: {  	s12 =	sadd.s32 $0x40, s12  }
0x21e: {  	[tilespmem:s12+$0xFFFFFFE0] =	vst v4  }
0x21f: {  	v4 =	vld [tilespmem:s20+$0x10410];
	_ =	sdelay $0x1  }
0x220: {  	v5 =	vld [tilespmem:s15+$0x105D0];
	_ =	sdelay $0x2  }
0x221: {  	v4 =	vadd.f32 v4, v1;
	_ =	sdelay $0x1  }
0x222: {  	v4 =	vadd.f32 v5, v4;
	_ =	sdelay $0x1  }
0x223: {  	v4 =	vmul.f32 $8.000000000e+00, v4;
	_ =	sdelay $0x1  }
0x224: {  	[tilespmem:s12+$0xFFFFFFF0] =	vst v4  }
0x225: {  	v4 =	vld [tilespmem:s20+$0x10420];
	_ =	sdelay $0x1  }
0x226: {  	v5 =	vld [tilespmem:s15+$0x105E0];
	_ =	sdelay $0x2  }
0x227: {  	v4 =	vadd.f32 v4, v2;
	_ =	sdelay $0x1  }
0x228: {  	v4 =	vadd.f32 v5, v4;
	_ =	sdelay $0x1  }
0x229: {  	v4 =	vmul.f32 $8.000000000e+00, v4;
	_ =	sdelay $0x1  }
0x22a: {  	[tilespmem:s12+$0x0] =	vst v4  }
0x22b: {  	v4 =	vld [tilespmem:s20+$0x10430]  }
0x22c: {  	v5 =	vld [tilespmem:s15+$0x105F0];
	_ =	sdelay $0x3  }
0x22d: {  	v4 =	vadd.f32 v4, v3;
	_ =	sdelay $0x1  }
.Ltmp5:
0x22e: {  	v4 =	vadd.f32 v5, v4;
	(pc) =	sbr.rel @p0 .LBB2_12-.Ltmp5, $4  }
0x22f: {  	_ = 	snop  }
0x230: {  	v4 =	vmul.f32 $8.000000000e+00, v4  }
0x231: {  	s24 =	sadd.s32 $0x8, s24  }
0x232: {  	s25 =	sadd.s32 $0x40, s25;
	s20 =	sand.u32 $0x1C0, s24;
	[tilespmem:s12+$0x10] =	vst v4  }
0x233: {  	v4 =	vld [tilespmem:s20+$0x10400]  }
0x234: {  	s15 =	sand.u32 $0x1C0, s23  }
0x235: {  	v5 =	vld [tilespmem:s15+$0x105C0];
	_ =	sdelay $0x2  }
0x236: {  	v0 =	vadd.f32 v4, v0;
	_ =	sdelay $0x1  }
0x237: {  	v0 =	vadd.f32 v5, v0;
	_ =	sdelay $0x1  }
0x238: {  	v0 =	vmul.f32 $8.000000000e+00, v0  }
0x239: {  	s12 =	sadd.s32 $0x40, s12  }
0x23a: {  	[tilespmem:s12+$0xFFFFFFE0] =	vst v0  }
0x23b: {  	v0 =	vld [tilespmem:s20+$0x10410];
	_ =	sdelay $0x1  }
0x23c: {  	v63 =	vld [tilespmem:s15+$0x105D0];
	_ =	sdelay $0x2  }
0x23d: {  	v0 =	vadd.f32 v0, v1;
	_ =	sdelay $0x1  }
0x23e: {  	v0 =	vadd.f32 v63, v0;
	_ =	sdelay $0x1  }
0x23f: {  	v0 =	vmul.f32 $8.000000000e+00, v0;
	_ =	sdelay $0x1  }
0x240: {  	[tilespmem:s12+$0xFFFFFFF0] =	vst v0  }
0x241: {  	v0 =	vld [tilespmem:s20+$0x10420];
	_ =	sdelay $0x1  }
0x242: {  	v1 =	vld [tilespmem:s15+$0x105E0];
	_ =	sdelay $0x2  }
0x243: {  	v0 =	vadd.f32 v0, v2;
	_ =	sdelay $0x1  }
0x244: {  	v0 =	vadd.f32 v1, v0;
	_ =	sdelay $0x1  }
0x245: {  	v0 =	vmul.f32 $8.000000000e+00, v0;
	_ =	sdelay $0x1  }
0x246: {  	[tilespmem:s12+$0x0] =	vst v0  }
0x247: {  	v0 =	vld [tilespmem:s20+$0x10430];
	_ =	sdelay $0x1  }
0x248: {  	v1 =	vld [tilespmem:s15+$0x105F0];
	_ =	sdelay $0x2  }
0x249: {  	v0 =	vadd.f32 v0, v3;
	_ =	sdelay $0x1  }
0x24a: {  	v0 =	vadd.f32 v1, v0;
	_ =	sdelay $0x1  }
0x24b: {  	v0 =	vmul.f32 $8.000000000e+00, v0;
	_ =	sdelay $0x1  }
0x24c: {  	s11 =	rddreg [dreg:$0xb];
	[tilespmem:s12+$0x10] =	vst v0  }
0x24d: {  	[spmem:s11] =	stream.linear.scatter [tilespmem:s29], [sflag:$0x7], $0xE00, $0x38;
	[tilespmem:$0x18DC0] =	vst v63  }
0x24e: {  	_ =	swait.ge [sflag:s28], $0xE00  }
0x24f: {  	s24 =	simm.s32 $0x1900;
	s25 =	simm.s32 $0x32000;
	[sflag:s28] =	ssyncset.done $0x0  }
0x250: {  	s20 =	simm.s32 $0x0;
	s23 =	rddreg [dreg:$0xc];
	[sflag:s28] =	ssyncadd.s32 $0xFFFFF200  }
0x251: {  	[tilespmem:s20], [sflag:$0x7] =	stream.strided.gather [hbm4b:s23+s24], $0x6400, s25, s24, $0x38;
	[tilespmem:$0x18DC0] =	vst v63  }
0x252: {  	_ =	swait.ge [sflag:s28], $0x6400  }
0x253: {  	[sflag:s28] =	ssyncset.done $0x0  }
0x254: {  	s12 =	simm.s32 $0x0;
	[sflag:s28] =	ssyncadd.s32 $0xFFFF9C00  }
0x255: {  	v0 =	vld [tilespmem:s12+$0x1900]  }
0x256: {  	v1 =	vld [tilespmem:s12+$0x3200];
	_ =	sdelay $0x1  }
0x257: {  	s15 =	simm.s32 $0x40;
	v2 =	vld [tilespmem:s12+$0x4B00]  }
.LBB2_14:
0x258: {  	p0 =	sne.s32 s15, $0x63C0  }
.Ltmp6:
0x259: {  	s20 =	sshra.s32 s15, $0x2;
	s15 =	sadd.s32 $0x40, s15;
	v3 =	vmul.u32 $0x38, v0;
	(pc) =	sbr.rel @p0 .LBB2_14-.Ltmp6, $4  }
0x25a: {  	v0 =	vld [tilespmem:s20+$0x1900];
	v4 =	vshll.u32 v1, $0x3  }
0x25b: {  	v1 =	vld [tilespmem:s20+$0x3200];
	v3 =	vadd.s32 v3, v4  }
0x25c: {  	v3 =	vadd.s32 v2, v3  }
0x25d: {  	v2 =	vld [tilespmem:s20+$0x4B00];
	[tilespmem:s12+$0x6400] =	vst v3;
	s12 =	smov.u32 s20  }
0x25e: {  	_ = 	snop  }
0x25f: {  	v0 =	vmul.u32 $0x38, v0  }
0x260: {  	v1 =	vshll.u32 v1, $0x3  }
0x261: {  	v0 =	vadd.s32 v0, v1  }
0x262: {  	v0 =	vadd.s32 v2, v0  }
0x263: {  	[tilespmem:s12+$0x6400] =	vst v0  }
0x264: {  	s20 =	simm.s32 $0x0;
	s11 =	simm.s32 $0x7D00;
	[bflag:$0x0] =	sbarrier.arrive $0xFFFF  }
0x265: {  	[tilespmem:s11], [sflag:$0x1] =	stream.indirect.gather [hbm4b:s7+s1], $0x40, s20, s1, $0xb8;
	[tilespmem:$0x18DC0] =	vst v63  }
0x266: {  	s25 =	simm.s32 $0x6400  }
0x267: {  	[tilespmem:s29], [sflag:$0x3] =	stream.indirect.gather [spmem:s3], $0x40, s25, s1, $0xb8;
	[tilespmem:$0x18DC0] =	vst v63  }
.LBB2_16:
0x268: {  	_ =	swait.ge [sflag:s30], $0x2000  }
0x269: {  	[sflag:s30] =	ssyncset.done $0x0  }
0x26a: {  	[sflag:s30] =	ssyncadd.s32 $0xFFFFE000  }
0x26b: {  	_ =	swait.ge [sflag:s31], $0x2000  }
0x26c: {  	p0 =	seq.s32 s20, $0x0;
	[sflag:s31] =	ssyncset.done $0x0  }
0x26d: {  	s12 =	simm.s32 @!p0 $0x6;
	[sflag:s31] =	ssyncadd.s32 $0xFFFFE000  }
0x26e: {  	s24 =	sshll.u32 s20, $0x8;
	_ =	swait.ge @!p0 [sflag:s12], $0x2000  }
0x26f: {  	s25 =	sadd.s32 s5, s24;
	[sflag:s12] =	ssyncset.done @!p0 $0x0  }
0x270: {  	s23 =	sor.u32 $0x80, s24;
	s15 =	sshrl.u32 s25, $0x4;
	[sflag:s12] =	ssyncadd.s32 @!p0 $0xFFFFE000  }
0x271: {  	[tilespmem:s0], [sflag:$0x2] =	stream.indirect.gather [hbm4b:s7+s1], $0x40, s23, s1, $0xb8;
	[tilespmem:$0x18DC0] =	vst v63  }
0x272: {  	s11 =	sadd.s32 $0x6400, s23;
	s12 =	sand.u32 $0x7FFFFC0, s15  }
0x273: {  	[tilespmem:s26], [sflag:$0x4] =	stream.indirect.gather [spmem:s3], $0x40, s11, s1, $0xb8;
	[tilespmem:$0x18DC0] =	vst v63  }
0x274: {  	v3 =	vld [tilespmem:s12+$0x107C0]  }
0x275: {  	v2 =	vld [tilespmem:s12+$0x107D0]  }
0x276: {  	v1 =	vld [tilespmem:s12+$0x107E0]  }
0x277: {  	v0 =	vld [tilespmem:s12+$0x107F0];
	s12 =	simm.s32 $0x0  }
0x278: {  	v10 =	vld [tilespmem:s12+$0x7D00]  }
0x279: {  	v15 =	vld [tilespmem:s12+$0x7D10]  }
0x27a: {  	v8 =	vld [tilespmem:s12+$0x7D20]  }
0x27b: {  	v9 =	vld [tilespmem:s12+$0x7D30]  }
0x27c: {  	v7 =	vld [tilespmem:s12+$0x7D40]  }
0x27d: {  	v6 =	vld [tilespmem:s12+$0x7D50]  }
0x27e: {  	v5 =	vld [tilespmem:s12+$0x7D60]  }
0x27f: {  	v4 =	vld [tilespmem:s12+$0x7D70]  }
0x280: {  	v14 =	vld [tilespmem:s12+$0xBD00]  }
0x281: {  	v13 =	vld [tilespmem:s12+$0xBD10]  }
0x282: {  	v12 =	vld [tilespmem:s12+$0xBD20]  }
0x283: {  	v11 =	vld [tilespmem:s12+$0xBD30];
	v16 =	vmul.f32 $8.000000000e+00, v10  }
0x284: {  	s15 =	simm.s32 $0x200;
	v15 =	vmul.f32 $8.000000000e+00, v15;
	v10 =	vld [tilespmem:s12+$0xBD40]  }
.LBB2_17:
0x285: {  	p0 =	sne.s32 s15, $0x7E00;
	v14 =	vadd.f32 v14, v16;
	v8 =	vmul.f32 $8.000000000e+00, v8;
	v16 =	vld [tilespmem:s12+$0xBD50]  }
0x286: {  	v9 =	vmul.f32 $8.000000000e+00, v9;
	v13 =	vadd.f32 v13, v15;
	v15 =	vld [tilespmem:s12+$0xBD60]  }
0x287: {  	s11 =	sshra.s32 s15, $0x2;
	v7 =	vmul.f32 $8.000000000e+00, v7;
	v14 =	vadd.f32 v14, v3;
	v8 =	vadd.f32 v12, v8;
	v12 =	vld [tilespmem:s12+$0xBD70]  }
0x288: {  	v6 =	vmul.f32 $8.000000000e+00, v6;
	v17 =	vld [tilespmem:s11+$0x7D00];
	v13 =	vadd.f32 v13, v2;
	v9 =	vadd.f32 v11, v9  }
0x289: {  	v5 =	vmul.f32 $8.000000000e+00, v5;
	v18 =	vld [tilespmem:s11+$0x7D10];
	[tilespmem:s12+$0xBD00] =	vst v14;
	v11 =	vadd.f32 v8, v1;
	v7 =	vadd.f32 v10, v7  }
0x28a: {  	v4 =	vmul.f32 $8.000000000e+00, v4;
	v8 =	vld [tilespmem:s11+$0x7D20];
	[tilespmem:s12+$0xBD10] =	vst v13;
	v10 =	vadd.f32 v9, v0;
	v6 =	vadd.f32 v16, v6  }
0x28b: {  	v9 =	vld [tilespmem:s11+$0x7D30];
	[tilespmem:s12+$0xBD20] =	vst v11;
	v11 =	vadd.f32 v7, v3;
	v5 =	vadd.f32 v15, v5  }
0x28c: {  	v7 =	vld [tilespmem:s11+$0x7D40];
	[tilespmem:s12+$0xBD30] =	vst v10;
	v10 =	vadd.f32 v6, v2;
	v4 =	vadd.f32 v12, v4  }
0x28d: {  	v6 =	vld [tilespmem:s11+$0x7D50];
	[tilespmem:s12+$0xBD40] =	vst v11;
	v11 =	vadd.f32 v5, v1  }
0x28e: {  	v5 =	vld [tilespmem:s11+$0x7D60];
	[tilespmem:s12+$0xBD50] =	vst v10;
	v10 =	vadd.f32 v4, v0  }
0x28f: {  	v4 =	vld [tilespmem:s11+$0x7D70];
	[tilespmem:s12+$0xBD60] =	vst v11  }
.Ltmp7:
0x290: {  	v14 =	vld [tilespmem:s11+$0xBD00];
	[tilespmem:s12+$0xBD70] =	vst v10;
	s12 =	smov.u32 s11;
	(pc) =	sbr.rel @p0 .LBB2_17-.Ltmp7, $4  }
0x291: {  	v13 =	vld [tilespmem:s12+$0xBD10]  }
0x292: {  	v12 =	vld [tilespmem:s12+$0xBD20]  }
0x293: {  	v16 =	vmul.f32 $8.000000000e+00, v17;
	v11 =	vld [tilespmem:s12+$0xBD30]  }
0x294: {  	s15 =	sadd.s32 $0x200, s15;
	v15 =	vmul.f32 $8.000000000e+00, v18;
	v10 =	vld [tilespmem:s12+$0xBD40]  }
0x295: {  	v14 =	vadd.f32 v14, v16;
	v8 =	vmul.f32 $8.000000000e+00, v8;
	v16 =	vld [tilespmem:s12+$0xBD50]  }
0x296: {  	v9 =	vmul.f32 $8.000000000e+00, v9;
	v13 =	vadd.f32 v13, v15;
	v15 =	vld [tilespmem:s12+$0xBD60]  }
0x297: {  	v7 =	vmul.f32 $8.000000000e+00, v7;
	v14 =	vadd.f32 v14, v3;
	v8 =	vadd.f32 v12, v8;
	v12 =	vld [tilespmem:s12+$0xBD70]  }
0x298: {  	v6 =	vmul.f32 $8.000000000e+00, v6;
	v13 =	vadd.f32 v13, v2;
	v9 =	vadd.f32 v11, v9  }
0x299: {  	v5 =	vmul.f32 $8.000000000e+00, v5;
	[tilespmem:s12+$0xBD00] =	vst v14;
	v8 =	vadd.f32 v8, v1;
	v7 =	vadd.f32 v10, v7  }
0x29a: {  	v4 =	vmul.f32 $8.000000000e+00, v4;
	[tilespmem:s12+$0xBD10] =	vst v13;
	v9 =	vadd.f32 v9, v0;
	v6 =	vadd.f32 v16, v6  }
0x29b: {  	[tilespmem:s12+$0xBD20] =	vst v8;
	v3 =	vadd.f32 v7, v3;
	v5 =	vadd.f32 v15, v5  }
0x29c: {  	[tilespmem:s12+$0xBD30] =	vst v9;
	v2 =	vadd.f32 v6, v2;
	v4 =	vadd.f32 v12, v4  }
0x29d: {  	[tilespmem:s12+$0xBD40] =	vst v3;
	v1 =	vadd.f32 v5, v1  }
0x29e: {  	[tilespmem:s12+$0xBD50] =	vst v2;
	v0 =	vadd.f32 v4, v0  }
0x29f: {  	s11 =	sshll.u32 s25, $0x3;
	[tilespmem:s12+$0xBD60] =	vst v1  }
0x2a0: {  	s11 =	sadd.s32 s2, s11;
	[tilespmem:s12+$0xBD70] =	vst v0  }
0x2a1: {  	[hbm4b:s11+s4] =	stream.linear.scatter [tilespmem:s29], [sflag:$0x5], $0x2000, $0x38;
	[tilespmem:$0x18DC0] =	vst v63  }
0x2a2: {  	_ =	swait.ge [sflag:s6], $0x2000  }
0x2a3: {  	[sflag:s6] =	ssyncset.done $0x0  }
0x2a4: {  	[sflag:s6] =	ssyncadd.s32 $0xFFFFE000  }
0x2a5: {  	_ =	swait.ge [sflag:s10], $0x2000  }
0x2a6: {  	p0 =	seq.s32 s20, $0x18;
	[sflag:s10] =	ssyncset.done $0x0  }
0x2a7: {  	s11 =	simm.s32 @!p0 $0x5;
	[sflag:s10] =	ssyncadd.s32 $0xFFFFE000  }
0x2a8: {  	_ =	swait.ge @!p0 [sflag:s11], $0x2000  }
0x2a9: {  	s23 =	sadd.s32 s5, s23;
	s15 =	simm.s32 @!p0 $0x7D00;
	[sflag:s11] =	ssyncset.done @!p0 $0x0  }
0x2aa: {  	s12 =	simm.s32 @!p0 $0x80;
	[sflag:s11] =	ssyncadd.s32 @!p0 $0xFFFFE000;
	s11 =	sadd.s32 @!p0 $0x100, s24  }
0x2ab: {  	[tilespmem:s15], [sflag:$0x1] =	stream.indirect.gather @!p0 [hbm4b:s7+s12], $0x40, s11, s12, $0xb8;
	[tilespmem:$0x18DC0] =	vst v63  }
0x2ac: {  	s25 =	sshrl.u32 s23, $0x4;
	s11 =	sadd.s32 @!p0 $0x6500, s24;
	s15 =	simm.s32 @!p0 $0xBD00  }
0x2ad: {  	[tilespmem:s15], [sflag:$0x3] =	stream.indirect.gather @!p0 [spmem:s3], $0x40, s11, s12, $0xb8;
	[tilespmem:$0x18DC0] =	vst v63  }
0x2ae: {  	s11 =	sand.u32 $0x7FFFFC0, s25  }
0x2af: {  	v3 =	vld [tilespmem:s11+$0x107C0]  }
0x2b0: {  	v2 =	vld [tilespmem:s11+$0x107D0]  }
0x2b1: {  	v1 =	vld [tilespmem:s11+$0x107E0]  }
0x2b2: {  	s24 =	simm.s32 $0x0;
	v0 =	vld [tilespmem:s11+$0x107F0]  }
0x2b3: {  	v10 =	vld [tilespmem:s24+$0x9D00]  }
0x2b4: {  	v15 =	vld [tilespmem:s24+$0x9D10]  }
0x2b5: {  	v8 =	vld [tilespmem:s24+$0x9D20]  }
0x2b6: {  	v9 =	vld [tilespmem:s24+$0x9D30]  }
0x2b7: {  	v7 =	vld [tilespmem:s24+$0x9D40]  }
0x2b8: {  	v6 =	vld [tilespmem:s24+$0x9D50]  }
0x2b9: {  	v5 =	vld [tilespmem:s24+$0x9D60]  }
0x2ba: {  	v4 =	vld [tilespmem:s24+$0x9D70]  }
0x2bb: {  	v14 =	vld [tilespmem:s24+$0xDD00]  }
0x2bc: {  	v13 =	vld [tilespmem:s24+$0xDD10]  }
0x2bd: {  	v12 =	vld [tilespmem:s24+$0xDD20]  }
0x2be: {  	v11 =	vld [tilespmem:s24+$0xDD30];
	v16 =	vmul.f32 $8.000000000e+00, v10  }
0x2bf: {  	s12 =	simm.s32 $0x200;
	v15 =	vmul.f32 $8.000000000e+00, v15;
	v10 =	vld [tilespmem:s24+$0xDD40]  }
.LBB2_19:
0x2c0: {  	p0 =	sne.s32 s12, $0x7E00;
	v14 =	vadd.f32 v14, v16;
	v8 =	vmul.f32 $8.000000000e+00, v8;
	v16 =	vld [tilespmem:s24+$0xDD50]  }
0x2c1: {  	v9 =	vmul.f32 $8.000000000e+00, v9;
	v13 =	vadd.f32 v13, v15;
	v15 =	vld [tilespmem:s24+$0xDD60]  }
0x2c2: {  	s11 =	sshra.s32 s12, $0x2;
	v7 =	vmul.f32 $8.000000000e+00, v7;
	v14 =	vadd.f32 v14, v3;
	v8 =	vadd.f32 v12, v8;
	v12 =	vld [tilespmem:s24+$0xDD70]  }
0x2c3: {  	v6 =	vmul.f32 $8.000000000e+00, v6;
	v17 =	vld [tilespmem:s11+$0x9D00];
	v13 =	vadd.f32 v13, v2;
	v9 =	vadd.f32 v11, v9  }
0x2c4: {  	v5 =	vmul.f32 $8.000000000e+00, v5;
	v18 =	vld [tilespmem:s11+$0x9D10];
	[tilespmem:s24+$0xDD00] =	vst v14;
	v11 =	vadd.f32 v8, v1;
	v7 =	vadd.f32 v10, v7  }
0x2c5: {  	v4 =	vmul.f32 $8.000000000e+00, v4;
	v8 =	vld [tilespmem:s11+$0x9D20];
	[tilespmem:s24+$0xDD10] =	vst v13;
	v10 =	vadd.f32 v9, v0;
	v6 =	vadd.f32 v16, v6  }
0x2c6: {  	v9 =	vld [tilespmem:s11+$0x9D30];
	[tilespmem:s24+$0xDD20] =	vst v11;
	v11 =	vadd.f32 v7, v3;
	v5 =	vadd.f32 v15, v5  }
0x2c7: {  	v7 =	vld [tilespmem:s11+$0x9D40];
	[tilespmem:s24+$0xDD30] =	vst v10;
	v10 =	vadd.f32 v6, v2;
	v4 =	vadd.f32 v12, v4  }
0x2c8: {  	v6 =	vld [tilespmem:s11+$0x9D50];
	[tilespmem:s24+$0xDD40] =	vst v11;
	v11 =	vadd.f32 v5, v1  }
0x2c9: {  	v5 =	vld [tilespmem:s11+$0x9D60];
	[tilespmem:s24+$0xDD50] =	vst v10;
	v10 =	vadd.f32 v4, v0  }
0x2ca: {  	v4 =	vld [tilespmem:s11+$0x9D70];
	[tilespmem:s24+$0xDD60] =	vst v11  }
.Ltmp8:
0x2cb: {  	v14 =	vld [tilespmem:s11+$0xDD00];
	[tilespmem:s24+$0xDD70] =	vst v10;
	s24 =	smov.u32 s11;
	(pc) =	sbr.rel @p0 .LBB2_19-.Ltmp8, $4  }
0x2cc: {  	v13 =	vld [tilespmem:s24+$0xDD10]  }
0x2cd: {  	v12 =	vld [tilespmem:s24+$0xDD20]  }
0x2ce: {  	v16 =	vmul.f32 $8.000000000e+00, v17;
	v11 =	vld [tilespmem:s24+$0xDD30]  }
0x2cf: {  	s12 =	sadd.s32 $0x200, s12;
	v15 =	vmul.f32 $8.000000000e+00, v18;
	v10 =	vld [tilespmem:s24+$0xDD40]  }
0x2d0: {  	v14 =	vadd.f32 v14, v16;
	v8 =	vmul.f32 $8.000000000e+00, v8;
	v57 =	vld [tilespmem:s24+$0xDD50]  }
0x2d1: {  	v9 =	vmul.f32 $8.000000000e+00, v9;
	v58 =	vld [tilespmem:s24+$0xDD60];
	v13 =	vadd.f32 v13, v15  }
0x2d2: {  	v7 =	vmul.f32 $8.000000000e+00, v7;
	v59 =	vld [tilespmem:s24+$0xDD70];
	v14 =	vadd.f32 v14, v3;
	v8 =	vadd.f32 v12, v8  }
0x2d3: {  	v6 =	vmul.f32 $8.000000000e+00, v6;
	v13 =	vadd.f32 v13, v2;
	v9 =	vadd.f32 v11, v9  }
0x2d4: {  	v5 =	vmul.f32 $8.000000000e+00, v5;
	[tilespmem:s24+$0xDD00] =	vst v14;
	v8 =	vadd.f32 v8, v1;
	v7 =	vadd.f32 v10, v7  }
0x2d5: {  	v4 =	vmul.f32 $8.000000000e+00, v4;
	[tilespmem:s24+$0xDD10] =	vst v13;
	v9 =	vadd.f32 v9, v0;
	v6 =	vadd.f32 v57, v6  }
0x2d6: {  	s20 =	sadd.s32 $0x1, s20;
	v5 =	vadd.f32 v58, v5;
	[tilespmem:s24+$0xDD20] =	vst v8;
	v60 =	vadd.f32 v7, v3  }
0x2d7: {  	p0 =	sne.s32 s20, $0x19;
	v4 =	vadd.f32 v59, v4;
	[tilespmem:s24+$0xDD30] =	vst v9;
	v61 =	vadd.f32 v6, v2  }
.Ltmp9:
0x2d8: {  	v62 =	vadd.f32 v5, v1;
	[tilespmem:s24+$0xDD40] =	vst v60;
	(pc) =	sbr.rel @p0 .LBB2_16-.Ltmp9, $4  }
0x2d9: {  	s11 =	sshll.u32 s23, $0x3;
	v63 =	vadd.f32 v4, v0;
	[tilespmem:s24+$0xDD50] =	vst v61  }
0x2da: {  	s11 =	sand.u32 $0x1FFFFC00, s11;
	[tilespmem:s24+$0xDD60] =	vst v62  }
0x2db: {  	s11 =	sadd.s32 s2, s11;
	[tilespmem:s24+$0xDD70] =	vst v63  }
0x2dc: {  	[hbm4b:s11+s4] =	stream.linear.scatter [tilespmem:s26], [sflag:$0x6], $0x2000, $0x38;
	[tilespmem:$0x18DC0] =	vst v63  }
0x2dd: {  	s11 =	simm.s32 $0x5  }
0x2de: {  	_ =	swait.ge [sflag:s11], $0x2000  }
0x2df: {  	[sflag:s11] =	ssyncset.done $0x0  }
0x2e0: {  	s12 =	simm.s32 $0x6;
	[sflag:s11] =	ssyncadd.s32 $0xFFFFE000  }
0x2e1: {  	_ =	swait.ge [sflag:s12], $0x2000  }
0x2e2: {  	s18 =	sadd.s32 $0x1, s18;
	s25 =	rddreg [dreg:$0xd]  }
0x2e3: {  	p0 =	sne.s32 s18, s25  }
.Ltmp10:
0x2e4: {  	_ = 	snop;
	(pc) =	sbr.rel @p0 .LBB2_1-.Ltmp10, $3  }
0x2e5: {  	_ =	sdelay $0x1  }
0x2e6: {  	[sflag:s12] =	ssyncset.done $0x0  }
0x2e7: {  	[sflag:s12] =	ssyncadd.s32 $0xFFFFE000  }
0x2e8: {  	_ =	sfence.sel $0x180000  }
0x2e9: {  	[bflag:$0x0] =	sbarrier.arrive $0xFFFF  }
0x2ea: {  	_ =	strace $0x90000047  }
0x2eb: {  	s0 =	stileid.u32;
	[bflag:$0x2] =	sbarrier.arrive $0xFFFF  }
0x2ec: {  	p0 =	sne.s32 s0, $0x0;
	s0 =	rddreg [dreg:$0x3]  }
0x2ed: {  	s0 =	sadd.s32 @!p0 $0x100000, s0  }
0x2ee: {  	[sflag:s0] =	ssyncadd.tile.s32 @!p0 $0x1;
	_ =	shalt  }
.Lfunc_end2:
_tile_overlayer_lowered:
.L_overlay_start_2:
0x2ef: {  	(tag) =	ssettag $0x2  }
0x2f0: {  	s0 =	rddreg [dreg:$0x0];
	s2 =	stileid.u32  }
0x2f1: {  	s1 =	rddreg [dreg:$0x1];
	p0 =	sne.s32 s2, $0x0  }
0x2f2: {  	s3 =	rddreg [dreg:$0x2];
	[bflag:$0x3] =	sbarrier.arrive $0xFFFF;
	s2 =	simm.s32 @!p0 $0x1C07  }
0x2f3: {  	[timem:s3], [sflag:s2] =	dma.local @!p0 [hbm:s0], s1  }
0x2f4: {  	s0 =	simm.s32 @!p0 $0x7  }
0x2f5: {  	_ =	swait.ge @!p0 [sflag:s0], s1  }
0x2f6: {  	s1 =	ssub.s32 @!p0 $0x0, s1;
	[sflag:s0] =	ssyncset.done @!p0 $0x0  }
0x2f7: {  	[sflag:s0] =	ssyncadd.s32 @!p0 s1  }
0x2f8: {  	[bflag:$0x3] =	sbarrier.arrive $0xFFFF  }
0x2f9: {  	_ =	shalt  }

// kernel: sparse-core-data-format-call.cloned.1.call-start
scs
called_computation_lowered:
.L_overlay_start_0:
0x0: {  	s2 =	sld [smem:$0x3FD9]  }
0x1: {  	s3 =	sld [smem:$0x3FFE];
	_ =	sdelay $0x1  }
0x2: {  	s1 =	srdreg.scid  }
0x3: {  	s0 =	sand.u32 $0x1, s1  }
0x4: {  	s18 =	sshll.u32 s0, $0xA;
	s2 =	sadd.s32 s3, s2  }
0x5: {  	s2 =	sadd.s32 s2, s18  }
0x6: {  	[smem:$0x3FBF] =	sst s2  }
0x7: {  	_ = 	snop  }
0x8: {  	s2 =	sld [smem:$0x3FD0];
	(tm) =	ssettm $0x1  }
0x9: {  	s19 =	sld [smem:$0x3FFB];
	_ =	sdelay $0x3  }
0xa: {  	_ =	strace s19  }
0xb: {  	s3 =	sld [smem:$0x3FFC];
	_ =	sdelay $0x3  }
0xc: {  	_ =	strace s3  }
0xd: {  	s3 =	sld [smem:$0x3FFD];
	_ =	sdelay $0x3  }
0xe: {  	_ =	strace s3  }
0xf: {  	_ =	strace $0x8FFFFFFF  }
0x10: {  	s20 =	sld [smem:$0x3FDB];
	_ =	sdelay $0x1  }
0x11: {  	s4 =	simm.s32 $_scs_section_size  }
0x12: {  	s5 =	simm.s32 $_size__tile_overlayer_lowered;
	s6 =	simm.s32 $_tile_overlayer_lowered  }
0x13: {  	s23 =	simm.s32 $0x1BFF;
	s22 =	sshll.u32 s6, $0x1;
	s3 =	sadd.s32 s4, s20  }
0x14: {  	s7 =	simm.s32 $0x0;
	s21 =	sshll.u32 s5, $0x1;
	s5 =	sadd.s32 s22, s3  }
0x15: {  	[timem:s7], [sflag:s23] =	dma.local [hbm:s5], s21  }
0x16: {  	_ =	swait.ge [sflag:s23], s21  }
0x17: {  	s4 =	ssub.s32 $0x0, s21;
	[sflag:s23] =	ssyncset.done $0x0  }
0x18: {  	[sflag:s23] =	ssyncadd.s32 s4;
	_ =	sdelay $0x1  }
0x19: {  	s24 =	simm.s32 $0x1B8B  }
0x1a: {  	_ =	swait.ge [sflag:s24], $0x1  }
0x1b: {  	[sflag:s24] =	ssyncset.done $0x0  }
0x1c: {  	s26 =	simm.s32 $0x1B8E;
	s25 =	sld [smem:$0x3FFE];
	[sflag:s24] =	ssyncadd.s32 $0xFFFFFFFF  }
0x1d: {  	s27 =	simm.s32 $execute0_lowered;
	[smem:$0x3FD2] =	sst s26  }
0x1e: {  	s5 =	sshll.u32 s27, $0x1;
	_ =	strace $0x80000049;
	[dreg:$0x1] =	wrdreg $0xFFFFFFFF  }
0x1f: {  	s28 =	simm.s32 $_size_execute0_lowered;
	s3 =	sadd.s32 s3, s5;
	[dreg:$0x0] =	wrdreg $0x0  }
0x20: {  	s5 =	sshll.u32 s28, $0x1;
	[dreg:$0x2] =	wrdreg s3  }
0x21: {  	[dreg:$0x3] =	wrdreg s5  }
0x22: {  	[dreg:$0x4] =	wrdreg $0xC0  }
0x23: {  	_ =	task [dreg:s7], $0x5FFFF  }
0x24: {  	[dreg:$0x1] =	wrdreg $0xFFFFFFFF  }
0x25: {  	[dreg:$0x0] =	wrdreg $0x60  }
0x26: {  	[dreg:$0x2] =	wrdreg s25  }
0x27: {  	[dreg:$0x3] =	wrdreg s2  }
0x28: {  	[dreg:$0x4] =	wrdreg $0x9  }
0x29: {  	_ =	task.clear_ibuf [dreg:s7], $0x5FFFF;
	_ =	strace $0x90000049  }
0x2a: {  	s29 =	simm.s32 $0x9;
	_ =	strace $0x8000004B  }
0x2b: {  	_ =	swait.ge [sflag:s29], $0x1  }
0x2c: {  	[sflag:s29] =	ssyncadd.s32 $0xFFFFFFFF  }
0x2d: {  	_ =	strace $0x9000004B  }
0x2e: {  	_ =	sfence  }
0x2f: {  	s30 =	sld [smem:$0x0];
	_ =	sdelay $0x2  }
0x30: {  	s31 =	sshll.u32 s1, $0xD;
	s1 =	sshrl.u32 s1, $0x2  }
0x31: {  	s3 =	sand.u32 $0x4000, s31;
	s1 =	sadd.s32 s1, s30  }
0x32: {  	s0 =	sor.u32 s3, s0;
	s1 =	sshll.u32 s1, $0x11  }
0x33: {  	s0 =	sor.u32 s1, s0  }
0x34: {  	s0 =	sadd.s32 $0x8F2B, s0  }
0x35: {  	[sflag:s0] =	ssyncadd.remote.s32 $0x1  }
0x36: {  	_ =	sfence.sel $0xFFFF  }
0x37: {  	[dreg:$0x0] =	wrdreg $0xFFFFFFFF;
	(pc) =	sbr.abs _section_cstart, $3  }
0x38: {  	[dreg:$0x1] =	wrdreg $0xFFFFFFFF  }
0x39: {  	_ =	task.clear_ibuf [dreg:s7], $0x2FFFF;
	_ =	strace $0x9FFFFFFF  }
0x3a: {  	(tm) =	ssettm $0x7FFFFFFF  }
0x3b: {  	_ =	shalt  }
tec
execute0_lowered:
.L_overlay_start_1:
0x0: {  	(tag) =	ssettag $0x1  }
0x1: {  	s7 =	rddreg [dreg:$0x0]  }
0x2: {  	s2 =	rddreg [dreg:$0x1]  }
0x3: {  	s0 =	stileid.u32;
	s1 =	srdreg.scid;
	s31 =	simm.s32 $0x2  }
0x4: {  	s14 =	simm.s32 $0x0;
	s15 =	simm.s32 $0x0;
	s13 =	simm.s32 $0x0  }
0x5: {  	s3 =	sshll.u32 s0, $0x5;
	s4 =	sshll.u32 s1, $0x9;
	s5 =	sshll.u32 s0, $0x1  }
0x6: {  	s1 =	rddreg [dreg:$0x2];
	s4 =	sor.u32 s3, s4;
	s3 =	sand.u32 $0x6, s5  }
0x7: {  	_ =	strace $0x8000004A;
	s4 =	sand.u32 $0x380, s4;
	s5 =	ssub.s32 $0xC8, s3  }
0x8: {  	s12 =	smov.u32 s3;
	s8 =	sshll.u32 s4, $0x4;
	s6 =	sand.u32 $0x6, s5  }
0x9: {  	s9 =	ssub.s32 $0x400, s4;
	s11 =	sshrl.u32 s5, $0x3;
	s5 =	simm.s32 $0x1  }
0xa: {  	p0 =	sne.s32 s6, $0x0;
	s6 =	simm.s32 $0x1;
	s10 =	sand.u32 $0x380, s9  }
0xb: {  	s6 =	simm.s32 @!p0 $0x0;
	p0 =	sne.s32 s10, $0x0;
	s10 =	simm.s32 $0x1  }
.Ltmp0:
0xc: {  	s9 =	sshrl.u32 s9, $0xA;
	s10 =	simm.s32 @!p0 $0x0;
	(pc) =	sbr.rel .LBB1_1-.Ltmp0, $4  }
0xd: {  	[sflag:s5] =	ssyncpa.u1 $0x0;
	s6 =	sadd.s32 s6, s11;
	s9 =	sadd.s32 s10, s9  }
0xe: {  	s8 =	sadd.s32 s8, s7;
	[sflag:s31] =	ssyncpa.u1 $0x0;
	s6 =	smul.u32 s6, s9  }
0xf: {  	s7 =	sadd.s32 $0x1A00, s8;
	s8 =	sadd.s32 $0x5A00, s8;
	p0 =	por $0x0, $0x0  }
0x10: {  	s11 =	simm.s32 $0x2000;
	s10 =	simm.s32 $0x400;
	s9 =	sadd.s32 $0x1, s6  }
.LBB1_7:
0x11: {  	s16 =	sadd.s32 $0x8, s12  }
0x12: {  	p2 =	sgt.s32 s16, $0xC7  }
0x13: {  	s16 =	smov.u32 @p2 s3;
	p2 =	sne.s32 s13, s9  }
.Ltmp1:
0x14: {  	p1 =	slt.u32 s13, $0x2;
	(pc) =	sbr.rel @!p2 .LBB1_8-.Ltmp1, $4  }
0x15: {  	s14 =	simm.s32 @!p1 $0x2  }
0x16: {  	s17 =	sadd.s32 $0x1, s13;
	s15 =	smov.u32 s12;
	_ =	swait.ge @!p1 [sflag:s14], $0x4000  }
0x17: {  	p0 =	por !p0, !p0;
	s13 =	smov.u32 s17;
	[sflag:s14] =	ssyncset.done @!p1 $0x0  }
0x18: {  	s12 =	smov.u32 s16;
	[sflag:s14] =	ssyncadd.s32 @!p1 $0xFFFFC000;
	s14 =	smov.u32 s4  }
.LBB1_1:
0x19: {  	p1 =	sge.u32 s13, s6  }
0x1a: {  	s16 =	sxor.u32 @!p1 $0xFFFFFFFF, s13  }
0x1b: {  	s17 =	sshll.u32 @!p1 s12, $0xE;
	s19 =	simm.s32 @!p1 $0x40;
	s16 =	sshll.u32 @!p1 s16, $0xE  }
0x1c: {  	s20 =	simm.s32 @!p1 $0x80;
	s18 =	sadd.s32 @!p1 s17, s7;
	s16 =	sand.u32 @!p1 $0x4000, s16  }
0x1d: {  	[tilespmem:s16], [sflag:$0x1] =	stream.strided.gather @!p1 [hbm4b:s18+s19], $0x2000, s20, s19, $0x38;
	[tilespmem:$0x10100] =	vst v63  }
0x1e: {  	s31 =	sadd.s32 $0xFFFFFFFF, s13;
	s17 =	sadd.s32 @!p1 s17, s8;
	s16 =	sor.u32 @!p1 $0x2000, s16  }
0x1f: {  	[tilespmem:s16], [sflag:$0x1] =	stream.strided.gather @!p1 [hbm4b:s17+s19], $0x2000, s20, s19, $0x38;
	[tilespmem:$0x10100] =	vst v63  }
0x20: {  	p1 =	sge.u32 s31, s6  }
.Ltmp2:
0x21: {  	_ = 	snop;
	(pc) =	sbr.rel @p1 .LBB1_7-.Ltmp2, $1  }
0x22: {  	_ =	sdelay $0x3  }
0x23: {  	s16 =	simm.s32 $0x1;
	s18 =	sand.u32 $0x1, s13  }
0x24: {  	_ =	swait.ge [sflag:s5], $0x4000;
	s16 =	simm.s32 @!p0 $0x0;
	s18 =	smul.u32 $0x10200, s18  }
0x25: {  	p2 =	por $0x1, $0x1;
	[sflag:s5] =	ssyncset.done $0x0;
	s17 =	smul.u32 $0x10200, s16  }
0x26: {  	s19 =	sshll.u32 s16, $0x10;
	[sflag:s5] =	ssyncadd.s32 $0xFFFFC000;
	s30 =	sshrl.u32 s18, $0x2  }
0x27: {  	s31 =	sshrl.u32 s19, $0x2;
	s19 =	simm.s32 $0x0;
	s17 =	sshrl.u32 s17, $0x2  }
0x28: {  	s16 =	sor.u32 $0x8000, s30;
	s18 =	sadd.s32 $0x20, s31;
	s17 =	sor.u32 $0x8000, s17  }
.LBB1_3:
0x29: {  	s20 =	sshll.u32 s19, $0xD  }
0x2a: {  	s20 =	sand.u32 $0x3FFFE000, s20  }
0x2b: {  	s22 =	sadd.s32 s20, s18  }
0x2c: {  	s31 =	smul.u32 $0x8100, s19;
	v3 =	vld [tilespmem:s22+$0x10]  }
0x2d: {  	v1 =	vld [tilespmem:s22+$0xFFFFFFF0]  }
0x2e: {  	s19 =	sshra.s32 s31, $0x2;
	v0 =	vld [tilespmem:s22+$0x0]  }
0x2f: {  	s19 =	sadd.s32 s19, s17;
	v2 =	vld [tilespmem:s22+$0xFFFFFFE0]  }
0x30: {  	s20 =	sadd.s32 $0x0, s19  }
0x31: {  	p1 =	por p2, p2;
	s21 =	simm.s32 $0x4;
	s22 =	sadd.s32 $0x40, s22;
	[tilespmem:s20+$0x1830 ss:$0x81] =	vst.msk $0xffff, v3  }
.LBB1_4:
0x32: {  	v3 =	vld [tilespmem:s22+$0x10];
	p2 =	sne.s32 s21, $0x1FC;
	[tilespmem:s20+$0x810 ss:$0x81] =	vst.msk $0xffff, v1;
	s23 =	smov.u32 s21;
	s21 =	sadd.s32 $0x4, s21  }
.Ltmp3:
0x33: {  	v1 =	vld [tilespmem:s22+$0xFFFFFFF0];
	[tilespmem:s20+$0x1020 ss:$0x81] =	vst.msk $0xffff, v0;
	(pc) =	sbr.rel @p2 .LBB1_4-.Ltmp3, $4  }
0x34: {  	v0 =	vld [tilespmem:s22+$0x0];
	[tilespmem:s20+$0x0 ss:$0x81] =	vst.msk $0xffff, v2  }
0x35: {  	s20 =	sshra.s32 s23, $0x2;
	v2 =	vld [tilespmem:s22+$0xFFFFFFE0]  }
0x36: {  	s20 =	sadd.s32 s20, s19  }
0x37: {  	s22 =	sadd.s32 $0x40, s22;
	[tilespmem:s20+$0x1830 ss:$0x81] =	vst.msk $0xffff, v3  }
.Ltmp4:
0x38: {  	(pc) =	sbr.rel @p1 .LBB1_3-.Ltmp4, $4  }
0x39: {  	_ = 	snop  }
0x3a: {  	[tilespmem:s20+$0x810 ss:$0x81] =	vst.msk $0xffff, v1  }
0x3b: {  	[tilespmem:s20+$0x1020 ss:$0x81] =	vst.msk $0xffff, v0  }
0x3c: {  	s19 =	simm.s32 $0x1;
	p2 =	por $0x0, $0x0;
	[tilespmem:s20+$0x0 ss:$0x81] =	vst.msk $0xffff, v2  }
.Ltmp5:
0x3d: {  	(pc) =	sbr.rel .LBB1_7-.Ltmp5, $4  }
0x3e: {  	_ = 	snop  }
0x3f: {  	s15 =	sshll.u32 s15, $0xD;
	s14 =	sadd.s32 s2, s14  }
0x40: {  	s14 =	sadd.s32 s15, s14  }
0x41: {  	[hbm4b:s14+s10] =	stream.strided.scatter [tilespmem:s16], [sflag:$0x2], $0x4000, s11, s10, $0x20;
	[tilespmem:$0x10100] =	vst v63  }
.LBB1_8:
0x42: {  	_ =	sfence.sel $0x180000  }
0x43: {  	s2 =	simm.s32 $0x1;
	[bflag:$0x0] =	sbarrier.arrive $0xFFFF  }
0x44: {  	s31 =	simm.s32 $0x2;
	[sflag:s2] =	ssyncpa.u1 $0x1  }
0x45: {  	[sflag:s31] =	ssyncpa.u1 $0x1  }
0x46: {  	p0 =	sne.s32 s0, $0x0;
	_ =	strace $0x9000004A  }
0x47: {  	s0 =	sadd.s32 @!p0 $0x100000, s1;
	[bflag:$0x2] =	sbarrier.arrive $0xFFFF  }
0x48: {  	[sflag:s0] =	ssyncadd.tile.s32 @!p0 $0x1;
	_ =	shalt  }
.Lfunc_end1:
_tile_overlayer_lowered:
.L_overlay_start_2:
0x49: {  	(tag) =	ssettag $0x2  }
0x4a: {  	s0 =	rddreg [dreg:$0x0];
	s2 =	stileid.u32  }
0x4b: {  	s1 =	rddreg [dreg:$0x1];
	p0 =	sne.s32 s2, $0x0  }
0x4c: {  	s3 =	rddreg [dreg:$0x2];
	[bflag:$0x3] =	sbarrier.arrive $0xFFFF;
	s2 =	simm.s32 @!p0 $0x1C01  }
0x4d: {  	[timem:s3], [sflag:s2] =	dma.local @!p0 [hbm:s0], s1  }
0x4e: {  	s0 =	simm.s32 @!p0 $0x1  }
0x4f: {  	_ =	swait.ge @!p0 [sflag:s0], s1  }
0x50: {  	s1 =	ssub.s32 @!p0 $0x0, s1;
	[sflag:s0] =	ssyncset.done @!p0 $0x0  }
0x51: {  	[sflag:s0] =	ssyncadd.s32 @!p0 s1  }
0x52: {  	[bflag:$0x3] =	sbarrier.arrive $0xFFFF  }
0x53: {  	_ =	shalt  }

</sc_bundles>
